<compile_context>
chip_gen: v7x
topology: tpu7x:2x2x1
jax: 0.10.2.dev20260603
libtpu: 0.0.44.dev20260713+nightly
codegen_flags: <defaults>
</compile_context>

<pallas_src>
import functools

import jax
import jax.numpy as jnp
from jax import lax
from jax.experimental import pallas as pl
from jax.experimental.pallas import tpu as pltpu
from jax.experimental.pallas import tpu_sc as plsc

BATCH = 4096
SEQ = 200
DIM = 64
VOCAB = 1000000
N = BATCH * SEQ
LANES = 16
GRP = DIM // LANES

P2 = 524288
TW = 16384
TGRID = P2 // TW
NBOFF = P2 // TW

NC = 2
NS = 16
NW = NC * NS
BBLK = BATCH // NW
DT = DIM // 8

_mesh = plsc.VectorSubcoreMesh(
    core_axis_name="c", subcore_axis_name="s", num_cores=NC, num_subcores=NS
)


def _detile_body(in_a, in_b, out_ref):
    out_ref[:, 0:DIM] = in_a[...].T
    out_ref[:, DIM:128] = in_b[...].T


_detile_tc = pl.pallas_call(
    _detile_body,
    grid=(TGRID,),
    in_specs=[
        pl.BlockSpec((DIM, TW), lambda i: (0, i)),
        pl.BlockSpec((DIM, TW), lambda i: (0, jnp.minimum(i + NBOFF, VOCAB // TW))),
    ],
    out_specs=pl.BlockSpec((TW, 128), lambda i: (i, 0)),
    out_shape=jax.ShapeDtypeStruct((P2, 128), jnp.float32),
    compiler_params=pltpu.CompilerParams(vmem_limit_bytes=100 * 2**20),
)


@functools.partial(
    pl.kernel,
    out_type=jax.ShapeDtypeStruct((SEQ, DT, NW, 8, 128), jnp.float32),
    mesh=_mesh,
    compiler_params=pltpu.CompilerParams(
        use_tc_tiling_on_sc=False, needs_layout_passes=False
    ),
    scratch_types=[
        pltpu.VMEM((SEQ, BBLK), jnp.int32),
        [pltpu.VMEM((BBLK, DIM), jnp.float32) for _ in range(4)],
        [pltpu.VMEM((DT, 8, 129), jnp.float32) for _ in range(4)],
        pltpu.VMEM((SEQ, DIM), jnp.float32),
        [pltpu.SemaphoreType.DMA for _ in range(4)],
        [pltpu.SemaphoreType.DMA for _ in range(4)],
    ],
)
def _emb_sc(idx_hbm, tab_hbm, pos_hbm, out_hbm,
            idx_v, rows, tt, pos_v, sem_g, sem_s):
    wid = lax.axis_index("s") * NC + lax.axis_index("c")

    pltpu.sync_copy(pos_hbm, pos_v)
    pltpu.sync_copy(idx_hbm.at[wid], idx_v)

    dd = [jnp.arange(LANES, dtype=jnp.int32) + c * LANES for c in range(GRP)]
    dtv = [d >> 3 for d in dd]
    drv = [d & 7 for d in dd]

    def fire_gather(s, rows_ref, sem):
        pltpu.async_copy(tab_hbm.at[idx_v.at[s]], rows_ref, sem)

    def drain_gather(rows_ref, sem):
        pltpu.make_async_copy(tab_hbm.at[pl.ds(0, BBLK)], rows_ref, sem).wait()

    def fire_store(s, t_ref, sem):
        pltpu.async_copy(
            t_ref.at[:, :, pl.ds(0, 128)],
            out_hbm.at[s].at[pl.ds(0, DT), wid],
            sem,
        )

    def drain_store(q, sem):
        pltpu.make_async_copy(tab_hbm.at[pl.ds(0, BBLK)], rows[q], sem).wait()

    def transpose_add(s, rows_ref, t_ref):
        pv = [pos_v[s, pl.ds(c * LANES, LANES)] for c in range(GRP)]

        @plsc.parallel_loop(0, BBLK, step=1, unroll=8)
        def _(bl):
            blv = jnp.broadcast_to(bl, (LANES,)).astype(jnp.int32)
            for c in range(GRP):
                vals = rows_ref[bl, pl.ds(c * LANES, LANES)] + pv[c]
                plsc.store_scatter(t_ref, [dtv[c], drv[c], blv], vals)

    for q in range(3):
        fire_gather(q, rows[q], sem_g[q])

    def quad_body(t, _):
        for q in range(4):
            s = 4 * t + q
            nxt = (q + 3) % 4
            if q == 0:
                fire_gather(s + 3, rows[nxt], sem_g[nxt])
            else:
                @pl.when(t < SEQ // 4 - 1)
                def _():
                    fire_gather(s + 3, rows[nxt], sem_g[nxt])

            drain_gather(rows[q], sem_g[q])

            @pl.when(t > 0)
            def _():
                drain_store(q, sem_s[q])

            transpose_add(s, rows[q], tt[q])
            fire_store(s, tt[q], sem_s[q])
        return 0

    lax.fori_loop(0, SEQ // 4, quad_body, 0)
    for q in range(4):
        drain_store(q, sem_s[q])


def kernel(words, word_table, pos_table):
    wt_t = word_table.T
    tab128 = _detile_tc(wt_t, wt_t)
    tab_lin = tab128.reshape(2 * P2, DIM)

    w = words.astype(jnp.int32)
    g = ((w & (P2 - 1)) << 1) | (w >> 19)
    idx3 = g.T.reshape(SEQ, NW, BBLK).transpose(1, 0, 2)

    out5 = _emb_sc(idx3, tab_lin, pos_table)
    return out5.transpose(2, 4, 0, 1, 3).reshape(BATCH, SEQ, DIM)

# --- scband reference (transcript-rebuilt; emitter-appended) ---
"""Pipeline reference for scband-word-embedding-32487132627410 (READ-ONLY COPY).

The authoritative reference and input builder live on the scoring server;
editing this copy changes nothing except your own understanding.
"""

import jax, jax.numpy as jnp
import numpy as np

VOCAB = 1000000
SEQ = 200
DIM = 64
BATCH = 4096

def setup_inputs(seed: int = 0) -> dict:
    key = jax.random.key(seed)
    k1, k2, k3 = jax.random.split(key, 3)
    words = jax.random.randint(k1, (BATCH, SEQ), 0, VOCAB)
    word_table = jax.random.normal(k2, (VOCAB, DIM), dtype=jnp.float32) * 0.02
    pos_table = jax.random.normal(k3, (SEQ, DIM), dtype=jnp.float32) * 0.02
    return {"words": words, "word_table": word_table, "pos_table": pos_table}

def reference(words, word_table, pos_table):
    # WordEmbedding.call: word embedding gather + positional embedding gather, summed
    max_length = words.shape[-1]
    char_positions = jnp.arange(max_length)
    word_embedding = jnp.take(word_table, words, axis=0)          # [B, S, D]
    positional_embedding = jnp.take(pos_table, char_positions, axis=0)  # [S, D]
    return word_embedding + positional_embedding

if __name__ == "__main__":
    import jax
    _d = setup_inputs()
    print(jax.jit(kernel)(*tuple(_d.values())))

</pallas_src>

<mosaic_0001>
#map = affine_map<(d0, d1) -> (0, 0, 0)>
#map1 = affine_map<(d0, d1) -> (0, 0)>
#map2 = affine_map<(d0, d1) -> (0, 0, 0, 0, 0)>
module attributes {stable_mosaic.version = 14 : i64} {
  func.func @_emb_sc(%arg0: i32, %arg1: i32, %arg2: memref<32x200x128xi32, #tpu.memory_space<hbm>>, %arg3: memref<1048576x64xf32, #tpu.memory_space<hbm>>, %arg4: memref<200x64xf32, #tpu.memory_space<hbm>>, %arg5: memref<200x8x32x8x128xf32, #tpu.memory_space<hbm>>, %arg6: memref<200x128xi32, #tpu.memory_space<vmem>>, %arg7: memref<128x64xf32, #tpu.memory_space<vmem>>, %arg8: memref<128x64xf32, #tpu.memory_space<vmem>>, %arg9: memref<128x64xf32, #tpu.memory_space<vmem>>, %arg10: memref<128x64xf32, #tpu.memory_space<vmem>>, %arg11: memref<8x8x129xf32, #tpu.memory_space<vmem>>, %arg12: memref<8x8x129xf32, #tpu.memory_space<vmem>>, %arg13: memref<8x8x129xf32, #tpu.memory_space<vmem>>, %arg14: memref<8x8x129xf32, #tpu.memory_space<vmem>>, %arg15: memref<200x64xf32, #tpu.memory_space<vmem>>, %arg16: memref<!tpu.dma_semaphore, #tpu.memory_space<semaphore_mem>>, %arg17: memref<!tpu.dma_semaphore, #tpu.memory_space<semaphore_mem>>, %arg18: memref<!tpu.dma_semaphore, #tpu.memory_space<semaphore_mem>>, %arg19: memref<!tpu.dma_semaphore, #tpu.memory_space<semaphore_mem>>, %arg20: memref<!tpu.dma_semaphore, #tpu.memory_space<semaphore_mem>>, %arg21: memref<!tpu.dma_semaphore, #tpu.memory_space<semaphore_mem>>, %arg22: memref<!tpu.dma_semaphore, #tpu.memory_space<semaphore_mem>>, %arg23: memref<!tpu.dma_semaphore, #tpu.memory_space<semaphore_mem>>) attributes {dimension_semantics = [#tpu.dimension_semantics<core_parallel>, #tpu.dimension_semantics<subcore_parallel>], iteration_bounds = array<i64: 2, 16>, scalar_prefetch = 0 : i64, scratch_operands = 18 : i64, tpu.core_type = #tpu.core_type<sc_vector_subcore>, window_params = [{transform_indices = #map}, {transform_indices = #map1}, {transform_indices = #map1}, {transform_indices = #map2}]} {
    %mul3A = arith.constant 2 : i32
    %mul3A_0 = arith.muli %arg1, %mul3A : i32
    %add3A = arith.addi %mul3A_0, %arg0 : i32
    "tpu.region"() ({
      %run_scoped3A = tpu.sem_alloc : memref<!tpu.dma_semaphore, #tpu.memory_space<semaphore_mem>>
      tpu.enqueue_dma source(%arg4 : memref<200x64xf32, #tpu.memory_space<hbm>>) target(%arg15 : memref<200x64xf32, #tpu.memory_space<vmem>>) target_semaphore(%run_scoped3A : memref<!tpu.dma_semaphore, #tpu.memory_space<semaphore_mem>>)
      tpu.wait_dma2 semaphore(%run_scoped3A : memref<!tpu.dma_semaphore, #tpu.memory_space<semaphore_mem>>) src(%arg4 : memref<200x64xf32, #tpu.memory_space<hbm>>) dst(%arg15 : memref<200x64xf32, #tpu.memory_space<vmem>>)
      tpu.yield
    }) : () -> ()
    "tpu.region"() ({
      %run_scoped3A = tpu.sem_alloc : memref<!tpu.dma_semaphore, #tpu.memory_space<semaphore_mem>>
      %dma_start3A_87 = arith.constant 0 : i32
      %dma_start3A_88 = arith.constant 0 : i32
      %dma_start3A_89 = tpu.memref_slice %arg2[%add3A, %dma_start3A_87, %dma_start3A_88] : memref<32x200x128xi32, #tpu.memory_space<hbm>> -> memref<1x200x128xi32, #tpu.memory_space<hbm>>
      %dma_start3A_90 = tpu.memref_squeeze %dma_start3A_89 : memref<1x200x128xi32, #tpu.memory_space<hbm>> -> memref<200x128xi32, #tpu.memory_space<hbm>>
      %dma_start3A_91 = arith.constant 0 : i32
      %dma_start3A_92 = arith.constant 0 : i32
      %dma_start3A_93 = tpu.memref_slice %arg2[%add3A, %dma_start3A_91, %dma_start3A_92] : memref<32x200x128xi32, #tpu.memory_space<hbm>> -> memref<1x200x128xi32, #tpu.memory_space<hbm>>
      %dma_start3A_94 = tpu.memref_squeeze %dma_start3A_93 : memref<1x200x128xi32, #tpu.memory_space<hbm>> -> memref<200x128xi32, #tpu.memory_space<hbm>>
      tpu.enqueue_dma source(%dma_start3A_94 : memref<200x128xi32, #tpu.memory_space<hbm>>) target(%arg6 : memref<200x128xi32, #tpu.memory_space<vmem>>) target_semaphore(%run_scoped3A : memref<!tpu.dma_semaphore, #tpu.memory_space<semaphore_mem>>)
      %dma_wait3A_95 = arith.constant 0 : i32
      %dma_wait3A_96 = arith.constant 0 : i32
      %dma_wait3A_97 = tpu.memref_slice %arg2[%add3A, %dma_wait3A_95, %dma_wait3A_96] : memref<32x200x128xi32, #tpu.memory_space<hbm>> -> memref<1x200x128xi32, #tpu.memory_space<hbm>>
      %dma_wait3A_98 = tpu.memref_squeeze %dma_wait3A_97 : memref<1x200x128xi32, #tpu.memory_space<hbm>> -> memref<200x128xi32, #tpu.memory_space<hbm>>
      %dma_wait3A_99 = arith.constant 0 : i32
      %dma_wait3A_100 = arith.constant 0 : i32
      %dma_wait3A_101 = tpu.memref_slice %arg2[%add3A, %dma_wait3A_99, %dma_wait3A_100] : memref<32x200x128xi32, #tpu.memory_space<hbm>> -> memref<1x200x128xi32, #tpu.memory_space<hbm>>
      %dma_wait3A_102 = tpu.memref_squeeze %dma_wait3A_101 : memref<1x200x128xi32, #tpu.memory_space<hbm>> -> memref<200x128xi32, #tpu.memory_space<hbm>>
      tpu.wait_dma2 semaphore(%run_scoped3A : memref<!tpu.dma_semaphore, #tpu.memory_space<semaphore_mem>>) src(%dma_wait3A_102 : memref<200x128xi32, #tpu.memory_space<hbm>>) dst(%arg6 : memref<200x128xi32, #tpu.memory_space<vmem>>)
      tpu.yield
    }) : () -> ()
    %iota3A = tpu.iota {dimensions = array<i32: 0>} : vector<16xi32>
    %add3A_1 = arith.constant 0 : i32
    %add3A_2 = vector.broadcast %add3A_1 : i32 to vector<16xi32>
    %add3A_3 = arith.addi %iota3A, %add3A_2 : vector<16xi32>
    %iota3A_4 = tpu.iota {dimensions = array<i32: 0>} : vector<16xi32>
    %add3A_5 = arith.constant 16 : i32
    %add3A_6 = vector.broadcast %add3A_5 : i32 to vector<16xi32>
    %add3A_7 = arith.addi %iota3A_4, %add3A_6 : vector<16xi32>
    %iota3A_8 = tpu.iota {dimensions = array<i32: 0>} : vector<16xi32>
    %add3A_9 = arith.constant 32 : i32
    %add3A_10 = vector.broadcast %add3A_9 : i32 to vector<16xi32>
    %add3A_11 = arith.addi %iota3A_8, %add3A_10 : vector<16xi32>
    %iota3A_12 = tpu.iota {dimensions = array<i32: 0>} : vector<16xi32>
    %add3A_13 = arith.constant 48 : i32
    %add3A_14 = vector.broadcast %add3A_13 : i32 to vector<16xi32>
    %add3A_15 = arith.addi %iota3A_12, %add3A_14 : vector<16xi32>
    %shift_right_arithmetic3A = arith.constant 3 : i32
    %shift_right_arithmetic3A_16 = vector.broadcast %shift_right_arithmetic3A : i32 to vector<16xi32>
    %shift_right_arithmetic3A_17 = arith.shrsi %add3A_3, %shift_right_arithmetic3A_16 : vector<16xi32>
    %shift_right_arithmetic3A_18 = arith.constant 3 : i32
    %shift_right_arithmetic3A_19 = vector.broadcast %shift_right_arithmetic3A_18 : i32 to vector<16xi32>
    %shift_right_arithmetic3A_20 = arith.shrsi %add3A_7, %shift_right_arithmetic3A_19 : vector<16xi32>
    %shift_right_arithmetic3A_21 = arith.constant 3 : i32
    %shift_right_arithmetic3A_22 = vector.broadcast %shift_right_arithmetic3A_21 : i32 to vector<16xi32>
    %shift_right_arithmetic3A_23 = arith.shrsi %add3A_11, %shift_right_arithmetic3A_22 : vector<16xi32>
    %shift_right_arithmetic3A_24 = arith.constant 3 : i32
    %shift_right_arithmetic3A_25 = vector.broadcast %shift_right_arithmetic3A_24 : i32 to vector<16xi32>
    %shift_right_arithmetic3A_26 = arith.shrsi %add3A_15, %shift_right_arithmetic3A_25 : vector<16xi32>
    %and3A = arith.constant 7 : i32
    %and3A_27 = vector.broadcast %and3A : i32 to vector<16xi32>
    %and3A_28 = arith.andi %add3A_3, %and3A_27 : vector<16xi32>
    %and3A_29 = arith.constant 7 : i32
    %and3A_30 = vector.broadcast %and3A_29 : i32 to vector<16xi32>
    %and3A_31 = arith.andi %add3A_7, %and3A_30 : vector<16xi32>
    %and3A_32 = arith.constant 7 : i32
    %and3A_33 = vector.broadcast %and3A_32 : i32 to vector<16xi32>
    %and3A_34 = arith.andi %add3A_11, %and3A_33 : vector<16xi32>
    %and3A_35 = arith.constant 7 : i32
    %and3A_36 = vector.broadcast %and3A_35 : i32 to vector<16xi32>
    %and3A_37 = arith.andi %add3A_15, %and3A_36 : vector<16xi32>
    %dma_start3A = arith.constant 0 : i32
    %dma_start3A_38 = arith.constant 0 : i32
    %dma_start3A_39 = tpu.memref_slice %arg6[%dma_start3A, %dma_start3A_38] : memref<200x128xi32, #tpu.memory_space<vmem>> -> memref<1x128xi32, #tpu.memory_space<vmem>>
    %dma_start3A_40 = tpu.memref_squeeze %dma_start3A_39 : memref<1x128xi32, #tpu.memory_space<vmem>> -> memref<128xi32, #tpu.memory_space<vmem>>
    %dma_start3A_41 = arith.constant 0 : i32
    %dma_start3A_42 = arith.constant 0 : i32
    %dma_start3A_43 = tpu.memref_slice %arg3[%dma_start3A_41, %dma_start3A_42] : memref<1048576x64xf32, #tpu.memory_space<hbm>> -> memref<1048576x64xf32, #tpu.memory_space<hbm>>
    tpu.enqueue_indirect_dma source(%dma_start3A_43 : memref<1048576x64xf32, #tpu.memory_space<hbm>>) target(%arg7 : memref<128x64xf32, #tpu.memory_space<vmem>>) offsets(%dma_start3A_40 : memref<128xi32, #tpu.memory_space<vmem>>) semaphore(%arg16 : memref<!tpu.dma_semaphore, #tpu.memory_space<semaphore_mem>>)
    %dma_start3A_44 = arith.constant 1 : i32
    %dma_start3A_45 = arith.constant 0 : i32
    %dma_start3A_46 = tpu.memref_slice %arg6[%dma_start3A_44, %dma_start3A_45] : memref<200x128xi32, #tpu.memory_space<vmem>> -> memref<1x128xi32, #tpu.memory_space<vmem>>
    %dma_start3A_47 = tpu.memref_squeeze %dma_start3A_46 : memref<1x128xi32, #tpu.memory_space<vmem>> -> memref<128xi32, #tpu.memory_space<vmem>>
    %dma_start3A_48 = arith.constant 0 : i32
    %dma_start3A_49 = arith.constant 0 : i32
    %dma_start3A_50 = tpu.memref_slice %arg3[%dma_start3A_48, %dma_start3A_49] : memref<1048576x64xf32, #tpu.memory_space<hbm>> -> memref<1048576x64xf32, #tpu.memory_space<hbm>>
    tpu.enqueue_indirect_dma source(%dma_start3A_50 : memref<1048576x64xf32, #tpu.memory_space<hbm>>) target(%arg8 : memref<128x64xf32, #tpu.memory_space<vmem>>) offsets(%dma_start3A_47 : memref<128xi32, #tpu.memory_space<vmem>>) semaphore(%arg17 : memref<!tpu.dma_semaphore, #tpu.memory_space<semaphore_mem>>)
    %dma_start3A_51 = arith.constant 2 : i32
    %dma_start3A_52 = arith.constant 0 : i32
    %dma_start3A_53 = tpu.memref_slice %arg6[%dma_start3A_51, %dma_start3A_52] : memref<200x128xi32, #tpu.memory_space<vmem>> -> memref<1x128xi32, #tpu.memory_space<vmem>>
    %dma_start3A_54 = tpu.memref_squeeze %dma_start3A_53 : memref<1x128xi32, #tpu.memory_space<vmem>> -> memref<128xi32, #tpu.memory_space<vmem>>
    %dma_start3A_55 = arith.constant 0 : i32
    %dma_start3A_56 = arith.constant 0 : i32
    %dma_start3A_57 = tpu.memref_slice %arg3[%dma_start3A_55, %dma_start3A_56] : memref<1048576x64xf32, #tpu.memory_space<hbm>> -> memref<1048576x64xf32, #tpu.memory_space<hbm>>
    tpu.enqueue_indirect_dma source(%dma_start3A_57 : memref<1048576x64xf32, #tpu.memory_space<hbm>>) target(%arg9 : memref<128x64xf32, #tpu.memory_space<vmem>>) offsets(%dma_start3A_54 : memref<128xi32, #tpu.memory_space<vmem>>) semaphore(%arg18 : memref<!tpu.dma_semaphore, #tpu.memory_space<semaphore_mem>>)
    %scan3A = arith.constant 0 : i32
    %scan3A_58 = arith.constant 0 : i32
    %scan3A_59 = arith.constant 50 : i32
    %scan3A_60 = arith.addi %scan3A_58, %scan3A_59 : i32
    %scan3A_61 = arith.constant 1 : i32
    %scan3A_62 = scf.for %scan3A_87 = %scan3A_58 to %scan3A_60 step %scan3A_61 iter_args(%scan3A_88 = %scan3A) -> (i32)  : i32 {
      %mul3A_89 = arith.constant 4 : i32
      %mul3A_90 = arith.muli %mul3A_89, %scan3A_87 : i32
      %add3A_91 = arith.constant 0 : i32
      %add3A_92 = arith.addi %mul3A_90, %add3A_91 : i32
      %add3A_93 = arith.constant 3 : i32
      %add3A_94 = arith.addi %add3A_92, %add3A_93 : i32
      %dma_start3A_95 = arith.constant 0 : i32
      %dma_start3A_96 = tpu.memref_slice %arg6[%add3A_94, %dma_start3A_95] : memref<200x128xi32, #tpu.memory_space<vmem>> -> memref<1x128xi32, #tpu.memory_space<vmem>>
      %dma_start3A_97 = tpu.memref_squeeze %dma_start3A_96 : memref<1x128xi32, #tpu.memory_space<vmem>> -> memref<128xi32, #tpu.memory_space<vmem>>
      %dma_start3A_98 = arith.constant 0 : i32
      %dma_start3A_99 = arith.constant 0 : i32
      %dma_start3A_100 = tpu.memref_slice %arg3[%dma_start3A_98, %dma_start3A_99] : memref<1048576x64xf32, #tpu.memory_space<hbm>> -> memref<1048576x64xf32, #tpu.memory_space<hbm>>
      tpu.enqueue_indirect_dma source(%dma_start3A_100 : memref<1048576x64xf32, #tpu.memory_space<hbm>>) target(%arg10 : memref<128x64xf32, #tpu.memory_space<vmem>>) offsets(%dma_start3A_97 : memref<128xi32, #tpu.memory_space<vmem>>) semaphore(%arg19 : memref<!tpu.dma_semaphore, #tpu.memory_space<semaphore_mem>>)
      %dma_wait3A_101 = arith.constant 0 : i32
      %dma_wait3A_102 = arith.constant 0 : i32
      %dma_wait3A_103 = tpu.memref_slice %arg3[%dma_wait3A_101, %dma_wait3A_102] : memref<1048576x64xf32, #tpu.memory_space<hbm>> -> memref<128x64xf32, #tpu.memory_space<hbm>>
      %dma_wait3A_104 = arith.constant 0 : i32
      %dma_wait3A_105 = arith.constant 0 : i32
      %dma_wait3A_106 = tpu.memref_slice %arg3[%dma_wait3A_104, %dma_wait3A_105] : memref<1048576x64xf32, #tpu.memory_space<hbm>> -> memref<128x64xf32, #tpu.memory_space<hbm>>
      tpu.wait_dma2 semaphore(%arg16 : memref<!tpu.dma_semaphore, #tpu.memory_space<semaphore_mem>>) src(%dma_wait3A_106 : memref<128x64xf32, #tpu.memory_space<hbm>>) dst(%arg7 : memref<128x64xf32, #tpu.memory_space<vmem>>)
      %gt3A = arith.constant 0 : i32
      %gt3A_107 = arith.cmpi sgt, %scan3A_87, %gt3A : i32
      %convert_element_type3A = arith.extui %gt3A_107 : i1 to i32
      %cond3A = arith.constant 0 : i32
      %cond3A_108 = arith.cmpi ne, %convert_element_type3A, %cond3A : i32
      scf.if %cond3A_108 {
        %dma_wait3A_347 = arith.constant 0 : i32
        %dma_wait3A_348 = arith.constant 0 : i32
        %dma_wait3A_349 = tpu.memref_slice %arg3[%dma_wait3A_347, %dma_wait3A_348] : memref<1048576x64xf32, #tpu.memory_space<hbm>> -> memref<128x64xf32, #tpu.memory_space<hbm>>
        %dma_wait3A_350 = arith.constant 0 : i32
        %dma_wait3A_351 = arith.constant 0 : i32
        %dma_wait3A_352 = tpu.memref_slice %arg3[%dma_wait3A_350, %dma_wait3A_351] : memref<1048576x64xf32, #tpu.memory_space<hbm>> -> memref<128x64xf32, #tpu.memory_space<hbm>>
        tpu.wait_dma2 semaphore(%arg20 : memref<!tpu.dma_semaphore, #tpu.memory_space<semaphore_mem>>) src(%dma_wait3A_352 : memref<128x64xf32, #tpu.memory_space<hbm>>) dst(%arg7 : memref<128x64xf32, #tpu.memory_space<vmem>>)
      } else {
      }
      %get3A = arith.index_cast %add3A_92 : i32 to index
      %get3A_109 = arith.constant 0 : index
      %get3A_110 = tpu.vector_load %arg15[%get3A, %get3A_109] {strides = array<i32>} : memref<200x64xf32, #tpu.memory_space<vmem>>, vector<16xf32>,
      %get3A_111 = arith.index_cast %add3A_92 : i32 to index
      %get3A_112 = arith.constant 16 : index
      %get3A_113 = tpu.vector_load %arg15[%get3A_111, %get3A_112] {strides = array<i32>} : memref<200x64xf32, #tpu.memory_space<vmem>>, vector<16xf32>,
      %get3A_114 = arith.index_cast %add3A_92 : i32 to index
      %get3A_115 = arith.constant 32 : index
      %get3A_116 = tpu.vector_load %arg15[%get3A_114, %get3A_115] {strides = array<i32>} : memref<200x64xf32, #tpu.memory_space<vmem>>, vector<16xf32>,
      %get3A_117 = arith.index_cast %add3A_92 : i32 to index
      %get3A_118 = arith.constant 48 : index
      %get3A_119 = tpu.vector_load %arg15[%get3A_117, %get3A_118] {strides = array<i32>} : memref<200x64xf32, #tpu.memory_space<vmem>>, vector<16xf32>,
      %parallel_loop3A = arith.constant 0 : i32
      %parallel_loop3A_120 = arith.constant 128 : i32
      %parallel_loop3A_121 = arith.constant 1 : i32
      scf.for %parallel_loop3A_347 = %parallel_loop3A to %parallel_loop3A_120 step %parallel_loop3A_121  : i32 {
        %parallel_loop3A_348 = vector.broadcast %parallel_loop3A_347 : i32 to vector<16xi32>
        %parallel_loop3A_349 = arith.index_cast %parallel_loop3A_347 : i32 to index
        %parallel_loop3A_350 = arith.constant 0 : index
        %parallel_loop3A_351 = tpu.vector_load %arg7[%parallel_loop3A_349, %parallel_loop3A_350] {strides = array<i32>} : memref<128x64xf32, #tpu.memory_space<vmem>>, vector<16xf32>,
        %parallel_loop3A_352 = arith.addf %parallel_loop3A_351, %get3A_110 : vector<16xf32>
        tpu.vector_store_idx %arg11[%shift_right_arithmetic3A_17, %and3A_28, %parallel_loop3A_348], %parallel_loop3A_352 : memref<8x8x129xf32, #tpu.memory_space<vmem>>[vector<16xi32>, vector<16xi32>, vector<16xi32>], vector<16xf32>,
        %parallel_loop3A_353 = arith.index_cast %parallel_loop3A_347 : i32 to index
        %parallel_loop3A_354 = arith.constant 16 : index
        %parallel_loop3A_355 = tpu.vector_load %arg7[%parallel_loop3A_353, %parallel_loop3A_354] {strides = array<i32>} : memref<128x64xf32, #tpu.memory_space<vmem>>, vector<16xf32>,
        %parallel_loop3A_356 = arith.addf %parallel_loop3A_355, %get3A_113 : vector<16xf32>
        tpu.vector_store_idx %arg11[%shift_right_arithmetic3A_20, %and3A_31, %parallel_loop3A_348], %parallel_loop3A_356 : memref<8x8x129xf32, #tpu.memory_space<vmem>>[vector<16xi32>, vector<16xi32>, vector<16xi32>], vector<16xf32>,
        %parallel_loop3A_357 = arith.index_cast %parallel_loop3A_347 : i32 to index
        %parallel_loop3A_358 = arith.constant 32 : index
        %parallel_loop3A_359 = tpu.vector_load %arg7[%parallel_loop3A_357, %parallel_loop3A_358] {strides = array<i32>} : memref<128x64xf32, #tpu.memory_space<vmem>>, vector<16xf32>,
        %parallel_loop3A_360 = arith.addf %parallel_loop3A_359, %get3A_116 : vector<16xf32>
        tpu.vector_store_idx %arg11[%shift_right_arithmetic3A_23, %and3A_34, %parallel_loop3A_348], %parallel_loop3A_360 : memref<8x8x129xf32, #tpu.memory_space<vmem>>[vector<16xi32>, vector<16xi32>, vector<16xi32>], vector<16xf32>,
        %parallel_loop3A_361 = arith.index_cast %parallel_loop3A_347 : i32 to index
        %parallel_loop3A_362 = arith.constant 48 : index
        %parallel_loop3A_363 = tpu.vector_load %arg7[%parallel_loop3A_361, %parallel_loop3A_362] {strides = array<i32>} : memref<128x64xf32, #tpu.memory_space<vmem>>, vector<16xf32>,
        %parallel_loop3A_364 = arith.addf %parallel_loop3A_363, %get3A_119 : vector<16xf32>
        tpu.vector_store_idx %arg11[%shift_right_arithmetic3A_26, %and3A_37, %parallel_loop3A_348], %parallel_loop3A_364 : memref<8x8x129xf32, #tpu.memory_space<vmem>>[vector<16xi32>, vector<16xi32>, vector<16xi32>], vector<16xf32>,
      } {sc.loop_unroll_factor = 8 : i64, sc.parallel_access}
      %dma_start3A_122 = arith.constant 0 : i32
      %dma_start3A_123 = arith.constant 0 : i32
      %dma_start3A_124 = arith.constant 0 : i32
      %dma_start3A_125 = tpu.memref_slice %arg11[%dma_start3A_122, %dma_start3A_123, %dma_start3A_124] : memref<8x8x129xf32, #tpu.memory_space<vmem>> -> memref<8x8x128xf32, #tpu.memory_space<vmem>>
      %dma_start3A_126 = arith.constant 0 : i32
      %dma_start3A_127 = arith.constant 0 : i32
      %dma_start3A_128 = arith.constant 0 : i32
      %dma_start3A_129 = arith.constant 0 : i32
      %dma_start3A_130 = tpu.memref_slice %arg5[%add3A_92, %dma_start3A_126, %dma_start3A_127, %dma_start3A_128, %dma_start3A_129] : memref<200x8x32x8x128xf32, #tpu.memory_space<hbm>> -> memref<1x8x32x8x128xf32, #tpu.memory_space<hbm>>
      %dma_start3A_131 = tpu.memref_squeeze %dma_start3A_130 : memref<1x8x32x8x128xf32, #tpu.memory_space<hbm>> -> memref<8x32x8x128xf32, #tpu.memory_space<hbm>>
      %dma_start3A_132 = arith.constant 0 : i32
      %dma_start3A_133 = arith.constant 0 : i32
      %dma_start3A_134 = arith.constant 0 : i32
      %dma_start3A_135 = tpu.memref_slice %dma_start3A_131[%dma_start3A_132, %add3A, %dma_start3A_133, %dma_start3A_134] : memref<8x32x8x128xf32, #tpu.memory_space<hbm>> -> memref<8x1x8x128xf32, #tpu.memory_space<hbm>>
      %dma_start3A_136 = tpu.memref_squeeze %dma_start3A_135 : memref<8x1x8x128xf32, #tpu.memory_space<hbm>> -> memref<8x8x128xf32, #tpu.memory_space<hbm>>
      %dma_start3A_137 = arith.constant 0 : i32
      %dma_start3A_138 = arith.constant 0 : i32
      %dma_start3A_139 = arith.constant 0 : i32
      %dma_start3A_140 = arith.constant 0 : i32
      %dma_start3A_141 = tpu.memref_slice %arg5[%add3A_92, %dma_start3A_137, %dma_start3A_138, %dma_start3A_139, %dma_start3A_140] : memref<200x8x32x8x128xf32, #tpu.memory_space<hbm>> -> memref<1x8x32x8x128xf32, #tpu.memory_space<hbm>>
      %dma_start3A_142 = tpu.memref_squeeze %dma_start3A_141 : memref<1x8x32x8x128xf32, #tpu.memory_space<hbm>> -> memref<8x32x8x128xf32, #tpu.memory_space<hbm>>
      %dma_start3A_143 = arith.constant 0 : i32
      %dma_start3A_144 = arith.constant 0 : i32
      %dma_start3A_145 = arith.constant 0 : i32
      %dma_start3A_146 = tpu.memref_slice %dma_start3A_142[%dma_start3A_143, %add3A, %dma_start3A_144, %dma_start3A_145] : memref<8x32x8x128xf32, #tpu.memory_space<hbm>> -> memref<8x1x8x128xf32, #tpu.memory_space<hbm>>
      %dma_start3A_147 = tpu.memref_squeeze %dma_start3A_146 : memref<8x1x8x128xf32, #tpu.memory_space<hbm>> -> memref<8x8x128xf32, #tpu.memory_space<hbm>>
      %dma_start3A_148 = arith.constant 0 : i32
      %dma_start3A_149 = arith.constant 0 : i32
      %dma_start3A_150 = arith.constant 0 : i32
      %dma_start3A_151 = tpu.memref_slice %arg11[%dma_start3A_148, %dma_start3A_149, %dma_start3A_150] : memref<8x8x129xf32, #tpu.memory_space<vmem>> -> memref<8x8x128xf32, #tpu.memory_space<vmem>>
      tpu.enqueue_dma source(%dma_start3A_151 : memref<8x8x128xf32, #tpu.memory_space<vmem>>) target(%dma_start3A_147 : memref<8x8x128xf32, #tpu.memory_space<hbm>>) target_semaphore(%arg20 : memref<!tpu.dma_semaphore, #tpu.memory_space<semaphore_mem>>)
      %mul3A_152 = arith.constant 4 : i32
      %mul3A_153 = arith.muli %mul3A_152, %scan3A_87 : i32
      %add3A_154 = arith.constant 1 : i32
      %add3A_155 = arith.addi %mul3A_153, %add3A_154 : i32
      %lt3A = arith.constant 49 : i32
      %lt3A_156 = arith.cmpi slt, %scan3A_87, %lt3A : i32
      %convert_element_type3A_157 = arith.extui %lt3A_156 : i1 to i32
      %cond3A_158 = arith.constant 0 : i32
      %cond3A_159 = arith.cmpi ne, %convert_element_type3A_157, %cond3A_158 : i32
      scf.if %cond3A_159 {
        %add3A_347 = arith.constant 3 : i32
        %add3A_348 = arith.addi %add3A_155, %add3A_347 : i32
        %dma_start3A_349 = arith.constant 0 : i32
        %dma_start3A_350 = tpu.memref_slice %arg6[%add3A_348, %dma_start3A_349] : memref<200x128xi32, #tpu.memory_space<vmem>> -> memref<1x128xi32, #tpu.memory_space<vmem>>
        %dma_start3A_351 = tpu.memref_squeeze %dma_start3A_350 : memref<1x128xi32, #tpu.memory_space<vmem>> -> memref<128xi32, #tpu.memory_space<vmem>>
        %dma_start3A_352 = arith.constant 0 : i32
        %dma_start3A_353 = arith.constant 0 : i32
        %dma_start3A_354 = tpu.memref_slice %arg3[%dma_start3A_352, %dma_start3A_353] : memref<1048576x64xf32, #tpu.memory_space<hbm>> -> memref<1048576x64xf32, #tpu.memory_space<hbm>>
        tpu.enqueue_indirect_dma source(%dma_start3A_354 : memref<1048576x64xf32, #tpu.memory_space<hbm>>) target(%arg7 : memref<128x64xf32, #tpu.memory_space<vmem>>) offsets(%dma_start3A_351 : memref<128xi32, #tpu.memory_space<vmem>>) semaphore(%arg16 : memref<!tpu.dma_semaphore, #tpu.memory_space<semaphore_mem>>)
      } else {
      }
      %dma_wait3A_160 = arith.constant 0 : i32
      %dma_wait3A_161 = arith.constant 0 : i32
      %dma_wait3A_162 = tpu.memref_slice %arg3[%dma_wait3A_160, %dma_wait3A_161] : memref<1048576x64xf32, #tpu.memory_space<hbm>> -> memref<128x64xf32, #tpu.memory_space<hbm>>
      %dma_wait3A_163 = arith.constant 0 : i32
      %dma_wait3A_164 = arith.constant 0 : i32
      %dma_wait3A_165 = tpu.memref_slice %arg3[%dma_wait3A_163, %dma_wait3A_164] : memref<1048576x64xf32, #tpu.memory_space<hbm>> -> memref<128x64xf32, #tpu.memory_space<hbm>>
      tpu.wait_dma2 semaphore(%arg17 : memref<!tpu.dma_semaphore, #tpu.memory_space<semaphore_mem>>) src(%dma_wait3A_165 : memref<128x64xf32, #tpu.memory_space<hbm>>) dst(%arg8 : memref<128x64xf32, #tpu.memory_space<vmem>>)
      %gt3A_166 = arith.constant 0 : i32
      %gt3A_167 = arith.cmpi sgt, %scan3A_87, %gt3A_166 : i32
      %convert_element_type3A_168 = arith.extui %gt3A_167 : i1 to i32
      %cond3A_169 = arith.constant 0 : i32
      %cond3A_170 = arith.cmpi ne, %convert_element_type3A_168, %cond3A_169 : i32
      scf.if %cond3A_170 {
        %dma_wait3A_347 = arith.constant 0 : i32
        %dma_wait3A_348 = arith.constant 0 : i32
        %dma_wait3A_349 = tpu.memref_slice %arg3[%dma_wait3A_347, %dma_wait3A_348] : memref<1048576x64xf32, #tpu.memory_space<hbm>> -> memref<128x64xf32, #tpu.memory_space<hbm>>
        %dma_wait3A_350 = arith.constant 0 : i32
        %dma_wait3A_351 = arith.constant 0 : i32
        %dma_wait3A_352 = tpu.memref_slice %arg3[%dma_wait3A_350, %dma_wait3A_351] : memref<1048576x64xf32, #tpu.memory_space<hbm>> -> memref<128x64xf32, #tpu.memory_space<hbm>>
        tpu.wait_dma2 semaphore(%arg21 : memref<!tpu.dma_semaphore, #tpu.memory_space<semaphore_mem>>) src(%dma_wait3A_352 : memref<128x64xf32, #tpu.memory_space<hbm>>) dst(%arg8 : memref<128x64xf32, #tpu.memory_space<vmem>>)
      } else {
      }
      %get3A_171 = arith.index_cast %add3A_155 : i32 to index
      %get3A_172 = arith.constant 0 : index
      %get3A_173 = tpu.vector_load %arg15[%get3A_171, %get3A_172] {strides = array<i32>} : memref<200x64xf32, #tpu.memory_space<vmem>>, vector<16xf32>,
      %get3A_174 = arith.index_cast %add3A_155 : i32 to index
      %get3A_175 = arith.constant 16 : index
      %get3A_176 = tpu.vector_load %arg15[%get3A_174, %get3A_175] {strides = array<i32>} : memref<200x64xf32, #tpu.memory_space<vmem>>, vector<16xf32>,
      %get3A_177 = arith.index_cast %add3A_155 : i32 to index
      %get3A_178 = arith.constant 32 : index
      %get3A_179 = tpu.vector_load %arg15[%get3A_177, %get3A_178] {strides = array<i32>} : memref<200x64xf32, #tpu.memory_space<vmem>>, vector<16xf32>,
      %get3A_180 = arith.index_cast %add3A_155 : i32 to index
      %get3A_181 = arith.constant 48 : index
      %get3A_182 = tpu.vector_load %arg15[%get3A_180, %get3A_181] {strides = array<i32>} : memref<200x64xf32, #tpu.memory_space<vmem>>, vector<16xf32>,
      %parallel_loop3A_183 = arith.constant 0 : i32
      %parallel_loop3A_184 = arith.constant 128 : i32
      %parallel_loop3A_185 = arith.constant 1 : i32
      scf.for %parallel_loop3A_347 = %parallel_loop3A_183 to %parallel_loop3A_184 step %parallel_loop3A_185  : i32 {
        %parallel_loop3A_348 = vector.broadcast %parallel_loop3A_347 : i32 to vector<16xi32>
        %parallel_loop3A_349 = arith.index_cast %parallel_loop3A_347 : i32 to index
        %parallel_loop3A_350 = arith.constant 0 : index
        %parallel_loop3A_351 = tpu.vector_load %arg8[%parallel_loop3A_349, %parallel_loop3A_350] {strides = array<i32>} : memref<128x64xf32, #tpu.memory_space<vmem>>, vector<16xf32>,
        %parallel_loop3A_352 = arith.addf %parallel_loop3A_351, %get3A_173 : vector<16xf32>
        tpu.vector_store_idx %arg12[%shift_right_arithmetic3A_17, %and3A_28, %parallel_loop3A_348], %parallel_loop3A_352 : memref<8x8x129xf32, #tpu.memory_space<vmem>>[vector<16xi32>, vector<16xi32>, vector<16xi32>], vector<16xf32>,
        %parallel_loop3A_353 = arith.index_cast %parallel_loop3A_347 : i32 to index
        %parallel_loop3A_354 = arith.constant 16 : index
        %parallel_loop3A_355 = tpu.vector_load %arg8[%parallel_loop3A_353, %parallel_loop3A_354] {strides = array<i32>} : memref<128x64xf32, #tpu.memory_space<vmem>>, vector<16xf32>,
        %parallel_loop3A_356 = arith.addf %parallel_loop3A_355, %get3A_176 : vector<16xf32>
        tpu.vector_store_idx %arg12[%shift_right_arithmetic3A_20, %and3A_31, %parallel_loop3A_348], %parallel_loop3A_356 : memref<8x8x129xf32, #tpu.memory_space<vmem>>[vector<16xi32>, vector<16xi32>, vector<16xi32>], vector<16xf32>,
        %parallel_loop3A_357 = arith.index_cast %parallel_loop3A_347 : i32 to index
        %parallel_loop3A_358 = arith.constant 32 : index
        %parallel_loop3A_359 = tpu.vector_load %arg8[%parallel_loop3A_357, %parallel_loop3A_358] {strides = array<i32>} : memref<128x64xf32, #tpu.memory_space<vmem>>, vector<16xf32>,
        %parallel_loop3A_360 = arith.addf %parallel_loop3A_359, %get3A_179 : vector<16xf32>
        tpu.vector_store_idx %arg12[%shift_right_arithmetic3A_23, %and3A_34, %parallel_loop3A_348], %parallel_loop3A_360 : memref<8x8x129xf32, #tpu.memory_space<vmem>>[vector<16xi32>, vector<16xi32>, vector<16xi32>], vector<16xf32>,
        %parallel_loop3A_361 = arith.index_cast %parallel_loop3A_347 : i32 to index
        %parallel_loop3A_362 = arith.constant 48 : index
        %parallel_loop3A_363 = tpu.vector_load %arg8[%parallel_loop3A_361, %parallel_loop3A_362] {strides = array<i32>} : memref<128x64xf32, #tpu.memory_space<vmem>>, vector<16xf32>,
        %parallel_loop3A_364 = arith.addf %parallel_loop3A_363, %get3A_182 : vector<16xf32>
        tpu.vector_store_idx %arg12[%shift_right_arithmetic3A_26, %and3A_37, %parallel_loop3A_348], %parallel_loop3A_364 : memref<8x8x129xf32, #tpu.memory_space<vmem>>[vector<16xi32>, vector<16xi32>, vector<16xi32>], vector<16xf32>,
      } {sc.loop_unroll_factor = 8 : i64, sc.parallel_access}
      %dma_start3A_186 = arith.constant 0 : i32
      %dma_start3A_187 = arith.constant 0 : i32
      %dma_start3A_188 = arith.constant 0 : i32
      %dma_start3A_189 = tpu.memref_slice %arg12[%dma_start3A_186, %dma_start3A_187, %dma_start3A_188] : memref<8x8x129xf32, #tpu.memory_space<vmem>> -> memref<8x8x128xf32, #tpu.memory_space<vmem>>
      %dma_start3A_190 = arith.constant 0 : i32
      %dma_start3A_191 = arith.constant 0 : i32
      %dma_start3A_192 = arith.constant 0 : i32
      %dma_start3A_193 = arith.constant 0 : i32
      %dma_start3A_194 = tpu.memref_slice %arg5[%add3A_155, %dma_start3A_190, %dma_start3A_191, %dma_start3A_192, %dma_start3A_193] : memref<200x8x32x8x128xf32, #tpu.memory_space<hbm>> -> memref<1x8x32x8x128xf32, #tpu.memory_space<hbm>>
      %dma_start3A_195 = tpu.memref_squeeze %dma_start3A_194 : memref<1x8x32x8x128xf32, #tpu.memory_space<hbm>> -> memref<8x32x8x128xf32, #tpu.memory_space<hbm>>
      %dma_start3A_196 = arith.constant 0 : i32
      %dma_start3A_197 = arith.constant 0 : i32
      %dma_start3A_198 = arith.constant 0 : i32
      %dma_start3A_199 = tpu.memref_slice %dma_start3A_195[%dma_start3A_196, %add3A, %dma_start3A_197, %dma_start3A_198] : memref<8x32x8x128xf32, #tpu.memory_space<hbm>> -> memref<8x1x8x128xf32, #tpu.memory_space<hbm>>
      %dma_start3A_200 = tpu.memref_squeeze %dma_start3A_199 : memref<8x1x8x128xf32, #tpu.memory_space<hbm>> -> memref<8x8x128xf32, #tpu.memory_space<hbm>>
      %dma_start3A_201 = arith.constant 0 : i32
      %dma_start3A_202 = arith.constant 0 : i32
      %dma_start3A_203 = arith.constant 0 : i32
      %dma_start3A_204 = arith.constant 0 : i32
      %dma_start3A_205 = tpu.memref_slice %arg5[%add3A_155, %dma_start3A_201, %dma_start3A_202, %dma_start3A_203, %dma_start3A_204] : memref<200x8x32x8x128xf32, #tpu.memory_space<hbm>> -> memref<1x8x32x8x128xf32, #tpu.memory_space<hbm>>
      %dma_start3A_206 = tpu.memref_squeeze %dma_start3A_205 : memref<1x8x32x8x128xf32, #tpu.memory_space<hbm>> -> memref<8x32x8x128xf32, #tpu.memory_space<hbm>>
      %dma_start3A_207 = arith.constant 0 : i32
      %dma_start3A_208 = arith.constant 0 : i32
      %dma_start3A_209 = arith.constant 0 : i32
      %dma_start3A_210 = tpu.memref_slice %dma_start3A_206[%dma_start3A_207, %add3A, %dma_start3A_208, %dma_start3A_209] : memref<8x32x8x128xf32, #tpu.memory_space<hbm>> -> memref<8x1x8x128xf32, #tpu.memory_space<hbm>>
      %dma_start3A_211 = tpu.memref_squeeze %dma_start3A_210 : memref<8x1x8x128xf32, #tpu.memory_space<hbm>> -> memref<8x8x128xf32, #tpu.memory_space<hbm>>
      %dma_start3A_212 = arith.constant 0 : i32
      %dma_start3A_213 = arith.constant 0 : i32
      %dma_start3A_214 = arith.constant 0 : i32
      %dma_start3A_215 = tpu.memref_slice %arg12[%dma_start3A_212, %dma_start3A_213, %dma_start3A_214] : memref<8x8x129xf32, #tpu.memory_space<vmem>> -> memref<8x8x128xf32, #tpu.memory_space<vmem>>
      tpu.enqueue_dma source(%dma_start3A_215 : memref<8x8x128xf32, #tpu.memory_space<vmem>>) target(%dma_start3A_211 : memref<8x8x128xf32, #tpu.memory_space<hbm>>) target_semaphore(%arg21 : memref<!tpu.dma_semaphore, #tpu.memory_space<semaphore_mem>>)
      %mul3A_216 = arith.constant 4 : i32
      %mul3A_217 = arith.muli %mul3A_216, %scan3A_87 : i32
      %add3A_218 = arith.constant 2 : i32
      %add3A_219 = arith.addi %mul3A_217, %add3A_218 : i32
      %lt3A_220 = arith.constant 49 : i32
      %lt3A_221 = arith.cmpi slt, %scan3A_87, %lt3A_220 : i32
      %convert_element_type3A_222 = arith.extui %lt3A_221 : i1 to i32
      %cond3A_223 = arith.constant 0 : i32
      %cond3A_224 = arith.cmpi ne, %convert_element_type3A_222, %cond3A_223 : i32
      scf.if %cond3A_224 {
        %add3A_347 = arith.constant 3 : i32
        %add3A_348 = arith.addi %add3A_219, %add3A_347 : i32
        %dma_start3A_349 = arith.constant 0 : i32
        %dma_start3A_350 = tpu.memref_slice %arg6[%add3A_348, %dma_start3A_349] : memref<200x128xi32, #tpu.memory_space<vmem>> -> memref<1x128xi32, #tpu.memory_space<vmem>>
        %dma_start3A_351 = tpu.memref_squeeze %dma_start3A_350 : memref<1x128xi32, #tpu.memory_space<vmem>> -> memref<128xi32, #tpu.memory_space<vmem>>
        %dma_start3A_352 = arith.constant 0 : i32
        %dma_start3A_353 = arith.constant 0 : i32
        %dma_start3A_354 = tpu.memref_slice %arg3[%dma_start3A_352, %dma_start3A_353] : memref<1048576x64xf32, #tpu.memory_space<hbm>> -> memref<1048576x64xf32, #tpu.memory_space<hbm>>
        tpu.enqueue_indirect_dma source(%dma_start3A_354 : memref<1048576x64xf32, #tpu.memory_space<hbm>>) target(%arg8 : memref<128x64xf32, #tpu.memory_space<vmem>>) offsets(%dma_start3A_351 : memref<128xi32, #tpu.memory_space<vmem>>) semaphore(%arg17 : memref<!tpu.dma_semaphore, #tpu.memory_space<semaphore_mem>>)
      } else {
      }
      %dma_wait3A_225 = arith.constant 0 : i32
      %dma_wait3A_226 = arith.constant 0 : i32
      %dma_wait3A_227 = tpu.memref_slice %arg3[%dma_wait3A_225, %dma_wait3A_226] : memref<1048576x64xf32, #tpu.memory_space<hbm>> -> memref<128x64xf32, #tpu.memory_space<hbm>>
      %dma_wait3A_228 = arith.constant 0 : i32
      %dma_wait3A_229 = arith.constant 0 : i32
      %dma_wait3A_230 = tpu.memref_slice %arg3[%dma_wait3A_228, %dma_wait3A_229] : memref<1048576x64xf32, #tpu.memory_space<hbm>> -> memref<128x64xf32, #tpu.memory_space<hbm>>
      tpu.wait_dma2 semaphore(%arg18 : memref<!tpu.dma_semaphore, #tpu.memory_space<semaphore_mem>>) src(%dma_wait3A_230 : memref<128x64xf32, #tpu.memory_space<hbm>>) dst(%arg9 : memref<128x64xf32, #tpu.memory_space<vmem>>)
      %gt3A_231 = arith.constant 0 : i32
      %gt3A_232 = arith.cmpi sgt, %scan3A_87, %gt3A_231 : i32
      %convert_element_type3A_233 = arith.extui %gt3A_232 : i1 to i32
      %cond3A_234 = arith.constant 0 : i32
      %cond3A_235 = arith.cmpi ne, %convert_element_type3A_233, %cond3A_234 : i32
      scf.if %cond3A_235 {
        %dma_wait3A_347 = arith.constant 0 : i32
        %dma_wait3A_348 = arith.constant 0 : i32
        %dma_wait3A_349 = tpu.memref_slice %arg3[%dma_wait3A_347, %dma_wait3A_348] : memref<1048576x64xf32, #tpu.memory_space<hbm>> -> memref<128x64xf32, #tpu.memory_space<hbm>>
        %dma_wait3A_350 = arith.constant 0 : i32
        %dma_wait3A_351 = arith.constant 0 : i32
        %dma_wait3A_352 = tpu.memref_slice %arg3[%dma_wait3A_350, %dma_wait3A_351] : memref<1048576x64xf32, #tpu.memory_space<hbm>> -> memref<128x64xf32, #tpu.memory_space<hbm>>
        tpu.wait_dma2 semaphore(%arg22 : memref<!tpu.dma_semaphore, #tpu.memory_space<semaphore_mem>>) src(%dma_wait3A_352 : memref<128x64xf32, #tpu.memory_space<hbm>>) dst(%arg9 : memref<128x64xf32, #tpu.memory_space<vmem>>)
      } else {
      }
      %get3A_236 = arith.index_cast %add3A_219 : i32 to index
      %get3A_237 = arith.constant 0 : index
      %get3A_238 = tpu.vector_load %arg15[%get3A_236, %get3A_237] {strides = array<i32>} : memref<200x64xf32, #tpu.memory_space<vmem>>, vector<16xf32>,
      %get3A_239 = arith.index_cast %add3A_219 : i32 to index
      %get3A_240 = arith.constant 16 : index
      %get3A_241 = tpu.vector_load %arg15[%get3A_239, %get3A_240] {strides = array<i32>} : memref<200x64xf32, #tpu.memory_space<vmem>>, vector<16xf32>,
      %get3A_242 = arith.index_cast %add3A_219 : i32 to index
      %get3A_243 = arith.constant 32 : index
      %get3A_244 = tpu.vector_load %arg15[%get3A_242, %get3A_243] {strides = array<i32>} : memref<200x64xf32, #tpu.memory_space<vmem>>, vector<16xf32>,
      %get3A_245 = arith.index_cast %add3A_219 : i32 to index
      %get3A_246 = arith.constant 48 : index
      %get3A_247 = tpu.vector_load %arg15[%get3A_245, %get3A_246] {strides = array<i32>} : memref<200x64xf32, #tpu.memory_space<vmem>>, vector<16xf32>,
      %parallel_loop3A_248 = arith.constant 0 : i32
      %parallel_loop3A_249 = arith.constant 128 : i32
      %parallel_loop3A_250 = arith.constant 1 : i32
      scf.for %parallel_loop3A_347 = %parallel_loop3A_248 to %parallel_loop3A_249 step %parallel_loop3A_250  : i32 {
        %parallel_loop3A_348 = vector.broadcast %parallel_loop3A_347 : i32 to vector<16xi32>
        %parallel_loop3A_349 = arith.index_cast %parallel_loop3A_347 : i32 to index
        %parallel_loop3A_350 = arith.constant 0 : index
        %parallel_loop3A_351 = tpu.vector_load %arg9[%parallel_loop3A_349, %parallel_loop3A_350] {strides = array<i32>} : memref<128x64xf32, #tpu.memory_space<vmem>>, vector<16xf32>,
        %parallel_loop3A_352 = arith.addf %parallel_loop3A_351, %get3A_238 : vector<16xf32>
        tpu.vector_store_idx %arg13[%shift_right_arithmetic3A_17, %and3A_28, %parallel_loop3A_348], %parallel_loop3A_352 : memref<8x8x129xf32, #tpu.memory_space<vmem>>[vector<16xi32>, vector<16xi32>, vector<16xi32>], vector<16xf32>,
        %parallel_loop3A_353 = arith.index_cast %parallel_loop3A_347 : i32 to index
        %parallel_loop3A_354 = arith.constant 16 : index
        %parallel_loop3A_355 = tpu.vector_load %arg9[%parallel_loop3A_353, %parallel_loop3A_354] {strides = array<i32>} : memref<128x64xf32, #tpu.memory_space<vmem>>, vector<16xf32>,
        %parallel_loop3A_356 = arith.addf %parallel_loop3A_355, %get3A_241 : vector<16xf32>
        tpu.vector_store_idx %arg13[%shift_right_arithmetic3A_20, %and3A_31, %parallel_loop3A_348], %parallel_loop3A_356 : memref<8x8x129xf32, #tpu.memory_space<vmem>>[vector<16xi32>, vector<16xi32>, vector<16xi32>], vector<16xf32>,
        %parallel_loop3A_357 = arith.index_cast %parallel_loop3A_347 : i32 to index
        %parallel_loop3A_358 = arith.constant 32 : index
        %parallel_loop3A_359 = tpu.vector_load %arg9[%parallel_loop3A_357, %parallel_loop3A_358] {strides = array<i32>} : memref<128x64xf32, #tpu.memory_space<vmem>>, vector<16xf32>,
        %parallel_loop3A_360 = arith.addf %parallel_loop3A_359, %get3A_244 : vector<16xf32>
        tpu.vector_store_idx %arg13[%shift_right_arithmetic3A_23, %and3A_34, %parallel_loop3A_348], %parallel_loop3A_360 : memref<8x8x129xf32, #tpu.memory_space<vmem>>[vector<16xi32>, vector<16xi32>, vector<16xi32>], vector<16xf32>,
        %parallel_loop3A_361 = arith.index_cast %parallel_loop3A_347 : i32 to index
        %parallel_loop3A_362 = arith.constant 48 : index
        %parallel_loop3A_363 = tpu.vector_load %arg9[%parallel_loop3A_361, %parallel_loop3A_362] {strides = array<i32>} : memref<128x64xf32, #tpu.memory_space<vmem>>, vector<16xf32>,
        %parallel_loop3A_364 = arith.addf %parallel_loop3A_363, %get3A_247 : vector<16xf32>
        tpu.vector_store_idx %arg13[%shift_right_arithmetic3A_26, %and3A_37, %parallel_loop3A_348], %parallel_loop3A_364 : memref<8x8x129xf32, #tpu.memory_space<vmem>>[vector<16xi32>, vector<16xi32>, vector<16xi32>], vector<16xf32>,
      } {sc.loop_unroll_factor = 8 : i64, sc.parallel_access}
      %dma_start3A_251 = arith.constant 0 : i32
      %dma_start3A_252 = arith.constant 0 : i32
      %dma_start3A_253 = arith.constant 0 : i32
      %dma_start3A_254 = tpu.memref_slice %arg13[%dma_start3A_251, %dma_start3A_252, %dma_start3A_253] : memref<8x8x129xf32, #tpu.memory_space<vmem>> -> memref<8x8x128xf32, #tpu.memory_space<vmem>>
      %dma_start3A_255 = arith.constant 0 : i32
      %dma_start3A_256 = arith.constant 0 : i32
      %dma_start3A_257 = arith.constant 0 : i32
      %dma_start3A_258 = arith.constant 0 : i32
      %dma_start3A_259 = tpu.memref_slice %arg5[%add3A_219, %dma_start3A_255, %dma_start3A_256, %dma_start3A_257, %dma_start3A_258] : memref<200x8x32x8x128xf32, #tpu.memory_space<hbm>> -> memref<1x8x32x8x128xf32, #tpu.memory_space<hbm>>
      %dma_start3A_260 = tpu.memref_squeeze %dma_start3A_259 : memref<1x8x32x8x128xf32, #tpu.memory_space<hbm>> -> memref<8x32x8x128xf32, #tpu.memory_space<hbm>>
      %dma_start3A_261 = arith.constant 0 : i32
      %dma_start3A_262 = arith.constant 0 : i32
      %dma_start3A_263 = arith.constant 0 : i32
      %dma_start3A_264 = tpu.memref_slice %dma_start3A_260[%dma_start3A_261, %add3A, %dma_start3A_262, %dma_start3A_263] : memref<8x32x8x128xf32, #tpu.memory_space<hbm>> -> memref<8x1x8x128xf32, #tpu.memory_space<hbm>>
      %dma_start3A_265 = tpu.memref_squeeze %dma_start3A_264 : memref<8x1x8x128xf32, #tpu.memory_space<hbm>> -> memref<8x8x128xf32, #tpu.memory_space<hbm>>
      %dma_start3A_266 = arith.constant 0 : i32
      %dma_start3A_267 = arith.constant 0 : i32
      %dma_start3A_268 = arith.constant 0 : i32
      %dma_start3A_269 = arith.constant 0 : i32
      %dma_start3A_270 = tpu.memref_slice %arg5[%add3A_219, %dma_start3A_266, %dma_start3A_267, %dma_start3A_268, %dma_start3A_269] : memref<200x8x32x8x128xf32, #tpu.memory_space<hbm>> -> memref<1x8x32x8x128xf32, #tpu.memory_space<hbm>>
      %dma_start3A_271 = tpu.memref_squeeze %dma_start3A_270 : memref<1x8x32x8x128xf32, #tpu.memory_space<hbm>> -> memref<8x32x8x128xf32, #tpu.memory_space<hbm>>
      %dma_start3A_272 = arith.constant 0 : i32
      %dma_start3A_273 = arith.constant 0 : i32
      %dma_start3A_274 = arith.constant 0 : i32
      %dma_start3A_275 = tpu.memref_slice %dma_start3A_271[%dma_start3A_272, %add3A, %dma_start3A_273, %dma_start3A_274] : memref<8x32x8x128xf32, #tpu.memory_space<hbm>> -> memref<8x1x8x128xf32, #tpu.memory_space<hbm>>
      %dma_start3A_276 = tpu.memref_squeeze %dma_start3A_275 : memref<8x1x8x128xf32, #tpu.memory_space<hbm>> -> memref<8x8x128xf32, #tpu.memory_space<hbm>>
      %dma_start3A_277 = arith.constant 0 : i32
      %dma_start3A_278 = arith.constant 0 : i32
      %dma_start3A_279 = arith.constant 0 : i32
      %dma_start3A_280 = tpu.memref_slice %arg13[%dma_start3A_277, %dma_start3A_278, %dma_start3A_279] : memref<8x8x129xf32, #tpu.memory_space<vmem>> -> memref<8x8x128xf32, #tpu.memory_space<vmem>>
      tpu.enqueue_dma source(%dma_start3A_280 : memref<8x8x128xf32, #tpu.memory_space<vmem>>) target(%dma_start3A_276 : memref<8x8x128xf32, #tpu.memory_space<hbm>>) target_semaphore(%arg22 : memref<!tpu.dma_semaphore, #tpu.memory_space<semaphore_mem>>)
      %mul3A_281 = arith.constant 4 : i32
      %mul3A_282 = arith.muli %mul3A_281, %scan3A_87 : i32
      %add3A_283 = arith.constant 3 : i32
      %add3A_284 = arith.addi %mul3A_282, %add3A_283 : i32
      %lt3A_285 = arith.constant 49 : i32
      %lt3A_286 = arith.cmpi slt, %scan3A_87, %lt3A_285 : i32
      %convert_element_type3A_287 = arith.extui %lt3A_286 : i1 to i32
      %cond3A_288 = arith.constant 0 : i32
      %cond3A_289 = arith.cmpi ne, %convert_element_type3A_287, %cond3A_288 : i32
      scf.if %cond3A_289 {
        %add3A_347 = arith.constant 3 : i32
        %add3A_348 = arith.addi %add3A_284, %add3A_347 : i32
        %dma_start3A_349 = arith.constant 0 : i32
        %dma_start3A_350 = tpu.memref_slice %arg6[%add3A_348, %dma_start3A_349] : memref<200x128xi32, #tpu.memory_space<vmem>> -> memref<1x128xi32, #tpu.memory_space<vmem>>
        %dma_start3A_351 = tpu.memref_squeeze %dma_start3A_350 : memref<1x128xi32, #tpu.memory_space<vmem>> -> memref<128xi32, #tpu.memory_space<vmem>>
        %dma_start3A_352 = arith.constant 0 : i32
        %dma_start3A_353 = arith.constant 0 : i32
        %dma_start3A_354 = tpu.memref_slice %arg3[%dma_start3A_352, %dma_start3A_353] : memref<1048576x64xf32, #tpu.memory_space<hbm>> -> memref<1048576x64xf32, #tpu.memory_space<hbm>>
        tpu.enqueue_indirect_dma source(%dma_start3A_354 : memref<1048576x64xf32, #tpu.memory_space<hbm>>) target(%arg9 : memref<128x64xf32, #tpu.memory_space<vmem>>) offsets(%dma_start3A_351 : memref<128xi32, #tpu.memory_space<vmem>>) semaphore(%arg18 : memref<!tpu.dma_semaphore, #tpu.memory_space<semaphore_mem>>)
      } else {
      }
      %dma_wait3A_290 = arith.constant 0 : i32
      %dma_wait3A_291 = arith.constant 0 : i32
      %dma_wait3A_292 = tpu.memref_slice %arg3[%dma_wait3A_290, %dma_wait3A_291] : memref<1048576x64xf32, #tpu.memory_space<hbm>> -> memref<128x64xf32, #tpu.memory_space<hbm>>
      %dma_wait3A_293 = arith.constant 0 : i32
      %dma_wait3A_294 = arith.constant 0 : i32
      %dma_wait3A_295 = tpu.memref_slice %arg3[%dma_wait3A_293, %dma_wait3A_294] : memref<1048576x64xf32, #tpu.memory_space<hbm>> -> memref<128x64xf32, #tpu.memory_space<hbm>>
      tpu.wait_dma2 semaphore(%arg19 : memref<!tpu.dma_semaphore, #tpu.memory_space<semaphore_mem>>) src(%dma_wait3A_295 : memref<128x64xf32, #tpu.memory_space<hbm>>) dst(%arg10 : memref<128x64xf32, #tpu.memory_space<vmem>>)
      %gt3A_296 = arith.constant 0 : i32
      %gt3A_297 = arith.cmpi sgt, %scan3A_87, %gt3A_296 : i32
      %convert_element_type3A_298 = arith.extui %gt3A_297 : i1 to i32
      %cond3A_299 = arith.constant 0 : i32
      %cond3A_300 = arith.cmpi ne, %convert_element_type3A_298, %cond3A_299 : i32
      scf.if %cond3A_300 {
        %dma_wait3A_347 = arith.constant 0 : i32
        %dma_wait3A_348 = arith.constant 0 : i32
        %dma_wait3A_349 = tpu.memref_slice %arg3[%dma_wait3A_347, %dma_wait3A_348] : memref<1048576x64xf32, #tpu.memory_space<hbm>> -> memref<128x64xf32, #tpu.memory_space<hbm>>
        %dma_wait3A_350 = arith.constant 0 : i32
        %dma_wait3A_351 = arith.constant 0 : i32
        %dma_wait3A_352 = tpu.memref_slice %arg3[%dma_wait3A_350, %dma_wait3A_351] : memref<1048576x64xf32, #tpu.memory_space<hbm>> -> memref<128x64xf32, #tpu.memory_space<hbm>>
        tpu.wait_dma2 semaphore(%arg23 : memref<!tpu.dma_semaphore, #tpu.memory_space<semaphore_mem>>) src(%dma_wait3A_352 : memref<128x64xf32, #tpu.memory_space<hbm>>) dst(%arg10 : memref<128x64xf32, #tpu.memory_space<vmem>>)
      } else {
      }
      %get3A_301 = arith.index_cast %add3A_284 : i32 to index
      %get3A_302 = arith.constant 0 : index
      %get3A_303 = tpu.vector_load %arg15[%get3A_301, %get3A_302] {strides = array<i32>} : memref<200x64xf32, #tpu.memory_space<vmem>>, vector<16xf32>,
      %get3A_304 = arith.index_cast %add3A_284 : i32 to index
      %get3A_305 = arith.constant 16 : index
      %get3A_306 = tpu.vector_load %arg15[%get3A_304, %get3A_305] {strides = array<i32>} : memref<200x64xf32, #tpu.memory_space<vmem>>, vector<16xf32>,
      %get3A_307 = arith.index_cast %add3A_284 : i32 to index
      %get3A_308 = arith.constant 32 : index
      %get3A_309 = tpu.vector_load %arg15[%get3A_307, %get3A_308] {strides = array<i32>} : memref<200x64xf32, #tpu.memory_space<vmem>>, vector<16xf32>,
      %get3A_310 = arith.index_cast %add3A_284 : i32 to index
      %get3A_311 = arith.constant 48 : index
      %get3A_312 = tpu.vector_load %arg15[%get3A_310, %get3A_311] {strides = array<i32>} : memref<200x64xf32, #tpu.memory_space<vmem>>, vector<16xf32>,
      %parallel_loop3A_313 = arith.constant 0 : i32
      %parallel_loop3A_314 = arith.constant 128 : i32
      %parallel_loop3A_315 = arith.constant 1 : i32
      scf.for %parallel_loop3A_347 = %parallel_loop3A_313 to %parallel_loop3A_314 step %parallel_loop3A_315  : i32 {
        %parallel_loop3A_348 = vector.broadcast %parallel_loop3A_347 : i32 to vector<16xi32>
        %parallel_loop3A_349 = arith.index_cast %parallel_loop3A_347 : i32 to index
        %parallel_loop3A_350 = arith.constant 0 : index
        %parallel_loop3A_351 = tpu.vector_load %arg10[%parallel_loop3A_349, %parallel_loop3A_350] {strides = array<i32>} : memref<128x64xf32, #tpu.memory_space<vmem>>, vector<16xf32>,
        %parallel_loop3A_352 = arith.addf %parallel_loop3A_351, %get3A_303 : vector<16xf32>
        tpu.vector_store_idx %arg14[%shift_right_arithmetic3A_17, %and3A_28, %parallel_loop3A_348], %parallel_loop3A_352 : memref<8x8x129xf32, #tpu.memory_space<vmem>>[vector<16xi32>, vector<16xi32>, vector<16xi32>], vector<16xf32>,
        %parallel_loop3A_353 = arith.index_cast %parallel_loop3A_347 : i32 to index
        %parallel_loop3A_354 = arith.constant 16 : index
        %parallel_loop3A_355 = tpu.vector_load %arg10[%parallel_loop3A_353, %parallel_loop3A_354] {strides = array<i32>} : memref<128x64xf32, #tpu.memory_space<vmem>>, vector<16xf32>,
        %parallel_loop3A_356 = arith.addf %parallel_loop3A_355, %get3A_306 : vector<16xf32>
        tpu.vector_store_idx %arg14[%shift_right_arithmetic3A_20, %and3A_31, %parallel_loop3A_348], %parallel_loop3A_356 : memref<8x8x129xf32, #tpu.memory_space<vmem>>[vector<16xi32>, vector<16xi32>, vector<16xi32>], vector<16xf32>,
        %parallel_loop3A_357 = arith.index_cast %parallel_loop3A_347 : i32 to index
        %parallel_loop3A_358 = arith.constant 32 : index
        %parallel_loop3A_359 = tpu.vector_load %arg10[%parallel_loop3A_357, %parallel_loop3A_358] {strides = array<i32>} : memref<128x64xf32, #tpu.memory_space<vmem>>, vector<16xf32>,
        %parallel_loop3A_360 = arith.addf %parallel_loop3A_359, %get3A_309 : vector<16xf32>
        tpu.vector_store_idx %arg14[%shift_right_arithmetic3A_23, %and3A_34, %parallel_loop3A_348], %parallel_loop3A_360 : memref<8x8x129xf32, #tpu.memory_space<vmem>>[vector<16xi32>, vector<16xi32>, vector<16xi32>], vector<16xf32>,
        %parallel_loop3A_361 = arith.index_cast %parallel_loop3A_347 : i32 to index
        %parallel_loop3A_362 = arith.constant 48 : index
        %parallel_loop3A_363 = tpu.vector_load %arg10[%parallel_loop3A_361, %parallel_loop3A_362] {strides = array<i32>} : memref<128x64xf32, #tpu.memory_space<vmem>>, vector<16xf32>,
        %parallel_loop3A_364 = arith.addf %parallel_loop3A_363, %get3A_312 : vector<16xf32>
        tpu.vector_store_idx %arg14[%shift_right_arithmetic3A_26, %and3A_37, %parallel_loop3A_348], %parallel_loop3A_364 : memref<8x8x129xf32, #tpu.memory_space<vmem>>[vector<16xi32>, vector<16xi32>, vector<16xi32>], vector<16xf32>,
      } {sc.loop_unroll_factor = 8 : i64, sc.parallel_access}
      %dma_start3A_316 = arith.constant 0 : i32
      %dma_start3A_317 = arith.constant 0 : i32
      %dma_start3A_318 = arith.constant 0 : i32
      %dma_start3A_319 = tpu.memref_slice %arg14[%dma_start3A_316, %dma_start3A_317, %dma_start3A_318] : memref<8x8x129xf32, #tpu.memory_space<vmem>> -> memref<8x8x128xf32, #tpu.memory_space<vmem>>
      %dma_start3A_320 = arith.constant 0 : i32
      %dma_start3A_321 = arith.constant 0 : i32
      %dma_start3A_322 = arith.constant 0 : i32
      %dma_start3A_323 = arith.constant 0 : i32
      %dma_start3A_324 = tpu.memref_slice %arg5[%add3A_284, %dma_start3A_320, %dma_start3A_321, %dma_start3A_322, %dma_start3A_323] : memref<200x8x32x8x128xf32, #tpu.memory_space<hbm>> -> memref<1x8x32x8x128xf32, #tpu.memory_space<hbm>>
      %dma_start3A_325 = tpu.memref_squeeze %dma_start3A_324 : memref<1x8x32x8x128xf32, #tpu.memory_space<hbm>> -> memref<8x32x8x128xf32, #tpu.memory_space<hbm>>
      %dma_start3A_326 = arith.constant 0 : i32
      %dma_start3A_327 = arith.constant 0 : i32
      %dma_start3A_328 = arith.constant 0 : i32
      %dma_start3A_329 = tpu.memref_slice %dma_start3A_325[%dma_start3A_326, %add3A, %dma_start3A_327, %dma_start3A_328] : memref<8x32x8x128xf32, #tpu.memory_space<hbm>> -> memref<8x1x8x128xf32, #tpu.memory_space<hbm>>
      %dma_start3A_330 = tpu.memref_squeeze %dma_start3A_329 : memref<8x1x8x128xf32, #tpu.memory_space<hbm>> -> memref<8x8x128xf32, #tpu.memory_space<hbm>>
      %dma_start3A_331 = arith.constant 0 : i32
      %dma_start3A_332 = arith.constant 0 : i32
      %dma_start3A_333 = arith.constant 0 : i32
      %dma_start3A_334 = arith.constant 0 : i32
      %dma_start3A_335 = tpu.memref_slice %arg5[%add3A_284, %dma_start3A_331, %dma_start3A_332, %dma_start3A_333, %dma_start3A_334] : memref<200x8x32x8x128xf32, #tpu.memory_space<hbm>> -> memref<1x8x32x8x128xf32, #tpu.memory_space<hbm>>
      %dma_start3A_336 = tpu.memref_squeeze %dma_start3A_335 : memref<1x8x32x8x128xf32, #tpu.memory_space<hbm>> -> memref<8x32x8x128xf32, #tpu.memory_space<hbm>>
      %dma_start3A_337 = arith.constant 0 : i32
      %dma_start3A_338 = arith.constant 0 : i32
      %dma_start3A_339 = arith.constant 0 : i32
      %dma_start3A_340 = tpu.memref_slice %dma_start3A_336[%dma_start3A_337, %add3A, %dma_start3A_338, %dma_start3A_339] : memref<8x32x8x128xf32, #tpu.memory_space<hbm>> -> memref<8x1x8x128xf32, #tpu.memory_space<hbm>>
      %dma_start3A_341 = tpu.memref_squeeze %dma_start3A_340 : memref<8x1x8x128xf32, #tpu.memory_space<hbm>> -> memref<8x8x128xf32, #tpu.memory_space<hbm>>
      %dma_start3A_342 = arith.constant 0 : i32
      %dma_start3A_343 = arith.constant 0 : i32
      %dma_start3A_344 = arith.constant 0 : i32
      %dma_start3A_345 = tpu.memref_slice %arg14[%dma_start3A_342, %dma_start3A_343, %dma_start3A_344] : memref<8x8x129xf32, #tpu.memory_space<vmem>> -> memref<8x8x128xf32, #tpu.memory_space<vmem>>
      tpu.enqueue_dma source(%dma_start3A_345 : memref<8x8x128xf32, #tpu.memory_space<vmem>>) target(%dma_start3A_341 : memref<8x8x128xf32, #tpu.memory_space<hbm>>) target_semaphore(%arg23 : memref<!tpu.dma_semaphore, #tpu.memory_space<semaphore_mem>>)
      %scan3A_346 = arith.constant 0 : i32
      scf.yield %scan3A_346 : i32
    }
    %scan3A_63 = arith.constant 50 : i32
    %dma_wait3A = arith.constant 0 : i32
    %dma_wait3A_64 = arith.constant 0 : i32
    %dma_wait3A_65 = tpu.memref_slice %arg3[%dma_wait3A, %dma_wait3A_64] : memref<1048576x64xf32, #tpu.memory_space<hbm>> -> memref<128x64xf32, #tpu.memory_space<hbm>>
    %dma_wait3A_66 = arith.constant 0 : i32
    %dma_wait3A_67 = arith.constant 0 : i32
    %dma_wait3A_68 = tpu.memref_slice %arg3[%dma_wait3A_66, %dma_wait3A_67] : memref<1048576x64xf32, #tpu.memory_space<hbm>> -> memref<128x64xf32, #tpu.memory_space<hbm>>
    tpu.wait_dma2 semaphore(%arg20 : memref<!tpu.dma_semaphore, #tpu.memory_space<semaphore_mem>>) src(%dma_wait3A_68 : memref<128x64xf32, #tpu.memory_space<hbm>>) dst(%arg7 : memref<128x64xf32, #tpu.memory_space<vmem>>)
    %dma_wait3A_69 = arith.constant 0 : i32
    %dma_wait3A_70 = arith.constant 0 : i32
    %dma_wait3A_71 = tpu.memref_slice %arg3[%dma_wait3A_69, %dma_wait3A_70] : memref<1048576x64xf32, #tpu.memory_space<hbm>> -> memref<128x64xf32, #tpu.memory_space<hbm>>
    %dma_wait3A_72 = arith.constant 0 : i32
    %dma_wait3A_73 = arith.constant 0 : i32
    %dma_wait3A_74 = tpu.memref_slice %arg3[%dma_wait3A_72, %dma_wait3A_73] : memref<1048576x64xf32, #tpu.memory_space<hbm>> -> memref<128x64xf32, #tpu.memory_space<hbm>>
    tpu.wait_dma2 semaphore(%arg21 : memref<!tpu.dma_semaphore, #tpu.memory_space<semaphore_mem>>) src(%dma_wait3A_74 : memref<128x64xf32, #tpu.memory_space<hbm>>) dst(%arg8 : memref<128x64xf32, #tpu.memory_space<vmem>>)
    %dma_wait3A_75 = arith.constant 0 : i32
    %dma_wait3A_76 = arith.constant 0 : i32
    %dma_wait3A_77 = tpu.memref_slice %arg3[%dma_wait3A_75, %dma_wait3A_76] : memref<1048576x64xf32, #tpu.memory_space<hbm>> -> memref<128x64xf32, #tpu.memory_space<hbm>>
    %dma_wait3A_78 = arith.constant 0 : i32
    %dma_wait3A_79 = arith.constant 0 : i32
    %dma_wait3A_80 = tpu.memref_slice %arg3[%dma_wait3A_78, %dma_wait3A_79] : memref<1048576x64xf32, #tpu.memory_space<hbm>> -> memref<128x64xf32, #tpu.memory_space<hbm>>
    tpu.wait_dma2 semaphore(%arg22 : memref<!tpu.dma_semaphore, #tpu.memory_space<semaphore_mem>>) src(%dma_wait3A_80 : memref<128x64xf32, #tpu.memory_space<hbm>>) dst(%arg9 : memref<128x64xf32, #tpu.memory_space<vmem>>)
    %dma_wait3A_81 = arith.constant 0 : i32
    %dma_wait3A_82 = arith.constant 0 : i32
    %dma_wait3A_83 = tpu.memref_slice %arg3[%dma_wait3A_81, %dma_wait3A_82] : memref<1048576x64xf32, #tpu.memory_space<hbm>> -> memref<128x64xf32, #tpu.memory_space<hbm>>
    %dma_wait3A_84 = arith.constant 0 : i32
    %dma_wait3A_85 = arith.constant 0 : i32
    %dma_wait3A_86 = tpu.memref_slice %arg3[%dma_wait3A_84, %dma_wait3A_85] : memref<1048576x64xf32, #tpu.memory_space<hbm>> -> memref<128x64xf32, #tpu.memory_space<hbm>>
    tpu.wait_dma2 semaphore(%arg23 : memref<!tpu.dma_semaphore, #tpu.memory_space<semaphore_mem>>) src(%dma_wait3A_86 : memref<128x64xf32, #tpu.memory_space<hbm>>) dst(%arg10 : memref<128x64xf32, #tpu.memory_space<vmem>>)
    return
  }
}

module attributes {stable_mosaic.version = 14 : i64} {
  func.func @_detile_body(%arg0: i32, %arg1: memref<64x16384xf32, #tpu.memory_space<vmem>>, %arg2: memref<64x16384xf32, #tpu.memory_space<vmem>>, %arg3: memref<16384x128xf32, #tpu.memory_space<vmem>>) attributes {dimension_semantics = [#tpu.dimension_semantics<arbitrary>], iteration_bounds = array<i64: 32>, scalar_prefetch = 0 : i64, scratch_operands = 0 : i64, tpu.core_type = #tpu.core_type<tc>, window_params = [{transform_indices = @transform_0, window_bounds = array<i64: 64, 16384>}, {transform_indices = @transform_1, window_bounds = array<i64: 64, 16384>}, {transform_indices = @transform_2, window_bounds = array<i64: 16384, 128>}]} {
    %get3A = arith.constant 0 : index
    %get3A_0 = arith.constant 0 : index
    %get3A_1 = vector.load %arg1[%get3A, %get3A_0] : memref<64x16384xf32, #tpu.memory_space<vmem>>, vector<64x16384xf32>
    %transpose3A = tpu.transpose %get3A_1, [1, 0] : vector<64x16384xf32> -> vector<16384x64xf32>
    %swap3A = arith.constant 0 : index
    %swap3A_2 = arith.constant 0 : index
    %swap3A_3 = vector.load %arg3[%swap3A, %swap3A_2] : memref<16384x128xf32, #tpu.memory_space<vmem>>, vector<16384x64xf32>
    tpu.vector_store %arg3[%swap3A, %swap3A_2], %transpose3A {strides = array<i32>} : memref<16384x128xf32, #tpu.memory_space<vmem>>, vector<16384x64xf32>,
    %get3A_4 = arith.constant 0 : index
    %get3A_5 = arith.constant 0 : index
    %get3A_6 = vector.load %arg2[%get3A_4, %get3A_5] : memref<64x16384xf32, #tpu.memory_space<vmem>>, vector<64x16384xf32>
    %transpose3A_7 = tpu.transpose %get3A_6, [1, 0] : vector<64x16384xf32> -> vector<16384x64xf32>
    %swap3A_8 = arith.constant 0 : index
    %swap3A_9 = arith.constant 64 : index
    %swap3A_10 = vector.load %arg3[%swap3A_8, %swap3A_9] : memref<16384x128xf32, #tpu.memory_space<vmem>>, vector<16384x64xf32>
    tpu.vector_store %arg3[%swap3A_8, %swap3A_9], %transpose3A_7 {strides = array<i32>} : memref<16384x128xf32, #tpu.memory_space<vmem>>, vector<16384x64xf32>,
    return
  }
  func.func @transform_0(%arg0: i32) -> (i32, i32) {
    %c0_i32 = arith.constant 0 : i32
    %c0_i32_0 = arith.constant 0 : i32
    return %c0_i32, %arg0 : i32, i32
  }
  func.func @transform_1(%arg0: i32) -> (i32, i32) {
    %add3A = arith.constant 32 : i32
    %add3A_0 = arith.addi %arg0, %add3A : i32
    %min3A = arith.constant 61 : i32
    %min3A_1 = arith.minsi %add3A_0, %min3A : i32
    %c0_i32 = arith.constant 0 : i32
    %c0_i32_2 = arith.constant 0 : i32
    return %c0_i32, %min3A_1 : i32, i32
  }
  func.func @transform_2(%arg0: i32) -> (i32, i32) {
    %c0_i32 = arith.constant 0 : i32
    %c0_i32_0 = arith.constant 0 : i32
    return %arg0, %c0_i32 : i32, i32
  }
}

</mosaic_0001>

<sc_bundles>
// kernel: kernel.4.cloned.1.call-start
scs
__scs_entry_jumppad:
0x0: {  	(pc) =	sbr.rel $0x88, $3  }
0x1: {  	(tag) =	ssettag $0x0;
	lr =	simm.s32 $0x1  }
0x2: {  	[smem:$0x3F9E] =	sst lr;
	_ =	strace $0xD0000000  }
0x3: {  	_ = 	snop  }
0x4: {  	_ = 	snop  }
0x5: {  	_ = 	snop  }
0x6: {  	_ = 	snop  }
0x7: {  	_ = 	snop  }
__scs_overlays_trampoline_lowered:
0x8: {  	[smem:$0x3FAD] =	sst s0  }
0x9: {  	[smem:$0x3FAE] =	sst s1  }
0xa: {  	[smem:$0x3FAF] =	sst s2  }
0xb: {  	[smem:$0x3FB0] =	sst s3  }
0xc: {  	[smem:$0x3FB1] =	sst s4  }
0xd: {  	[smem:$0x3FB2] =	sst s5  }
0xe: {  	[smem:$0x3FB3] =	sst s6  }
0xf: {  	[smem:$0x3FB4] =	sst s7  }
0x10: {  	[smem:$0x3FB5] =	sst s8  }
0x11: {  	[smem:$0x3FB6] =	sst s9;
	s0 =	simm.s32 @!p0 $0x0  }
0x12: {  	s1 =	sld [smem:$0x3F9C];
	s0 =	simm.s32 @p0 $0x1  }
0x13: {  	[smem:$0x3FB7] =	sst s0;
	s0 =	simm.s32 @!p1 $0x0  }
0x14: {  	s2 =	sld [smem:$0x3F9B];
	s0 =	simm.s32 @p1 $0x1  }
0x15: {  	[smem:$0x3FB8] =	sst s0;
	s0 =	simm.s32 @!p2 $0x0  }
0x16: {  	s3 =	sld [smem:$0x3FDB];
	s0 =	simm.s32 @p2 $0x1  }
0x17: {  	s4 =	simm.s32 $0x1BF5;
	[smem:$0x3FBA] =	sst s0  }
0x18: {  	s0 =	sld [smem:$0x3F9D];
	_ =	swait.ge [sflag:s4], $0x0  }
0x19: {  	s7 =	sld [smem:$0x3F9E]  }
0x1a: {  	s8 =	sadd.s32 $0xFFFFE003, lr  }
0x1b: {  	s9 =	sadd.s32 $0xFFFFFEF7, lr;
	s5 =	simm.s32 $0xFFFFFFFF;
	p2 =	slt.u32 s8, $0xFFFFF086  }
0x1c: {  	p1 =	slt.u32 s9, $0xF7A;
	s5 =	simm.s32 @!p2 $0x0  }
0x1d: {  	s5 =	simm.s32 @p1 $0x1;
	p0 =	seq.s32 s7, s2  }
0x1e: {  	s7 =	smul.u32 @!p0 $0xF7A, s2;
	p2 =	seq.s32 @!p0 s5, $0x0  }
0x1f: {  	s9 =	smul.u32 $0xF7A, s1;
	s8 =	simm.s32 @!p0 $0x1BF5;
	p2 =	por !p2, p0  }
0x20: {  	[sflag:s8] =	ssyncset.s32 @!p0 $0xFFFFF086;
	s6 =	sadd.s32 @!p0 s3, s7;
	s7 =	simm.s32 @!p0 $0x108  }
0x21: {  	s3 =	sadd.s32 s3, s9;
	s6 =	sadd.s32 @!p0 $0x88, s6;
	s7 =	simm.s32 @p2 $0x1082  }
0x22: {  	[simem:s7], [sflag:s8] =	dma.local @!p0 [hbm:s6], $0xF7A  }
0x23: {  	s9 =	sor.u32 $0xD0000000, s2;
	s6 =	simm.s32 $0x108;
	_ =	swait.ge @!p0 [sflag:s8], $0x0  }
0x24: {  	s3 =	sadd.s32 $0x88, s3;
	s6 =	simm.s32 @!p1 $0x1082;
	[sflag:s4] =	ssyncset.s32 $0xFFFFF086  }
0x25: {  	[simem:s6], [sflag:s4] =	dma.local [hbm:s3], $0xF7A  }
0x26: {  	[smem:$0x3F9E] =	sst s1;
	(tag) =	ssettag s2;
	_ =	strace s9  }
0x27: {  	s1 =	sld [smem:$0x3FAE]  }
0x28: {  	s2 =	sld [smem:$0x3FAF]  }
0x29: {  	s4 =	sld [smem:$0x3FB1]  }
0x2a: {  	p0 =	seq.s32 s5, $0x0;
	s5 =	sld [smem:$0x3FB2]  }
0x2b: {  	s6 =	sld [smem:$0x3FB3]  }
0x2c: {  	s7 =	sld [smem:$0x3FB4]  }
0x2d: {  	s3 =	simm.s32 $0x108;
	s8 =	sld [smem:$0x3FB5]  }
0x2e: {  	s3 =	simm.s32 @!p0 $0x1082;
	s9 =	sld [smem:$0x3FB6]  }
0x2f: {  	lr =	sadd.s32 s0, s3;
	s0 =	sld [smem:$0x3FAD]  }
0x30: {  	s3 =	sld [smem:$0x3FB0]  }
0x31: {  	[smem:$0x3FB9] =	sst s10  }
0x32: {  	s10 =	sld [smem:$0x3FB7];
	_ =	sdelay $0x3  }
0x33: {  	p0 =	seq.s32 s10, $0x1;
	s10 =	sld [smem:$0x3FB9];
	_ =	sdelay $0x3  }
0x34: {  	[smem:$0x3FB9] =	sst s10  }
0x35: {  	s10 =	sld [smem:$0x3FB8];
	_ =	sdelay $0x3  }
0x36: {  	p1 =	seq.s32 s10, $0x1;
	s10 =	sld [smem:$0x3FB9];
	_ =	sdelay $0x3  }
0x37: {  	[smem:$0x3FB9] =	sst s10  }
0x38: {  	s10 =	sld [smem:$0x3FBA]  }
0x39: {  	_ = 	snop;
	(pc) =	sbr.ind lr, $3  }
0x3a: {  	_ = 	snop  }
0x3b: {  	_ = 	snop  }
0x3c: {  	p2 =	seq.s32 s10, $0x1;
	s10 =	sld [smem:$0x3FB9]  }
0x3d: {  	_ =	shalt  }
0x3e: {  	_ =	shalt  }
0x3f: {  	_ =	shalt  }
0x40: {  	_ =	shalt  }
0x41: {  	_ =	shalt  }
0x42: {  	_ =	shalt  }
0x43: {  	_ =	shalt  }
0x44: {  	_ =	shalt  }
0x45: {  	_ =	shalt  }
0x46: {  	_ =	shalt  }
0x47: {  	_ =	shalt  }
0x48: {  	_ =	shalt  }
0x49: {  	_ =	shalt  }
0x4a: {  	_ =	shalt  }
0x4b: {  	_ =	shalt  }
0x4c: {  	_ =	shalt  }
0x4d: {  	_ =	shalt  }
0x4e: {  	_ =	shalt  }
0x4f: {  	_ =	shalt  }
0x50: {  	_ =	shalt  }
0x51: {  	_ =	shalt  }
0x52: {  	_ =	shalt  }
0x53: {  	_ =	shalt  }
0x54: {  	_ =	shalt  }
0x55: {  	_ =	shalt  }
0x56: {  	_ =	shalt  }
0x57: {  	_ =	shalt  }
0x58: {  	_ =	shalt  }
0x59: {  	_ =	shalt  }
0x5a: {  	_ =	shalt  }
0x5b: {  	_ =	shalt  }
0x5c: {  	_ =	shalt  }
0x5d: {  	_ =	shalt  }
0x5e: {  	_ =	shalt  }
0x5f: {  	_ =	shalt  }
0x60: {  	_ =	shalt  }
0x61: {  	_ =	shalt  }
0x62: {  	_ =	shalt  }
0x63: {  	_ =	shalt  }
0x64: {  	_ =	shalt  }
0x65: {  	_ =	shalt  }
0x66: {  	_ =	shalt  }
0x67: {  	_ =	shalt  }
0x68: {  	_ =	shalt  }
0x69: {  	_ =	shalt  }
0x6a: {  	_ =	shalt  }
0x6b: {  	_ =	shalt  }
0x6c: {  	_ =	shalt  }
0x6d: {  	_ =	shalt  }
0x6e: {  	_ =	shalt  }
0x6f: {  	_ =	shalt  }
0x70: {  	_ =	shalt  }
0x71: {  	_ =	shalt  }
0x72: {  	_ =	shalt  }
0x73: {  	_ =	shalt  }
0x74: {  	_ =	shalt  }
0x75: {  	_ =	shalt  }
0x76: {  	_ =	shalt  }
0x77: {  	_ =	shalt  }
0x78: {  	_ =	shalt  }
0x79: {  	_ =	shalt  }
0x7a: {  	_ =	shalt  }
0x7b: {  	_ =	shalt  }
0x7c: {  	_ =	shalt  }
0x7d: {  	_ =	shalt  }
0x7e: {  	_ =	shalt  }
0x7f: {  	_ =	shalt  }
0x80: {  	_ =	shalt  }
0x81: {  	_ =	shalt  }
0x82: {  	_ =	shalt  }
0x83: {  	_ =	shalt  }
0x84: {  	_ =	shalt  }
0x85: {  	_ =	shalt  }
0x86: {  	_ =	shalt  }
0x87: {  	_ =	shalt  }
.Lfunc_end0:
.L_simem_size_0:
called_computation_lowered:
.L_overlay_start_0:
0x88: {  	s2 =	sld [smem:$0x3FD9]  }
0x89: {  	s3 =	sld [smem:$0x3FFE];
	_ =	sdelay $0x1  }
0x8a: {  	s1 =	srdreg.scid  }
0x8b: {  	s0 =	sand.u32 $0x1, s1  }
0x8c: {  	s17 =	sshll.u32 s0, $0xA;
	s2 =	sadd.s32 s3, s2  }
0x8d: {  	s2 =	sadd.s32 s2, s17  }
0x8e: {  	[smem:$0x3FC5] =	sst s2  }
0x8f: {  	_ = 	snop  }
0x90: {  	s2 =	sld [smem:$0x3FD0];
	(tm) =	ssettm $0x1  }
0x91: {  	s18 =	sld [smem:$0x3FFB];
	_ =	sdelay $0x3  }
0x92: {  	_ =	strace s18  }
0x93: {  	s3 =	sld [smem:$0x3FFC];
	_ =	sdelay $0x3  }
0x94: {  	_ =	strace s3  }
0x95: {  	s3 =	sld [smem:$0x3FFD];
	_ =	sdelay $0x3  }
0x96: {  	_ =	strace s3  }
0x97: {  	_ =	strace $0x8FFFFFFF  }
0x98: {  	s19 =	sld [smem:$0x3FDB];
	_ =	sdelay $0x1  }
0x99: {  	s4 =	simm.s32 $_scs_section_size  }
0x9a: {  	s5 =	simm.s32 $_size__tile_overlayer_lowered;
	s6 =	simm.s32 $_tile_overlayer_lowered  }
0x9b: {  	s22 =	simm.s32 $0x1BFF;
	s21 =	sshll.u32 s6, $0x1;
	s3 =	sadd.s32 s4, s19  }
0x9c: {  	s7 =	simm.s32 $0x0;
	s20 =	sshll.u32 s5, $0x1;
	s5 =	sadd.s32 s21, s3  }
0x9d: {  	[timem:s7], [sflag:s22] =	dma.local [hbm:s5], s20  }
0x9e: {  	_ =	swait.ge [sflag:s22], s20  }
0x9f: {  	s4 =	ssub.s32 $0x0, s20;
	[sflag:s22] =	ssyncset.done $0x0  }
0xa0: {  	[sflag:s22] =	ssyncadd.s32 s4;
	_ =	sdelay $0x1  }
0xa1: {  	s23 =	simm.s32 $0x1B8B  }
0xa2: {  	_ =	swait.ge [sflag:s23], $0x1  }
0xa3: {  	[sflag:s23] =	ssyncset.done $0x0  }
0xa4: {  	s25 =	simm.s32 $0x1B8E;
	s24 =	sld [smem:$0x3FFE];
	[sflag:s23] =	ssyncadd.s32 $0xFFFFFFFF  }
0xa5: {  	s26 =	simm.s32 $execute0_lowered;
	[smem:$0x3FD2] =	sst s25  }
0xa6: {  	s5 =	sshll.u32 s26, $0x1;
	_ =	strace $0x80000046;
	[dreg:$0x1] =	wrdreg $0xFFFFFFFF  }
0xa7: {  	s28 =	simm.s32 $_size_execute0_lowered;
	s3 =	sadd.s32 s3, s5;
	[dreg:$0x0] =	wrdreg $0x0  }
0xa8: {  	s5 =	sshll.u32 s28, $0x1;
	[dreg:$0x2] =	wrdreg s3  }
0xa9: {  	[dreg:$0x3] =	wrdreg s5  }
0xaa: {  	[dreg:$0x4] =	wrdreg $0xC0  }
0xab: {  	_ =	task [dreg:s7], $0x5FFFF  }
0xac: {  	[dreg:$0x1] =	wrdreg $0xFFFFFFFF  }
0xad: {  	[dreg:$0x0] =	wrdreg $0x60  }
0xae: {  	[dreg:$0x2] =	wrdreg s24  }
0xaf: {  	[dreg:$0x3] =	wrdreg s2  }
0xb0: {  	[dreg:$0x4] =	wrdreg $0x9  }
0xb1: {  	_ =	task.clear_ibuf [dreg:s7], $0x5FFFF;
	_ =	strace $0x90000046  }
0xb2: {  	s29 =	simm.s32 $0x9;
	_ =	strace $0x80000048  }
0xb3: {  	_ =	swait.ge [sflag:s29], $0x1  }
0xb4: {  	[sflag:s29] =	ssyncadd.s32 $0xFFFFFFFF  }
0xb5: {  	_ =	strace $0x90000048  }
0xb6: {  	_ =	sfence  }
0xb7: {  	s30 =	sld [smem:$0x0];
	_ =	sdelay $0x2  }
0xb8: {  	s31 =	sshll.u32 s1, $0xD;
	s1 =	sshrl.u32 s1, $0x2  }
0xb9: {  	s3 =	sand.u32 $0x4000, s31;
	s1 =	sadd.s32 s1, s30  }
0xba: {  	s0 =	sor.u32 s3, s0;
	s1 =	sshll.u32 s1, $0x11  }
0xbb: {  	s0 =	sor.u32 s1, s0  }
0xbc: {  	s0 =	sadd.s32 $0x8F2B, s0  }
0xbd: {  	[sflag:s0] =	ssyncadd.remote.s32 $0x1  }
0xbe: {  	_ =	sfence.sel $0xFFFF  }
0xbf: {  	[dreg:$0x0] =	wrdreg $0xFFFFFFFF;
	(pc) =	sbr.abs _section_cstart, $3  }
0xc0: {  	[dreg:$0x1] =	wrdreg $0xFFFFFFFF  }
0xc1: {  	_ =	task.clear_ibuf [dreg:s7], $0x2FFFF;
	_ =	strace $0x9FFFFFFF  }
0xc2: {  	(tm) =	ssettm $0x7FFFFFFF  }
0xc3: {  	_ =	shalt  }
tec
execute0_lowered:
.L_overlay_start_1:
0x0: {  	(tag) =	ssettag $0x1  }
0x1: {  	s0 =	srdreg.scid;
	s2 =	stileid.u32;
	v0 =	vlaneseq.u32  }
0x2: {  	s0 =	sand.u32 $0x1, s0;
	s3 =	sshll.u32 s2, $0x1;
	v2 =	vmul.u32 $0x88, v0  }
0x3: {  	s1 =	rddreg [dreg:$0x0];
	vm0 =	vcmask $0x300;
	v0 =	vimm.s32 $0x0;
	s5 =	sor.u32 s0, s3;
	s3 =	simm.s32 $0x0  }
0x4: {  	v1 =	vsel vm0, $0x3, v0;
	[smem:$0x7FF] =	sst s3;
	v0 =	vadd.s32 $0x882, v2  }
0x5: {  	s2 =	rddreg [dreg:$0x1];
	_ =	strace $0x80000047;
	[tilespmem:$0x1FE00] =	vst v0  }
0x6: {  	v53 =	vadd.s32 $0x1100, v2;
	[tilespmem:$0x1FE50] =	vst v2  }
0x7: {  	v3 =	vadd.s32 $0x1980, v2;
	[tilespmem:$0x1FE70] =	vst v53  }
0x8: {  	v4 =	vadd.s32 $0x1983, v2;
	[tilespmem:$0x1FE80] =	vst v3  }
0x9: {  	v11 =	vor.u32 $0x1, v2;
	[tilespmem:$0x1FE90] =	vst v4  }
0xa: {  	v39 =	vadd.s32 $0x881, v2;
	[tilespmem:$0x1FEA0] =	vst v11  }
0xb: {  	v60 =	vadd.s32 $0x1101, v2;
	[tilespmem:$0x1FEB0] =	vst v39  }
0xc: {  	v19 =	vadd.s32 $0x880, v2;
	[tilespmem:$0x1FEC0] =	vst v60  }
0xd: {  	v49 =	vadd.s32 $0x1981, v2;
	[tilespmem:$0x1FED0] =	vst v19  }
0xe: {  	v30 =	vor.u32 $0x2, v2;
	[tilespmem:$0x1FEE0] =	vst v49  }
0xf: {  	v18 =	vadd.s32 $0x1102, v2;
	[tilespmem:$0x1FEF0] =	vst v30  }
0x10: {  	v21 =	vadd.s32 $0x1982, v2;
	[tilespmem:$0x1FF00] =	vst v18  }
0x11: {  	v24 =	vadd.s32 $0x883, v2;
	[tilespmem:$0x1FF10] =	vst v21  }
0x12: {  	v20 =	vadd.s32 $0x1103, v2;
	[tilespmem:$0x1FF20] =	vst v24  }
0x13: {  	v28 =	vor.u32 $0x4, v2;
	[tilespmem:$0x1FF30] =	vst v20  }
0x14: {  	v22 =	vadd.s32 $0x884, v2;
	[tilespmem:$0x1FF40] =	vst v28  }
0x15: {  	v26 =	vor.u32 $0x5, v2;
	[tilespmem:$0x1FF50] =	vst v22  }
0x16: {  	v23 =	vadd.s32 $0x885, v2;
	[tilespmem:$0x1FF60] =	vst v26  }
0x17: {  	v31 =	vadd.s32 $0x1105, v2;
	[tilespmem:$0x1FF70] =	vst v23  }
0x18: {  	v25 =	vor.u32 $0x6, v2;
	[tilespmem:$0x1FF80] =	vst v31  }
0x19: {  	v32 =	vadd.s32 $0x886, v2;
	[tilespmem:$0x1FF90] =	vst v25  }
0x1a: {  	v51 =	vadd.s32 $0x1106, v2;
	[tilespmem:$0x1FFA0] =	vst v32  }
0x1b: {  	s11 =	simm.s32 $0x80;
	v29 =	vor.u32 $0x7, v2;
	[tilespmem:$0x1FFB0] =	vst v51  }
0x1c: {  	s15 =	simm.s32 $0xA400;
	s16 =	simm.s32 $0xC400;
	s17 =	simm.s32 $0x1;
	v57 =	vadd.s32 $0x887, v2;
	[tilespmem:$0x1FFC0] =	vst v29  }
0x1d: {  	s18 =	simm.s32 $0xE400;
	s19 =	simm.s32 $0x2;
	s20 =	simm.s32 $0x6;
	v63 =	vadd.s32 $0x1107, v2;
	[tilespmem:$0x1FFD0] =	vst v57  }
0x1e: {  	s21 =	simm.s32 $0x10600;
	s22 =	simm.s32 $0x3;
	s0 =	ssub.s32 $0x2, s0;
	v58 =	vadd.s32 $0x1104, v2;
	[tilespmem:$0x1FFE0] =	vst v63  }
0x1f: {  	s23 =	simm.s32 $0x7;
	s4 =	smul.u32 $0xC80, s5;
	s7 =	sshrl.u32 s0, $0x1;
	v0 =	vor.u32 $0x3, v2;
	[tilespmem:$0x1FFF0] =	vst v58  }
0x20: {  	s24 =	simm.s32 $0x12800;
	s25 =	simm.s32 $0x4;
	s0 =	ssub.s32 s0, s7;
	[tilespmem:$0x1FE10] =	vst v0;
	v0 =	vadd.s32 $0x1984, v2  }
0x21: {  	s6 =	sadd.s32 s4, s1;
	s4 =	sadd.s32 $0x19C00, s1;
	s1 =	sadd.s32 $0x400, s1;
	[tilespmem:$0x1FE20] =	vst v0;
	v0 =	vadd.s32 $0x1985, v2  }
0x22: {  	s26 =	simm.s32 $0x8;
	s0 =	smax.u32 s0, $0x1;
	[dreg:$0x3] =	wrdreg s1;
	[tilespmem:$0x1FE30] =	vst v0;
	v0 =	vadd.s32 $0x1986, v2  }
0x23: {  	s28 =	simm.s32 $0x14A00;
	s31 =	sadd.s32 $0xC00, s6;
	[dreg:$0x5] =	wrdreg s0;
	[tilespmem:$0x1FE40] =	vst v0;
	v0 =	vadd.s32 $0x1987, v2  }
0x24: {  	s7 =	sshll.u32 s5, $0x7;
	s1 =	simm.s32 $0x0;
	[dreg:$0x4] =	wrdreg s31;
	[tilespmem:$0x1FE60] =	vst v0  }
.LBB2_1:
0x25: {  	[dreg:$0x6] =	wrdreg s1  }
0x26: {  	s0 =	rddreg [dreg:$0x3];
	s10 =	simm.s32 $0x16C00;
	s12 =	simm.s32 $0x9  }
0x27: {  	[tilespmem:s10], [sflag:$0x9] =	stream.linear.gather [hbm4b:s0+s3], $0x3200, $0x38;
	[tilespmem:$0x19E00] =	vst v63  }
0x28: {  	_ =	swait.ge [sflag:s12], $0x3200  }
0x29: {  	[sflag:s12] =	ssyncset.done $0x0  }
0x2a: {  	s13 =	rddreg [dreg:$0x4];
	[sflag:s12] =	ssyncadd.s32 $0xFFFFCE00  }
0x2b: {  	[tilespmem:s3], [sflag:$0x9] =	stream.linear.gather [hbm4b:s13+s3], $0x6400, $0x38;
	[tilespmem:$0x19E00] =	vst v63  }
0x2c: {  	_ =	swait.ge [sflag:s12], $0x6400  }
0x2d: {  	[sflag:s12] =	ssyncset.done $0x0  }
0x2e: {  	s14 =	simm.s32 $0x6400;
	[sflag:s12] =	ssyncadd.s32 $0xFFFF9C00  }
0x2f: {  	[tilespmem:s14], [sflag:$0x1] =	stream.indirect.gather [hbm4b:s4+s11], $0x40, s3, s11, $0xb8;
	[tilespmem:$0x19E00] =	vst v63  }
0x30: {  	s29 =	simm.s32 $0x8400  }
0x31: {  	[tilespmem:s29], [sflag:$0x2] =	stream.indirect.gather [hbm4b:s4+s11], $0x40, s11, s11, $0xb8;
	[tilespmem:$0x19E00] =	vst v63  }
0x32: {  	s30 =	simm.s32 $0x100;
	s31 =	simm.s32 $0x0  }
0x33: {  	[tilespmem:s15], [sflag:$0x3] =	stream.indirect.gather [hbm4b:s4+s11], $0x40, s30, s11, $0xb8;
	[tilespmem:$0x19E00] =	vst v63  }
.LBB2_2:
0x34: {  	s1 =	sshllo.u32 s31, $0x2  }
0x35: {  	s0 =	sshll.u32 s1, $0x7  }
0x36: {  	s0 =	sand.u32 $0x3FFFFF80, s0  }
0x37: {  	[tilespmem:s16], [sflag:$0x4] =	stream.indirect.gather [hbm4b:s4+s11], $0x40, s0, s11, $0xb8;
	[tilespmem:$0x19E00] =	vst v63  }
0x38: {  	_ =	swait.ge [sflag:s17], $0x2000  }
0x39: {  	p0 =	seq.s32 s31, $0x0;
	[sflag:s17] =	ssyncset.done $0x0  }
0x3a: {  	s14 =	simm.s32 $0x1;
	s0 =	simm.s32 @!p0 $0x5;
	[sflag:s17] =	ssyncadd.s32 $0xFFFFE000  }
0x3b: {  	s13 =	simm.s32 $0x4;
	v5 =	vmov s14;
	_ =	swait.ge @!p0 [sflag:s0], $0x2000  }
0x3c: {  	s12 =	sshll.u32 s31, $0x8;
	s9 =	simm.s32 $0x2;
	v3 =	vmov s13;
	v5 =	vshrl.u32 v5, $0x3;
	[sflag:s0] =	ssyncset.done @!p0 $0x0  }
0x3d: {  	v6 =	vmov s9;
	v3 =	vshrl.u32 v3, $0x3;
	v5 =	vshll.u32 v5, v1;
	v27 =	vld [tilespmem:$0x1FE10];
	[sflag:s0] =	ssyncadd.s32 @!p0 $0xFFFFE000;
	s0 =	sand.u32 $0x3FFFFF00, s12  }
0x3e: {  	s29 =	simm.s32 $0x3;
	s14 =	simm.s32 $0x6500;
	v6 =	vshrl.u32 v6, $0x3;
	v3 =	vshll.u32 v3, v1;
	v5 =	vbroadcast v5, $0x0;
	v36 =	vld [tilespmem:s0+$0x16C00]  }
0x3f: {  	v6 =	vshll.u32 v6, v1;
	v44 =	vbroadcast v3, $0x0;
	v3 =	vmov s29;
	v7 =	vld [tilespmem:s14+$0x0]  }
0x40: {  	v62 =	vmovc v11;
	v3 =	vshrl.u32 v3, $0x3;
	v10 =	vadd.s32 v11, v5;
	v11 =	vadd.s32 v49, v5;
	v8 =	vld [tilespmem:s14+$0xFFFFFF40]  }
0x41: {  	v37 =	vbroadcast v6, $0x0;
	v6 =	vadd.s32 v28, v44;
	v3 =	vshll.u32 v3, v1;
	v9 =	vld [tilespmem:s14+$0xFFFFFF80];
	[tilespmem:$0x1FDA0] =	vst v11  }
0x42: {  	s5 =	simm.s32 $0x0;
	v56 =	vbroadcast v3, $0x0;
	v11 =	vld [tilespmem:s14+$0xFFFFFFC0]  }
0x43: {  	v0 =	vmov s5;
	v12 =	vadd.s32 v30, v37  }
0x44: {  	s8 =	simm.s32 $0x5;
	v0 =	vshrl.u32 v0, $0x3;
	v35 =	vld [tilespmem:s0+$0x16C10];
	v15 =	vadd.s32 v27, v56;
	v7 =	vadd.f32 v7, v36  }
0x45: {  	v4 =	vmov s8;
	v17 =	vshll.u32 v0, v1;
	v34 =	vld [tilespmem:s0+$0x16C20];
	v0 =	vadd.f32 v8, v36  }
0x46: {  	v4 =	vshrl.u32 v4, $0x3;
	v33 =	vld [tilespmem:s0+$0x16C30];
	v9 =	vadd.f32 v9, v36;
	[tilespmem:v6+s18+$0x0] =	vst.idx.msk $0xffff, v7  }
0x47: {  	v4 =	vshll.u32 v4, v1;
	[tilespmem:v10+s18+$0x0] =	vst.idx.msk $0xffff, v0;
	v7 =	vadd.f32 v11, v36  }
0x48: {  	v55 =	vbroadcast v4, $0x0;
	[tilespmem:v12+s18+$0x0] =	vst.idx.msk $0xffff, v9  }
0x49: {  	v3 =	vld [tilespmem:s14+$0xFFFFFF00];
	[tilespmem:v15+s18+$0x0] =	vst.idx.msk $0xffff, v7  }
0x4a: {  	v61 =	vadd.s32 v23, v55;
	v12 =	vmov v23;
	v23 =	vld [tilespmem:$0x1FE00]  }
0x4b: {  	s6 =	simm.s32 $0x7;
	v13 =	vld [tilespmem:s14+$0xC0]  }
0x4c: {  	v2 =	vmov s6;
	v4 =	vld [tilespmem:s14+$0xFFFFFF50]  }
0x4d: {  	s30 =	simm.s32 $0x6;
	s8 =	simm.s32 $0x9;
	v2 =	vshrl.u32 v2, $0x3;
	v10 =	vld [tilespmem:s14+$0xFFFFFF90]  }
0x4e: {  	v14 =	vmov s30;
	v59 =	vmov s8;
	v2 =	vshll.u32 v2, v1;
	v16 =	vld [tilespmem:s14+$0x80]  }
0x4f: {  	v54 =	vbroadcast v17, $0x0;
	v8 =	vshrl.u32 v14, $0x3;
	v14 =	vld [tilespmem:s14+$0x40];
	v17 =	vadd.s32 v23, v37  }
0x50: {  	v50 =	vbroadcast v2, $0x0;
	v2 =	vadd.s32 v20, v56;
	v8 =	vshll.u32 v8, v1;
	v6 =	vld [tilespmem:s14+$0x10]  }
0x51: {  	v20 =	vmovc v22;
	v52 =	vbroadcast v8, $0x0;
	v8 =	vadd.f32 v13, v36;
	v11 =	vadd.s32 v22, v44;
	v13 =	vld [tilespmem:s14+$0xFFFFFFD0]  }
0x52: {  	[tilespmem:$0x1FDB0] =	vst v2;
	v22 =	vld [tilespmem:$0x1FE50];
	v2 =	vadd.s32 v31, v55;
	v21 =	vadd.f32 v4, v35;
	v4 =	vadd.f32 v10, v35  }
0x53: {  	v46 =	vadd.s32 v19, v54;
	v40 =	vadd.s32 v26, v55;
	v7 =	vadd.s32 v25, v52;
	[tilespmem:$0x1FDD0] =	vst v2  }
0x54: {  	s9 =	simm.s32 $0x6700;
	v59 =	vshrl.u32 v59, $0x3;
	v9 =	vadd.s32 v39, v5;
	v2 =	vadd.s32 v51, v52;
	[tilespmem:v17+s18+$0x0] =	vst.idx.msk $0xffff, v4  }
0x55: {  	v45 =	vadd.s32 v60, v5;
	v47 =	vadd.s32 v18, v37;
	v48 =	vld [tilespmem:s9+$0xFFFFFF40];
	[tilespmem:$0x1FDC0] =	vst v2;
	v2 =	vadd.s32 v53, v54  }
0x56: {  	v43 =	vadd.s32 v24, v56;
	v3 =	vadd.f32 v3, v36;
	v16 =	vadd.f32 v16, v36;
	[tilespmem:$0x1FDE0] =	vst v2  }
0x57: {  	v15 =	vadd.s32 v29, v50;
	v42 =	vadd.s32 v32, v52;
	v41 =	vadd.s32 v22, v54;
	v5 =	vld [tilespmem:s9+$0x80]  }
0x58: {  	s6 =	simm.s32 $0xF;
	v24 =	vmov v60;
	v14 =	vadd.f32 v14, v36;
	v38 =	vadd.f32 v6, v35;
	[tilespmem:v7+s18+$0x0] =	vst.idx.msk $0xffff, v16;
	v60 =	vld [tilespmem:s9+$0xFFFFFF80]  }
0x59: {  	s10 =	simm.s32 $0xC;
	s12 =	simm.s32 $0xA;
	v13 =	vadd.f32 v13, v35;
	v17 =	vadd.s32 v58, v44;
	v58 =	vmov s6;
	[tilespmem:v9+s18+$0x0] =	vst.idx.msk $0xffff, v21;
	v2 =	vmovc v49;
	v49 =	vld [tilespmem:s14+$0xFFFFFFA0]  }
0x5a: {  	v7 =	vmov s10;
	v16 =	vmov s12;
	v21 =	vshll.u32 v59, v1;
	[tilespmem:v40+s18+$0x0] =	vst.idx.msk $0xffff, v14;
	v59 =	vld [tilespmem:s14+$0x90]  }
0x5b: {  	s29 =	simm.s32 $0xB;
	v31 =	vmovc v25;
	v25 =	vmovc v51;
	[tilespmem:v11+s18+$0x0] =	vst.idx.msk $0xffff, v38;
	v16 =	vshrl.u32 v16, $0x3;
	v51 =	vbroadcast v21, $0x0;
	v7 =	vshrl.u32 v7, $0x3;
	v11 =	vld [tilespmem:s14+$0x50]  }
0x5c: {  	[tilespmem:v41+s18+$0x0] =	vst.idx.msk $0xffff, v3;
	v21 =	vmov s29;
	v14 =	vshll.u32 v16, v1;
	v16 =	vld [tilespmem:s14+$0xFFFFFF60];
	v7 =	vshll.u32 v7, v1  }
0x5d: {  	v0 =	vmovc v39;
	[tilespmem:v43+s18+$0x0] =	vst.idx.msk $0xffff, v13;
	v43 =	vshrl.u32 v21, $0x3;
	v21 =	vld [tilespmem:s14+$0xFFFFFF10];
	v39 =	vbroadcast v14, $0x0;
	v40 =	vbroadcast v7, $0x0  }
0x5e: {  	v14 =	vadd.f32 v49, v34;
	v49 =	vshrl.u32 v58, $0x3;
	v58 =	vadd.s32 v62, v51;
	v62 =	vld [tilespmem:s9+$0x0]  }
0x5f: {  	s5 =	simm.s32 $0x8;
	v10 =	vadd.s32 v57, v50;
	v6 =	vadd.s32 v63, v50;
	[tilespmem:v15+s18+$0x0] =	vst.idx.msk $0xffff, v8;
	v7 =	vld [tilespmem:s9+$0xFFFFFF00]  }
0x60: {  	v53 =	vmov s5;
	v8 =	vadd.s32 v28, v40;
	v15 =	vadd.f32 v59, v35;
	[tilespmem:v47+s18+$0x0] =	vst.idx.msk $0xffff, v14;
	v14 =	vld [tilespmem:s9+$0x40]  }
0x61: {  	v38 =	vadd.s32 v2, v51;
	v16 =	vadd.f32 v16, v34;
	v47 =	vshll.u32 v49, v1;
	v49 =	vld [tilespmem:s9+$0xC0]  }
0x62: {  	s30 =	simm.s32 $0xE;
	v13 =	vshrl.u32 v53, $0x3;
	v0 =	vadd.s32 v0, v51;
	v53 =	vadd.s32 v30, v39;
	[tilespmem:v42+s18+$0x0] =	vst.idx.msk $0xffff, v15;
	v42 =	vld [tilespmem:s14+$0xD0]  }
0x63: {  	v30 =	vmovc v63;
	v63 =	vadd.f32 v48, v36;
	v15 =	vmov s30;
	[tilespmem:v45+s18+$0x0] =	vst.idx.msk $0xffff, v16;
	v16 =	vld [tilespmem:s14+$0x20];
	v59 =	vadd.f32 v62, v36  }
0x64: {  	s13 =	simm.s32 $0xD;
	v3 =	vadd.f32 v60, v36;
	v48 =	vadd.f32 v7, v36;
	v15 =	vshrl.u32 v15, $0x3;
	v2 =	vld [tilespmem:s14+$0xFFFFFFB0]  }
0x65: {  	v9 =	vmov s13;
	v7 =	vshll.u32 v15, v1;
	v15 =	vshll.u32 v43, v1;
	v62 =	vld [tilespmem:s9+$0xFFFFFFC0];
	[tilespmem:v8+s18+$0x0] =	vst.idx.msk $0xffff, v59  }
0x66: {  	v9 =	vshrl.u32 v9, $0x3;
	v41 =	vbroadcast v7, $0x0;
	v43 =	vbroadcast v15, $0x0;
	v7 =	vld [tilespmem:s14+$0xFFFFFF70];
	[tilespmem:$0x1FDF0] =	vst v0  }
0x67: {  	v9 =	vshll.u32 v9, v1;
	v11 =	vadd.f32 v11, v35;
	[tilespmem:v53+s18+$0x0] =	vst.idx.msk $0xffff, v3  }
0x68: {  	v8 =	vadd.s32 v27, v43;
	v3 =	vadd.f32 v42, v35;
	[tilespmem:v58+s18+$0x0] =	vst.idx.msk $0xffff, v63  }
0x69: {  	v42 =	vbroadcast v9, $0x0;
	[tilespmem:v61+s18+$0x0] =	vst.idx.msk $0xffff, v11;
	v11 =	vadd.f32 v21, v35  }
0x6a: {  	v26 =	vmov v12;
	[tilespmem:v10+s18+$0x0] =	vst.idx.msk $0xffff, v3;
	v3 =	vadd.f32 v16, v34  }
0x6b: {  	v45 =	vbroadcast v47, $0x0;
	v47 =	vadd.s32 v12, v42;
	v12 =	vadd.f32 v62, v36;
	v0 =	vld [tilespmem:$0x1FE20];
	[tilespmem:v46+s18+$0x0] =	vst.idx.msk $0xffff, v11  }
0x6c: {  	[tilespmem:v17+s18+$0x0] =	vst.idx.msk $0xffff, v3  }
0x6d: {  	v3 =	vld [tilespmem:$0x1FF30];
	[tilespmem:v8+s18+$0x0] =	vst.idx.msk $0xffff, v12  }
0x6e: {  	v4 =	vld [tilespmem:$0x1FE30];
	_ =	sdelay $0x3  }
0x6f: {  	v10 =	vld [tilespmem:s14+$0xE0]  }
0x70: {  	v60 =	vadd.s32 v4, v55;
	v4 =	vld [tilespmem:$0x1FDA0];
	_ =	sdelay $0x3  }
0x71: {  	v9 =	vld [tilespmem:s14+$0xA0]  }
0x72: {  	v10 =	vadd.f32 v10, v34  }
0x73: {  	v7 =	vadd.f32 v7, v33  }
0x74: {  	[tilespmem:v6+s18+$0x0] =	vst.idx.msk $0xffff, v10  }
0x75: {  	[tilespmem:v4+s18+$0x0] =	vst.idx.msk $0xffff, v7  }
0x76: {  	v12 =	vadd.f32 v9, v34;
	v9 =	vld [tilespmem:$0x1FDB0]  }
0x77: {  	v16 =	vld [tilespmem:s14+$0xFFFFFFE0];
	_ =	sdelay $0x4  }
0x78: {  	v61 =	vadd.f32 v2, v33;
	v2 =	vadd.f32 v16, v34;
	_ =	sdelay $0x1  }
0x79: {  	[tilespmem:v9+s18+$0x0] =	vst.idx.msk $0xffff, v2  }
0x7a: {  	v2 =	vld [tilespmem:$0x1FE90];
	_ =	sdelay $0x4  }
0x7b: {  	v9 =	vadd.s32 v2, v56;
	v2 =	vld [tilespmem:$0x1FDC0];
	_ =	sdelay $0x3  }
0x7c: {  	v8 =	vadd.f32 v5, v36;
	v5 =	vld [tilespmem:s14+$0x30]  }
0x7d: {  	v13 =	vshll.u32 v13, v1  }
0x7e: {  	v0 =	vadd.s32 v0, v44;
	v44 =	vbroadcast v13, $0x0  }
0x7f: {  	v11 =	vld [tilespmem:s14+$0x60]  }
0x80: {  	v55 =	vadd.s32 v22, v44;
	v22 =	vld [tilespmem:$0x1FF20];
	[tilespmem:v2+s18+$0x0] =	vst.idx.msk $0xffff, v12  }
0x81: {  	v12 =	vadd.f32 v5, v33;
	v5 =	vld [tilespmem:$0x1FE60];
	_ =	sdelay $0x4  }
0x82: {  	v10 =	vadd.f32 v11, v34;
	v11 =	vadd.s32 v5, v50;
	v5 =	vld [tilespmem:$0x1FDD0];
	_ =	sdelay $0x4  }
0x83: {  	v17 =	vld [tilespmem:s9+$0xFFFFFF50];
	_ =	sdelay $0x1  }
0x84: {  	v15 =	vld [tilespmem:s9+$0x10]  }
0x85: {  	v7 =	vld [tilespmem:s9+$0xFFFFFF90];
	[tilespmem:v5+s18+$0x0] =	vst.idx.msk $0xffff, v10  }
0x86: {  	v5 =	vld [tilespmem:$0x1FE40]  }
0x87: {  	v27 =	vmov v57;
	v57 =	vadd.s32 v20, v40;
	v4 =	vadd.f32 v17, v35;
	v17 =	vld [tilespmem:s14+$0xFFFFFF20]  }
0x88: {  	v2 =	vld [tilespmem:s14+$0xF0];
	_ =	sdelay $0x1  }
0x89: {  	v62 =	vadd.f32 v14, v36;
	v13 =	vadd.f32 v15, v35  }
0x8a: {  	v46 =	vadd.s32 v3, v43;
	v10 =	vadd.s32 v5, v52;
	v5 =	vld [tilespmem:$0x1FE80];
	[tilespmem:v0+s18+$0x0] =	vst.idx.msk $0xffff, v12  }
0x8b: {  	v3 =	vadd.s32 v23, v39;
	v14 =	vadd.f32 v7, v35;
	v23 =	vld [tilespmem:$0x1FF60];
	[tilespmem:v57+s18+$0x0] =	vst.idx.msk $0xffff, v13  }
0x8c: {  	v7 =	vadd.f32 v17, v34;
	v17 =	vadd.f32 v2, v33;
	v2 =	vld [tilespmem:$0x1FDE0];
	_ =	sdelay $0x6  }
0x8d: {  	v6 =	vld [tilespmem:s9+$0xFFFFFFD0]  }
0x8e: {  	v53 =	vadd.s32 v29, v45;
	v29 =	vld [tilespmem:$0x1FF80];
	[tilespmem:v2+s18+$0x0] =	vst.idx.msk $0xffff, v7  }
0x8f: {  	v7 =	vld [tilespmem:$0x1FDF0];
	_ =	sdelay $0x3  }
0x90: {  	v49 =	vadd.f32 v49, v36;
	v59 =	vadd.s32 v31, v41;
	v58 =	vadd.s32 v32, v41  }
0x91: {  	v32 =	vmovc v28;
	v6 =	vadd.f32 v6, v35;
	v15 =	vld [tilespmem:s14+$0xFFFFFFF0];
	v63 =	vadd.s32 v22, v43;
	v56 =	vadd.s32 v27, v45  }
0x92: {  	v27 =	vmovc v20;
	v12 =	vld [tilespmem:s14+$0xB0];
	v0 =	vadd.s32 v24, v51;
	v52 =	vadd.s32 v30, v45;
	v51 =	vadd.s32 v25, v41  }
0x93: {  	v30 =	vmovc v22;
	v5 =	vadd.s32 v5, v54;
	v54 =	vadd.s32 v19, v44;
	v16 =	vadd.s32 v23, v42;
	v2 =	vld [tilespmem:s14+$0x70]  }
0x94: {  	s0 =	sshll.u32 s31, $0x2;
	s6 =	simm.s32 $0x6900;
	s5 =	simm.s32 $0x10;
	v28 =	vmov v23;
	v50 =	vadd.s32 v29, v42;
	v13 =	vld [tilespmem:s14+$0xFFFFFF30];
	[tilespmem:v7+s18+$0x0] =	vst.idx.msk $0xffff, v4;
	v4 =	vadd.s32 v18, v39  }
.LBB2_3:
0x95: {  	v21 =	vld [tilespmem:$0x1FF10];
	_ =	sdelay $0x4  }
0x96: {  	v7 =	vld [tilespmem:$0x1FE70];
	s29 =	smov.u32 s5;
	[tilespmem:v59+s18+$0x0] =	vst.idx.msk $0xffff, v8;
	v21 =	vadd.s32 v21, v37  }
0x97: {  	[tilespmem:v3+s18+$0x0] =	vst.idx.msk $0xffff, v14;
	s12 =	sadd.s32 $0x2, s29;
	v8 =	vld [tilespmem:s6+$0x80]  }
0x98: {  	[tilespmem:v11+s18+$0x0] =	vst.idx.msk $0xffff, v17;
	v20 =	vld [tilespmem:s9+$0xFFFFFFA0];
	v17 =	vmov s12;
	v3 =	vadd.f32 v15, v33  }
0x99: {  	[tilespmem:v16+s18+$0x0] =	vst.idx.msk $0xffff, v62;
	v22 =	vld [tilespmem:s6+$0xFFFFFF80];
	v16 =	vshrl.u32 v17, $0x3  }
0x9a: {  	v12 =	vadd.f32 v12, v33;
	[tilespmem:v9+s18+$0x0] =	vst.idx.msk $0xffff, v3;
	v9 =	vshll.u32 v16, v1;
	v16 =	vld [tilespmem:s9+$0x90]  }
0x9b: {  	[tilespmem:v21+s18+$0x0] =	vst.idx.msk $0xffff, v61;
	v21 =	vld [tilespmem:$0x1FEF0]  }
0x9c: {  	[tilespmem:v10+s18+$0x0] =	vst.idx.msk $0xffff, v12;
	v12 =	vld [tilespmem:s9+$0xFFFFFF60]  }
0x9d: {  	v18 =	vld [tilespmem:s6+$0xFFFFFF40]  }
0x9e: {  	v25 =	vld [tilespmem:$0x1FFC0];
	s10 =	sadd.s32 $0x4, s29;
	s13 =	sadd.s32 $0x1, s29;
	v13 =	vadd.f32 v13, v33;
	v37 =	vmov v39;
	v39 =	vbroadcast v9, $0x0  }
0x9f: {  	v14 =	vmov s10;
	v11 =	vmov s13;
	v17 =	vld [tilespmem:s9+$0x50];
	v57 =	vadd.s32 v7, v44  }
0xa0: {  	v11 =	vshrl.u32 v11, $0x3;
	v7 =	vld [tilespmem:$0x1FFF0];
	v3 =	vadd.f32 v2, v33;
	[tilespmem:v5+s18+$0x0] =	vst.idx.msk $0xffff, v13;
	v21 =	vadd.s32 v21, v39  }
0xa1: {  	s14 =	sadd.s32 $0x7, s5;
	v2 =	vshll.u32 v11, v1;
	v10 =	vshrl.u32 v14, $0x3;
	v14 =	vld [tilespmem:$0x1FEA0];
	[tilespmem:v63+s18+$0x0] =	vst.idx.msk $0xffff, v6;
	v12 =	vadd.f32 v12, v34  }
0xa2: {  	v19 =	vmov s14;
	v5 =	vld [tilespmem:s6+$0xFFFFFF00];
	[tilespmem:v60+s18+$0x0] =	vst.idx.msk $0xffff, v3;
	v3 =	vshll.u32 v10, v1;
	v10 =	vadd.f32 v20, v34  }
0xa3: {  	v11 =	vshrl.u32 v19, $0x3;
	v20 =	vld [tilespmem:s6+$0x0];
	v3 =	vbroadcast v3, $0x0;
	[tilespmem:v0+s18+$0x0] =	vst.idx.msk $0xffff, v12;
	v12 =	vadd.f32 v22, v36  }
0xa4: {  	v2 =	vbroadcast v2, $0x0;
	v11 =	vshll.u32 v11, v1;
	v60 =	vld [tilespmem:s9+$0x20];
	[tilespmem:v4+s18+$0x0] =	vst.idx.msk $0xffff, v10  }
0xa5: {  	s30 =	sadd.s32 $0x5, s29;
	v6 =	vadd.s32 v32, v3;
	v0 =	vld [tilespmem:s9+$0xFFFFFFB0];
	[tilespmem:v21+s18+$0x0] =	vst.idx.msk $0xffff, v12;
	v21 =	vbroadcast v11, $0x0  }
0xa6: {  	v15 =	vmov s30;
	[tilespmem:v55+s18+$0x0] =	vst.idx.msk $0xffff, v48;
	v61 =	vld [tilespmem:s6+$0xC0];
	v14 =	vadd.s32 v14, v2  }
0xa7: {  	v15 =	vshrl.u32 v15, $0x3;
	[tilespmem:v53+s18+$0x0] =	vst.idx.msk $0xffff, v49;
	v16 =	vadd.f32 v16, v35;
	v53 =	vadd.s32 v25, v21;
	v25 =	vld [tilespmem:$0x1FE30]  }
0xa8: {  	v15 =	vshll.u32 v15, v1;
	v55 =	vld [tilespmem:s9+$0xFFFFFF10];
	v20 =	vadd.f32 v20, v36  }
0xa9: {  	v9 =	vld [tilespmem:s6+$0x40];
	v7 =	vadd.s32 v7, v40;
	v4 =	vadd.f32 v18, v36;
	[tilespmem:v58+s18+$0x0] =	vst.idx.msk $0xffff, v16  }
0xaa: {  	v22 =	vld [tilespmem:s9+$0xFFFFFF70];
	[tilespmem:v6+s18+$0x0] =	vst.idx.msk $0xffff, v20;
	v6 =	vbroadcast v15, $0x0  }
0xab: {  	v59 =	vmov s29;
	v17 =	vadd.f32 v17, v35;
	[tilespmem:v14+s18+$0x0] =	vst.idx.msk $0xffff, v4;
	v14 =	vld [tilespmem:$0x1FE20]  }
0xac: {  	v58 =	vadd.f32 v60, v34;
	v11 =	vadd.s32 v26, v6;
	v60 =	vadd.s32 v25, v42;
	v42 =	vmovc v6;
	v6 =	vld [tilespmem:$0x1FE50]  }
0xad: {  	v13 =	vshrl.u32 v59, $0x3;
	[tilespmem:v47+s18+$0x0] =	vst.idx.msk $0xffff, v17;
	v12 =	vld [tilespmem:s6+$0x10]  }
0xae: {  	v13 =	vshll.u32 v13, v1;
	[tilespmem:v7+s18+$0x0] =	vst.idx.msk $0xffff, v58;
	v7 =	vld [tilespmem:s9+$0x60]  }
0xaf: {  	v13 =	vbroadcast v13, $0x0  }
0xb0: {  	v62 =	vadd.f32 v9, v36;
	v15 =	vld [tilespmem:s9+$0xA0]  }
0xb1: {  	v10 =	vld [tilespmem:s6+$0xFFFFFFC0];
	v9 =	vadd.f32 v55, v35;
	v55 =	vadd.s32 v6, v13;
	v6 =	vadd.f32 v22, v33  }
0xb2: {  	s8 =	sadd.s32 $0x6, s29;
	v24 =	vadd.s32 v14, v40;
	v14 =	vld [tilespmem:s6+$0xFFFFFF50]  }
0xb3: {  	v18 =	vmov s8;
	[tilespmem:v38+s18+$0x0] =	vst.idx.msk $0xffff, v6;
	v6 =	vadd.f32 v7, v34;
	v7 =	vld [tilespmem:$0x1FFA0]  }
0xb4: {  	v23 =	vadd.s32 v27, v3;
	v18 =	vshrl.u32 v18, $0x3;
	v16 =	vld [tilespmem:s9+$0xD0];
	v49 =	vadd.f32 v61, v36  }
0xb5: {  	s29 =	sadd.s32 $0x3, s29;
	v18 =	vshll.u32 v18, v1;
	v61 =	vadd.f32 v0, v33;
	v40 =	vmovc v3;
	v3 =	vld [tilespmem:$0x1FE10];
	v0 =	vadd.f32 v15, v34  }
0xb6: {  	v59 =	vmov s29;
	v18 =	vbroadcast v18, $0x0;
	v47 =	vmov v11;
	v11 =	vld [tilespmem:s9+$0x30]  }
0xb7: {  	v59 =	vshrl.u32 v59, $0x3;
	v5 =	vadd.f32 v5, v36;
	[tilespmem:v51+s18+$0x0] =	vst.idx.msk $0xffff, v0;
	v0 =	vld [tilespmem:$0x1FE60]  }
0xb8: {  	v63 =	vshll.u32 v59, v1;
	v58 =	vadd.s32 v7, v18;
	v7 =	vld [tilespmem:$0x1FE90]  }
0xb9: {  	v48 =	vmov v5;
	v5 =	vbroadcast v63, $0x0;
	v16 =	vadd.f32 v16, v35;
	_ =	sdelay $0x1  }
0xba: {  	v4 =	vadd.f32 v10, v36;
	v10 =	vld [tilespmem:s9+$0xFFFFFFE0];
	[tilespmem:v56+s18+$0x0] =	vst.idx.msk $0xffff, v16;
	v16 =	vadd.s32 v3, v5  }
0xbb: {  	[tilespmem:v54+s18+$0x0] =	vst.idx.msk $0xffff, v9;
	v3 =	vld [tilespmem:$0x1FF30]  }
0xbc: {  	v9 =	vadd.s32 v7, v43;
	v7 =	vadd.f32 v11, v33;
	v11 =	vadd.s32 v0, v45;
	v0 =	vld [tilespmem:$0x1FFD0];
	_ =	sdelay $0x2  }
0xbd: {  	v17 =	vld [tilespmem:s9+$0xE0];
	v10 =	vadd.f32 v10, v34;
	[tilespmem:v16+s18+$0x0] =	vst.idx.msk $0xffff, v4  }
0xbe: {  	v56 =	vadd.s32 v3, v5;
	v16 =	vld [tilespmem:s6+$0xFFFFFFD0];
	v45 =	vmov v21  }
0xbf: {  	[tilespmem:v46+s18+$0x0] =	vst.idx.msk $0xffff, v10;
	v46 =	vmov v56;
	v56 =	vadd.s32 v0, v45;
	v0 =	vld [tilespmem:$0x1FE40];
	_ =	sdelay $0x3  }
0xc0: {  	v19 =	vld [tilespmem:$0x1FEE0]  }
0xc1: {  	v15 =	vadd.f32 v17, v34;
	v10 =	vadd.s32 v0, v41;
	v0 =	vld [tilespmem:$0x1FE80]  }
0xc2: {  	v20 =	vld [tilespmem:$0x1FEB0]  }
0xc3: {  	v25 =	vadd.f32 v12, v35;
	v12 =	vld [tilespmem:s6+$0xFFFFFF90];
	[tilespmem:v52+s18+$0x0] =	vst.idx.msk $0xffff, v15  }
0xc4: {  	v17 =	vld [tilespmem:s9+$0xF0]  }
0xc5: {  	v3 =	vld [tilespmem:$0x1FE00]  }
0xc6: {  	v43 =	vmov v5;
	v5 =	vadd.s32 v0, v44;
	v0 =	vld [tilespmem:$0x1FEC0]  }
0xc7: {  	v19 =	vadd.s32 v19, v2;
	v20 =	vadd.s32 v20, v2;
	v4 =	vld [tilespmem:s9+$0xFFFFFF20]  }
0xc8: {  	v38 =	vmov v19;
	v19 =	vld [tilespmem:$0x1FED0]  }
0xc9: {  	[tilespmem:v24+s18+$0x0] =	vst.idx.msk $0xffff, v7;
	v7 =	vld [tilespmem:$0x1FFB0]  }
0xca: {  	v59 =	vadd.s32 v31, v18;
	v22 =	vadd.f32 v14, v35;
	v41 =	vmov v18;
	v18 =	vld [tilespmem:$0x1FF00]  }
0xcb: {  	p1 =	slt.u32 s5, $0x78;
	v8 =	vadd.f32 v8, v36;
	v14 =	vadd.f32 v12, v35;
	v0 =	vadd.s32 v0, v2;
	v2 =	vld [tilespmem:$0x1FFE0]  }
.Ltmp0:
0xcc: {  	v12 =	vld [tilespmem:s9+$0xB0];
	v17 =	vadd.f32 v17, v33;
	[tilespmem:v20+s18+$0x0] =	vst.idx.msk $0xffff, v22;
	v4 =	vadd.f32 v4, v34;
	(pc) =	sbr.rel @p1 .LBB2_3-.Ltmp0, $4  }
0xcd: {  	v15 =	vld [tilespmem:s9+$0xFFFFFFF0];
	v3 =	vadd.s32 v3, v39;
	[tilespmem:v50+s18+$0x0] =	vst.idx.msk $0xffff, v6;
	v50 =	vadd.s32 v29, v42  }
0xce: {  	v6 =	vadd.f32 v16, v35;
	v16 =	vadd.s32 v28, v42;
	[tilespmem:v57+s18+$0x0] =	vst.idx.msk $0xffff, v4;
	v21 =	vld [tilespmem:$0x1FF10]  }
0xcf: {  	v63 =	vadd.s32 v30, v43;
	[tilespmem:v23+s18+$0x0] =	vst.idx.msk $0xffff, v25;
	v51 =	vadd.s32 v7, v41;
	v44 =	vmov v13;
	v13 =	vld [tilespmem:s9+$0xFFFFFF30]  }
0xd0: {  	s5 =	sadd.s32 $0x8, s5;
	v4 =	vadd.s32 v18, v39;
	v54 =	vadd.s32 v19, v44;
	v52 =	vadd.s32 v2, v45;
	v2 =	vld [tilespmem:s9+$0x70];
	s9 =	smov.u32 s6;
	s6 =	sadd.s32 $0x200, s6  }
0xd1: {  	_ = 	snop  }
0xd2: {  	v20 =	vld [tilespmem:$0x1FEE0]  }
0xd3: {  	v19 =	vld [tilespmem:$0x1FEB0]  }
0xd4: {  	v25 =	vld [tilespmem:$0x1FEC0]  }
0xd5: {  	v18 =	vld [tilespmem:$0x1FEA0];
	[tilespmem:v59+s18+$0x0] =	vst.idx.msk $0xffff, v8  }
0xd6: {  	[tilespmem:v3+s18+$0x0] =	vst.idx.msk $0xffff, v14  }
0xd7: {  	[tilespmem:v53+s18+$0x0] =	vst.idx.msk $0xffff, v49  }
0xd8: {  	[tilespmem:v11+s18+$0x0] =	vst.idx.msk $0xffff, v17  }
0xd9: {  	[tilespmem:v16+s18+$0x0] =	vst.idx.msk $0xffff, v62;
	v7 =	vld [tilespmem:s9+$0xD0]  }
0xda: {  	v57 =	vadd.f32 v12, v33;
	[tilespmem:v55+s18+$0x0] =	vst.idx.msk $0xffff, v48;
	v53 =	vadd.s32 v21, v37  }
0xdb: {  	[tilespmem:v63+s18+$0x0] =	vst.idx.msk $0xffff, v6;
	v3 =	vadd.f32 v15, v33  }
0xdc: {  	[tilespmem:v10+s18+$0x0] =	vst.idx.msk $0xffff, v57;
	v2 =	vadd.f32 v2, v33  }
0xdd: {  	[tilespmem:v9+s18+$0x0] =	vst.idx.msk $0xffff, v3  }
0xde: {  	[tilespmem:v60+s18+$0x0] =	vst.idx.msk $0xffff, v2;
	v7 =	vadd.f32 v7, v35  }
0xdf: {  	v3 =	vld [tilespmem:s9+$0x90];
	[tilespmem:v53+s18+$0x0] =	vst.idx.msk $0xffff, v61  }
0xe0: {  	v59 =	vld [tilespmem:s9+$0x50];
	[tilespmem:v56+s18+$0x0] =	vst.idx.msk $0xffff, v7  }
0xe1: {  	v49 =	vld [tilespmem:$0x1FFF0]  }
0xe2: {  	v62 =	vld [tilespmem:s9+$0xFFFFFF60]  }
0xe3: {  	v2 =	vld [tilespmem:s9+$0xFFFFFF10]  }
0xe4: {  	v28 =	vld [tilespmem:s9+$0x20];
	v3 =	vadd.f32 v3, v35  }
0xe5: {  	v29 =	vadd.f32 v59, v35;
	v7 =	vld [tilespmem:s9+$0xE0]  }
0xe6: {  	v31 =	vadd.f32 v13, v33;
	[tilespmem:v58+s18+$0x0] =	vst.idx.msk $0xffff, v3;
	v3 =	vld [tilespmem:s9+$0xFFFFFFE0];
	v30 =	vadd.s32 v49, v40  }
0xe7: {  	v36 =	vadd.f32 v62, v34;
	[tilespmem:v47+s18+$0x0] =	vst.idx.msk $0xffff, v29  }
0xe8: {  	[tilespmem:v5+s18+$0x0] =	vst.idx.msk $0xffff, v31;
	v2 =	vadd.f32 v2, v35  }
0xe9: {  	v8 =	vadd.f32 v28, v34;
	[tilespmem:v0+s18+$0x0] =	vst.idx.msk $0xffff, v36  }
0xea: {  	v6 =	vld [tilespmem:s9+$0x60];
	[tilespmem:v54+s18+$0x0] =	vst.idx.msk $0xffff, v2;
	v2 =	vadd.f32 v7, v34  }
0xeb: {  	v32 =	vld [tilespmem:s9+$0xA0];
	v3 =	vadd.f32 v3, v34;
	[tilespmem:v30+s18+$0x0] =	vst.idx.msk $0xffff, v8  }
0xec: {  	v47 =	vld [tilespmem:$0x1FE70];
	[tilespmem:v52+s18+$0x0] =	vst.idx.msk $0xffff, v2  }
0xed: {  	v37 =	vld [tilespmem:s9+$0xFFFFFFA0];
	[tilespmem:v46+s18+$0x0] =	vst.idx.msk $0xffff, v3  }
0xee: {  	v53 =	vld [tilespmem:$0x1FE20]  }
0xef: {  	v0 =	vld [tilespmem:s9+$0xFFFFFF20]  }
0xf0: {  	v5 =	vld [tilespmem:s9+$0xFFFFFF70];
	v48 =	vadd.f32 v32, v34  }
0xf1: {  	v8 =	vld [tilespmem:s9+$0x30];
	v2 =	vadd.f32 v6, v34;
	v7 =	vadd.s32 v47, v44  }
0xf2: {  	v52 =	vadd.f32 v37, v34;
	v3 =	vld [tilespmem:s9+$0xF0];
	[tilespmem:v51+s18+$0x0] =	vst.idx.msk $0xffff, v48  }
0xf3: {  	v9 =	vld [tilespmem:$0x1FE60];
	[tilespmem:v50+s18+$0x0] =	vst.idx.msk $0xffff, v2;
	v10 =	vadd.s32 v53, v40  }
0xf4: {  	v0 =	vadd.f32 v0, v34;
	v54 =	vld [tilespmem:s9+$0xFFFFFFF0];
	[tilespmem:v4+s18+$0x0] =	vst.idx.msk $0xffff, v52  }
0xf5: {  	v55 =	vadd.f32 v5, v33;
	v56 =	vld [tilespmem:$0x1FE90]  }
0xf6: {  	v59 =	vld [tilespmem:$0x1FE40];
	v8 =	vadd.f32 v8, v33;
	[tilespmem:v7+s18+$0x0] =	vst.idx.msk $0xffff, v0  }
0xf7: {  	v0 =	vld [tilespmem:$0x1FE30];
	[tilespmem:v38+s18+$0x0] =	vst.idx.msk $0xffff, v55  }
0xf8: {  	v58 =	vld [tilespmem:s9+$0xFFFFFFB0];
	[tilespmem:v10+s18+$0x0] =	vst.idx.msk $0xffff, v8  }
0xf9: {  	v9 =	vadd.s32 v9, v45;
	v10 =	vld [tilespmem:$0x1FE80]  }
0xfa: {  	v62 =	vadd.s32 v21, v39;
	v2 =	vld [tilespmem:s9+$0xB0]  }
0xfb: {  	v57 =	vld [tilespmem:s9+$0x70];
	v5 =	vadd.s32 v56, v43  }
0xfc: {  	v3 =	vadd.f32 v3, v33;
	v13 =	vadd.s32 v59, v41;
	v60 =	vld [tilespmem:s9+$0xFFFFFF30]  }
0xfd: {  	v63 =	vadd.f32 v58, v33;
	v0 =	vadd.s32 v0, v42  }
0xfe: {  	v61 =	vadd.f32 v54, v33;
	[tilespmem:v9+s18+$0x0] =	vst.idx.msk $0xffff, v3;
	v10 =	vadd.s32 v10, v44  }
0xff: {  	v2 =	vadd.f32 v2, v33;
	[tilespmem:v62+s18+$0x0] =	vst.idx.msk $0xffff, v63  }
0x100: {  	v3 =	vadd.f32 v57, v33;
	[tilespmem:v5+s18+$0x0] =	vst.idx.msk $0xffff, v61  }
0x101: {  	s5 =	sshll.u32 s31, $0x11;
	[tilespmem:v13+s18+$0x0] =	vst.idx.msk $0xffff, v2;
	v2 =	vadd.f32 v60, v33  }
0x102: {  	s5 =	sadd.s32 s2, s5;
	[tilespmem:v0+s18+$0x0] =	vst.idx.msk $0xffff, v3  }
0x103: {  	s13 =	simm.s32 $0xE400;
	s6 =	sadd.s32 s7, s5;
	[tilespmem:v10+s18+$0x0] =	vst.idx.msk $0xffff, v2  }
0x104: {  	[hbm4b:s6+s3] =	stream.linear.scatter [tilespmem:s13], [sflag:$0x5], $0x80, $0x38;
	[tilespmem:$0x19E00] =	vst v63  }
0x105: {  	s14 =	simm.s32 $0xE488;
	s8 =	sadd.s32 $0x10, s6  }
0x106: {  	[hbm4b:s8+s3] =	stream.linear.scatter [tilespmem:s14], [sflag:$0x5], $0x80, $0x38;
	[tilespmem:$0x19E00] =	vst v63  }
0x107: {  	s29 =	simm.s32 $0xE510;
	s10 =	simm.s32 $0xE620;
	s30 =	sadd.s32 $0x20, s6  }
0x108: {  	[hbm4b:s30+s3] =	stream.linear.scatter [tilespmem:s29], [sflag:$0x5], $0x80, $0x38;
	[tilespmem:$0x19E00] =	vst v63  }
0x109: {  	s5 =	simm.s32 $0x440;
	s9 =	sadd.s32 $0x30, s6;
	s8 =	simm.s32 $0xE598  }
0x10a: {  	[hbm4b:s9+s3] =	stream.linear.scatter [tilespmem:s8], [sflag:$0x5], $0x80, $0x38;
	[tilespmem:$0x19E00] =	vst v63  }
0x10b: {  	s12 =	sadd.s32 $0x40, s6;
	s13 =	simm.s32 $0xE6A8;
	s14 =	sadd.s32 $0x50, s6  }
0x10c: {  	[hbm4b:s12+s3] =	stream.linear.scatter [tilespmem:s10], [sflag:$0x5], $0x80, $0x38;
	[tilespmem:$0x19E00] =	vst v63  }
0x10d: {  	s29 =	simm.s32 $0xE730;
	s30 =	sadd.s32 $0x60, s6;
	s8 =	simm.s32 $0x2200  }
0x10e: {  	[hbm4b:s14+s3] =	stream.linear.scatter [tilespmem:s13], [sflag:$0x5], $0x80, $0x38;
	[tilespmem:$0x19E00] =	vst v63  }
0x10f: {  	s9 =	simm.s32 $0xE7B8;
	s14 =	sadd.s32 $0x70, s6;
	s6 =	sadd.s32 $0x1000, s6  }
0x110: {  	[hbm4b:s30+s3] =	stream.linear.scatter [tilespmem:s29], [sflag:$0x5], $0x80, $0x38;
	[tilespmem:$0x19E00] =	vst v63  }
.LBB2_5:
0x111: {  	[hbm4b:s14+s3] =	stream.linear.scatter [tilespmem:s9], [sflag:$0x5], $0x80, $0x38;
	[tilespmem:$0x19E00] =	vst v63  }
0x112: {  	s9 =	smov.u32 s5;
	s5 =	smov.u32 s8  }
0x113: {  	s10 =	sadd.s32 $0x1100, s8;
	s5 =	sshra.s32 s5, $0x2;
	s12 =	sadd.s32 $0xE400, s9  }
0x114: {  	[hbm4b:s6+s3] =	stream.linear.scatter [tilespmem:s12], [sflag:$0x5], $0x80, $0x38;
	[tilespmem:$0x19E00] =	vst v63  }
0x115: {  	p1 =	sne.s32 s8, $0x7700;
	s8 =	sadd.s32 $0xE488, s9;
	s12 =	sadd.s32 $0x10, s6  }
0x116: {  	[hbm4b:s12+s3] =	stream.linear.scatter [tilespmem:s8], [sflag:$0x5], $0x80, $0x38;
	[tilespmem:$0x19E00] =	vst v63  }
0x117: {  	s8 =	sadd.s32 $0xE510, s9;
	s12 =	sadd.s32 $0x20, s6  }
0x118: {  	[hbm4b:s12+s3] =	stream.linear.scatter [tilespmem:s8], [sflag:$0x5], $0x80, $0x38;
	[tilespmem:$0x19E00] =	vst v63  }
0x119: {  	s8 =	sadd.s32 $0xE598, s9;
	s12 =	sadd.s32 $0x30, s6  }
0x11a: {  	[hbm4b:s12+s3] =	stream.linear.scatter [tilespmem:s8], [sflag:$0x5], $0x80, $0x38;
	[tilespmem:$0x19E00] =	vst v63  }
0x11b: {  	s8 =	sadd.s32 $0xE620, s9;
	s12 =	sadd.s32 $0x40, s6  }
0x11c: {  	[hbm4b:s12+s3] =	stream.linear.scatter [tilespmem:s8], [sflag:$0x5], $0x80, $0x38;
	[tilespmem:$0x19E00] =	vst v63  }
.Ltmp1:
0x11d: {  	s8 =	sadd.s32 $0xE6A8, s9;
	s12 =	sadd.s32 $0x50, s6;
	(pc) =	sbr.rel @p1 .LBB2_5-.Ltmp1, $4  }
0x11e: {  	[hbm4b:s12+s3] =	stream.linear.scatter [tilespmem:s8], [sflag:$0x5], $0x80, $0x38;
	[tilespmem:$0x19E00] =	vst v63  }
0x11f: {  	s14 =	sadd.s32 $0x70, s6;
	s8 =	sadd.s32 $0xE730, s9;
	s12 =	sadd.s32 $0x60, s6  }
0x120: {  	[hbm4b:s12+s3] =	stream.linear.scatter [tilespmem:s8], [sflag:$0x5], $0x80, $0x38;
	[tilespmem:$0x19E00] =	vst v63  }
0x121: {  	s9 =	sadd.s32 $0xE7B8, s9;
	s6 =	sadd.s32 $0x1000, s6;
	s8 =	smov.u32 s10  }
0x122: {  	[hbm4b:s14+s3] =	stream.linear.scatter [tilespmem:s9], [sflag:$0x5], $0x80, $0x38;
	[tilespmem:$0x19E00] =	vst v63  }
0x123: {  	s8 =	sadd.s32 $0xE400, s5  }
0x124: {  	[hbm4b:s6+s3] =	stream.linear.scatter [tilespmem:s8], [sflag:$0x5], $0x80, $0x38;
	[tilespmem:$0x19E00] =	vst v63  }
0x125: {  	s29 =	sadd.s32 $0xE488, s5;
	s30 =	sadd.s32 $0x10, s6  }
0x126: {  	[hbm4b:s30+s3] =	stream.linear.scatter [tilespmem:s29], [sflag:$0x5], $0x80, $0x38;
	[tilespmem:$0x19E00] =	vst v63  }
0x127: {  	s10 =	sadd.s32 $0xE510, s5;
	s12 =	sadd.s32 $0x20, s6  }
0x128: {  	[hbm4b:s12+s3] =	stream.linear.scatter [tilespmem:s10], [sflag:$0x5], $0x80, $0x38;
	[tilespmem:$0x19E00] =	vst v63  }
0x129: {  	s13 =	sadd.s32 $0xE598, s5;
	s14 =	sadd.s32 $0x30, s6  }
0x12a: {  	[hbm4b:s14+s3] =	stream.linear.scatter [tilespmem:s13], [sflag:$0x5], $0x80, $0x38;
	[tilespmem:$0x19E00] =	vst v63  }
0x12b: {  	s29 =	sadd.s32 $0xE620, s5;
	s30 =	sadd.s32 $0x40, s6  }
0x12c: {  	[hbm4b:s30+s3] =	stream.linear.scatter [tilespmem:s29], [sflag:$0x5], $0x80, $0x38;
	[tilespmem:$0x19E00] =	vst v63  }
0x12d: {  	p1 =	sne.s32 s31, $0x31;
	s10 =	sadd.s32 $0xE6A8, s5;
	s12 =	sadd.s32 $0x50, s6  }
0x12e: {  	[hbm4b:s12+s3] =	stream.linear.scatter [tilespmem:s10], [sflag:$0x5], $0x80, $0x38;
	[tilespmem:$0x19E00] =	vst v63  }
.Ltmp2:
0x12f: {  	v61 =	vld [tilespmem:$0x1FE50];
	(pc) =	sbr.rel @p1 .LBB2_8-.Ltmp2, $4  }
0x130: {  	v28 =	vld [tilespmem:$0x1FEF0];
	s13 =	sadd.s32 $0xE730, s5;
	s14 =	sadd.s32 $0x60, s6  }
0x131: {  	v29 =	vld [tilespmem:$0x1FE00];
	[hbm4b:s14+s3] =	stream.linear.scatter [tilespmem:s13], [sflag:$0x5], $0x80, $0x38  }
0x132: {  	v32 =	vld [tilespmem:$0x1FE10];
	s29 =	sadd.s32 $0xE7B8, s5;
	s30 =	sadd.s32 $0x70, s6  }
0x133: {  	v63 =	vld [tilespmem:$0x1FF30];
	[hbm4b:s30+s3] =	stream.linear.scatter [tilespmem:s29], [sflag:$0x5], $0x80, $0x38  }
.Ltmp3:
0x134: {  	(pc) =	sbr.rel .LBB2_9-.Ltmp3, $4  }
0x135: {  	_ = 	snop  }
0x136: {  	_ =	swait.ge [sflag:s19], $0x2000  }
0x137: {  	[sflag:s19] =	ssyncset.done $0x0  }
0x138: {  	[sflag:s19] =	ssyncadd.s32 $0xFFFFE000  }
.LBB2_8:
0x139: {  	s5 =	sshll.u32 s31, $0x9  }
0x13a: {  	s5 =	sand.u32 $0x3FFFFE00, s5  }
.Ltmp4:
0x13b: {  	s6 =	simm.s32 $0x6400;
	s5 =	sadd.s32 $0x200, s5;
	(pc) =	sbr.rel @p0 .LBB2_10-.Ltmp4, $4  }
0x13c: {  	[tilespmem:s6], [sflag:$0x1] =	stream.indirect.gather [hbm4b:s4+s11], $0x40, s5, s11, $0xb8;
	[tilespmem:$0x19E00] =	vst v63  }
0x13d: {  	_ =	swait.ge [sflag:s19], $0x2000  }
0x13e: {  	[sflag:s19] =	ssyncset.done $0x0  }
0x13f: {  	[sflag:s19] =	ssyncadd.s32 $0xFFFFE000  }
.LBB2_9:
0x140: {  	_ =	swait.ge [sflag:s20], $0x2000  }
0x141: {  	[sflag:s20] =	ssyncset.done $0x0  }
0x142: {  	[sflag:s20] =	ssyncadd.s32 $0xFFFFE000  }
.LBB2_10:
0x143: {  	s9 =	sor.u32 $0x1, s0  }
0x144: {  	s5 =	sshll.u32 s9, $0x6  }
0x145: {  	s30 =	simm.s32 $0x1;
	v48 =	vld [tilespmem:$0x1FF40];
	s5 =	sand.u32 $0x3FFFFFC0, s5  }
0x146: {  	s29 =	simm.s32 $0x4;
	v5 =	vmov s30;
	v36 =	vld [tilespmem:s5+$0x16C00]  }
0x147: {  	s8 =	simm.s32 $0x7;
	v3 =	vmov s29;
	v5 =	vshrl.u32 v5, $0x3;
	v35 =	vld [tilespmem:s5+$0x16C10]  }
0x148: {  	s12 =	simm.s32 $0x2;
	v2 =	vmov s8;
	v3 =	vshrl.u32 v3, $0x3;
	v34 =	vld [tilespmem:s5+$0x16C20];
	v5 =	vshll.u32 v5, v1  }
0x149: {  	v6 =	vmov s12;
	s8 =	simm.s32 $0x3;
	v33 =	vld [tilespmem:s5+$0x16C30];
	s5 =	simm.s32 $0x8500;
	v3 =	vshll.u32 v3, v1;
	v5 =	vbroadcast v5, $0x0  }
0x14a: {  	v6 =	vshrl.u32 v6, $0x3;
	v7 =	vld [tilespmem:s5+$0x0];
	v44 =	vbroadcast v3, $0x0;
	v3 =	vmov s8  }
0x14b: {  	v6 =	vshll.u32 v6, v1;
	v8 =	vld [tilespmem:s5+$0xFFFFFF40];
	v3 =	vshrl.u32 v3, $0x3;
	v11 =	vadd.s32 v20, v5  }
0x14c: {  	v9 =	vld [tilespmem:s5+$0xFFFFFF80];
	v37 =	vbroadcast v6, $0x0;
	v6 =	vadd.s32 v48, v44;
	v3 =	vshll.u32 v3, v1;
	[tilespmem:$0x1FD50] =	vst v11  }
0x14d: {  	s6 =	simm.s32 $0x0;
	s10 =	simm.s32 $0x5;
	v10 =	vadd.s32 v18, v5;
	v50 =	vbroadcast v3, $0x0;
	v11 =	vld [tilespmem:s5+$0xFFFFFFC0]  }
0x14e: {  	v0 =	vmov s6;
	v4 =	vmov s10;
	v12 =	vadd.s32 v28, v37;
	v3 =	vld [tilespmem:s5+$0xFFFFFF00]  }
0x14f: {  	s10 =	simm.s32 $0x6;
	v0 =	vshrl.u32 v0, $0x3;
	v13 =	vld [tilespmem:s5+$0xC0];
	v7 =	vadd.f32 v7, v36;
	v15 =	vadd.s32 v32, v50  }
0x150: {  	v14 =	vmov s10;
	v17 =	vshll.u32 v0, v1;
	v16 =	vld [tilespmem:s5+$0x80];
	v0 =	vadd.f32 v8, v36  }
0x151: {  	v8 =	vshrl.u32 v14, $0x3;
	v14 =	vld [tilespmem:s5+$0x40];
	v9 =	vadd.f32 v9, v36;
	[tilespmem:v6+s21+$0x0] =	vst.idx.msk $0xffff, v7  }
0x152: {  	v2 =	vshrl.u32 v2, $0x3;
	[tilespmem:v10+s21+$0x0] =	vst.idx.msk $0xffff, v0;
	v6 =	vld [tilespmem:s5+$0x10];
	v0 =	vadd.f32 v11, v36  }
0x153: {  	v2 =	vshll.u32 v2, v1;
	[tilespmem:v12+s21+$0x0] =	vst.idx.msk $0xffff, v9;
	v7 =	vld [tilespmem:s5+$0xFFFFFF50]  }
0x154: {  	v54 =	vbroadcast v2, $0x0;
	v2 =	vld [tilespmem:s5+$0xFFFFFF90];
	[tilespmem:v15+s21+$0x0] =	vst.idx.msk $0xffff, v0  }
0x155: {  	v59 =	vld [tilespmem:$0x1FF90]  }
0x156: {  	v62 =	vld [tilespmem:$0x1FF50]  }
0x157: {  	v60 =	vld [tilespmem:$0x1FF70]  }
0x158: {  	v51 =	vld [tilespmem:$0x1FF20]  }
0x159: {  	v4 =	vshrl.u32 v4, $0x3;
	v27 =	vld [tilespmem:$0x1FFD0]  }
0x15a: {  	v4 =	vshll.u32 v4, v1;
	v26 =	vld [tilespmem:$0x1FF80]  }
0x15b: {  	v4 =	vbroadcast v4, $0x0;
	v30 =	vld [tilespmem:$0x1FED0]  }
0x15c: {  	v57 =	vbroadcast v17, $0x0;
	v17 =	vadd.s32 v29, v37;
	v22 =	vld [tilespmem:$0x1FF60]  }
0x15d: {  	v58 =	vmovc v28;
	v25 =	vadd.s32 v25, v5;
	v8 =	vshll.u32 v8, v1;
	v23 =	vld [tilespmem:$0x1FFE0];
	v0 =	vadd.s32 v60, v4  }
0x15e: {  	v28 =	vmovc v29;
	v52 =	vbroadcast v8, $0x0;
	v9 =	vadd.s32 v19, v5;
	v12 =	vadd.s32 v63, v50;
	v29 =	vld [tilespmem:$0x1FF00];
	[tilespmem:$0x1FD40] =	vst v0  }
0x15f: {  	v8 =	vadd.f32 v13, v36;
	v2 =	vadd.f32 v2, v35;
	v5 =	vadd.s32 v26, v4;
	v13 =	vld [tilespmem:s5+$0xFFFFFFD0];
	[tilespmem:$0x1FD60] =	vst v12  }
0x160: {  	v31 =	vmov v19;
	v19 =	vadd.f32 v6, v35;
	v6 =	vld [tilespmem:$0x1FFA0];
	[tilespmem:$0x1FD80] =	vst v5  }
0x161: {  	v0 =	vld [tilespmem:$0x1FFC0];
	[tilespmem:v17+s21+$0x0] =	vst.idx.msk $0xffff, v2  }
0x162: {  	v2 =	vld [tilespmem:$0x1FFB0];
	_ =	sdelay $0x3  }
0x163: {  	s14 =	simm.s32 $0x8700  }
0x164: {  	v42 =	vld [tilespmem:s14+$0xFFFFFF40];
	v2 =	vadd.s32 v2, v52  }
0x165: {  	[tilespmem:$0x1FD70] =	vst v2;
	v2 =	vld [tilespmem:$0x1FE70];
	_ =	sdelay $0x1  }
0x166: {  	v10 =	vadd.s32 v59, v52  }
0x167: {  	s13 =	simm.s32 $0xF  }
0x168: {  	s12 =	simm.s32 $0x8;
	v40 =	vmov s13  }
0x169: {  	s29 =	simm.s32 $0x9;
	v43 =	vmov s12;
	v16 =	vadd.f32 v16, v36;
	v2 =	vadd.s32 v2, v57  }
0x16a: {  	v47 =	vmovc v18;
	v39 =	vmov s29;
	v18 =	vadd.s32 v61, v57;
	v24 =	vadd.s32 v22, v4;
	[tilespmem:$0x1FD90] =	vst v2  }
0x16b: {  	v39 =	vshrl.u32 v39, $0x3;
	v3 =	vadd.f32 v3, v36;
	v11 =	vadd.s32 v62, v44;
	[tilespmem:v10+s21+$0x0] =	vst.idx.msk $0xffff, v16  }
0x16c: {  	v14 =	vadd.f32 v14, v36;
	v7 =	vadd.f32 v7, v35;
	v15 =	vadd.s32 v0, v54;
	v46 =	vld [tilespmem:s5+$0x90]  }
0x16d: {  	v53 =	vmovc v20;
	s12 =	simm.s32 $0xA;
	v21 =	vadd.s32 v51, v50;
	v41 =	vadd.s32 v29, v37;
	v20 =	vadd.s32 v6, v52  }
0x16e: {  	s30 =	simm.s32 $0xC;
	v17 =	vadd.s32 v49, v44;
	v13 =	vadd.f32 v13, v35;
	v38 =	vld [tilespmem:s5+$0xFFFFFFA0];
	v16 =	vmov s12;
	[tilespmem:v9+s21+$0x0] =	vst.idx.msk $0xffff, v7  }
0x16f: {  	v10 =	vmov s30;
	[tilespmem:v24+s21+$0x0] =	vst.idx.msk $0xffff, v14;
	v9 =	vshrl.u32 v16, $0x3;
	v16 =	vshll.u32 v39, v1;
	v14 =	vld [tilespmem:s5+$0xFFFFFF60]  }
0x170: {  	[tilespmem:v11+s21+$0x0] =	vst.idx.msk $0xffff, v19;
	v10 =	vshrl.u32 v10, $0x3;
	v9 =	vshll.u32 v9, v1;
	v24 =	vbroadcast v16, $0x0  }
0x171: {  	v45 =	vld [tilespmem:s14+$0xFFFFFF80];
	[tilespmem:v15+s21+$0x0] =	vst.idx.msk $0xffff, v8;
	v39 =	vbroadcast v9, $0x0;
	v9 =	vshll.u32 v10, v1;
	v15 =	vadd.f32 v46, v35  }
0x172: {  	v49 =	vld [tilespmem:s14+$0x0];
	[tilespmem:v21+s21+$0x0] =	vst.idx.msk $0xffff, v13;
	v16 =	vshrl.u32 v40, $0x3;
	v19 =	vadd.s32 v47, v24;
	v40 =	vbroadcast v9, $0x0  }
0x173: {  	v10 =	vadd.f32 v38, v34;
	v21 =	vadd.s32 v58, v39;
	[tilespmem:v20+s21+$0x0] =	vst.idx.msk $0xffff, v15;
	v20 =	vld [tilespmem:s5+$0xD0]  }
0x174: {  	[tilespmem:v18+s21+$0x0] =	vst.idx.msk $0xffff, v3;
	v8 =	vadd.s32 v48, v40;
	v14 =	vadd.f32 v14, v34  }
0x175: {  	v12 =	vadd.s32 v27, v54;
	v46 =	vadd.f32 v42, v36;
	[tilespmem:v41+s21+$0x0] =	vst.idx.msk $0xffff, v10  }
0x176: {  	v3 =	vadd.f32 v45, v36;
	[tilespmem:v25+s21+$0x0] =	vst.idx.msk $0xffff, v14  }
0x177: {  	v25 =	vadd.f32 v49, v36;
	[tilespmem:v19+s21+$0x0] =	vst.idx.msk $0xffff, v46  }
0x178: {  	[tilespmem:v21+s21+$0x0] =	vst.idx.msk $0xffff, v3;
	v3 =	vadd.f32 v20, v35  }
0x179: {  	v13 =	vshrl.u32 v43, $0x3;
	v43 =	vld [tilespmem:s14+$0xC0];
	[tilespmem:v8+s21+$0x0] =	vst.idx.msk $0xffff, v25  }
0x17a: {  	v9 =	vld [tilespmem:s14+$0xFFFFFF00];
	[tilespmem:v12+s21+$0x0] =	vst.idx.msk $0xffff, v3  }
0x17b: {  	v12 =	vld [tilespmem:$0x1FD40]  }
0x17c: {  	s29 =	simm.s32 $0xB;
	s30 =	simm.s32 $0xE;
	v11 =	vld [tilespmem:s5+$0x50]  }
0x17d: {  	v2 =	vmov v58;
	v58 =	vmov s29;
	v15 =	vmov s30  }
0x17e: {  	v41 =	vshrl.u32 v58, $0x3;
	v15 =	vshrl.u32 v15, $0x3  }
0x17f: {  	v14 =	vld [tilespmem:s5+$0x20];
	v48 =	vadd.f32 v9, v36;
	v9 =	vshll.u32 v15, v1;
	v15 =	vshll.u32 v41, v1  }
0x180: {  	v38 =	vadd.s32 v53, v24;
	v53 =	vld [tilespmem:s14+$0xFFFFFFC0];
	v49 =	vadd.f32 v43, v36;
	v43 =	vbroadcast v15, $0x0  }
0x181: {  	v18 =	vld [tilespmem:s5+$0xFFFFFF10];
	v11 =	vadd.f32 v11, v35  }
0x182: {  	v41 =	vbroadcast v9, $0x0;
	v9 =	vadd.s32 v32, v43  }
0x183: {  	v56 =	vadd.s32 v30, v57;
	[tilespmem:v12+s21+$0x0] =	vst.idx.msk $0xffff, v11  }
0x184: {  	v19 =	vadd.s32 v62, v40;
	v3 =	vadd.f32 v14, v34;
	v62 =	vld [tilespmem:$0x1FE20]  }
0x185: {  	v14 =	vadd.f32 v53, v36  }
0x186: {  	v12 =	vadd.f32 v18, v35;
	[tilespmem:v17+s21+$0x0] =	vst.idx.msk $0xffff, v3  }
0x187: {  	[tilespmem:v9+s21+$0x0] =	vst.idx.msk $0xffff, v14  }
0x188: {  	v13 =	vshll.u32 v13, v1;
	v11 =	vld [tilespmem:s5+$0xE0];
	[tilespmem:v56+s21+$0x0] =	vst.idx.msk $0xffff, v12  }
0x189: {  	v18 =	vadd.s32 v62, v44;
	v44 =	vbroadcast v13, $0x0;
	v13 =	vld [tilespmem:$0x1FD50]  }
0x18a: {  	v16 =	vshll.u32 v16, v1;
	v8 =	vld [tilespmem:s5+$0xFFFFFF70]  }
0x18b: {  	v5 =	vadd.s32 v23, v54;
	v45 =	vbroadcast v16, $0x0  }
0x18c: {  	s13 =	simm.s32 $0xD  }
0x18d: {  	v7 =	vmov s13;
	v53 =	vadd.s32 v0, v45;
	v0 =	vld [tilespmem:$0x1FE30]  }
0x18e: {  	v7 =	vshrl.u32 v7, $0x3;
	v11 =	vadd.f32 v11, v34  }
0x18f: {  	v7 =	vshll.u32 v7, v1;
	v12 =	vadd.f32 v8, v33  }
0x190: {  	v42 =	vbroadcast v7, $0x0;
	[tilespmem:v5+s21+$0x0] =	vst.idx.msk $0xffff, v11  }
0x191: {  	[tilespmem:v13+s21+$0x0] =	vst.idx.msk $0xffff, v12  }
0x192: {  	v47 =	vadd.s32 v60, v42;
	v60 =	vadd.s32 v0, v4;
	v0 =	vld [tilespmem:$0x1FD60]  }
0x193: {  	v16 =	vld [tilespmem:s5+$0xFFFFFFE0];
	_ =	sdelay $0x4  }
0x194: {  	v13 =	vadd.f32 v16, v34;
	_ =	sdelay $0x1  }
0x195: {  	[tilespmem:v0+s21+$0x0] =	vst.idx.msk $0xffff, v13  }
0x196: {  	v5 =	vld [tilespmem:$0x1FD70]  }
0x197: {  	v7 =	vld [tilespmem:s5+$0xA0];
	_ =	sdelay $0x4  }
0x198: {  	v7 =	vadd.f32 v7, v34;
	_ =	sdelay $0x1  }
0x199: {  	v0 =	vld [tilespmem:$0x1FE90];
	[tilespmem:v5+s21+$0x0] =	vst.idx.msk $0xffff, v7  }
0x19a: {  	v5 =	vld [tilespmem:$0x1FE60];
	_ =	sdelay $0x4  }
0x19b: {  	v11 =	vadd.s32 v5, v54;
	v5 =	vld [tilespmem:$0x1FD80]  }
0x19c: {  	v9 =	vld [tilespmem:s5+$0x60]  }
0x19d: {  	v10 =	vld [tilespmem:s14+$0x40];
	_ =	sdelay $0x3  }
0x19e: {  	v16 =	vadd.f32 v9, v34  }
0x19f: {  	v62 =	vadd.f32 v10, v36;
	v10 =	vld [tilespmem:s5+$0x30]  }
0x1a0: {  	v15 =	vld [tilespmem:s14+$0x10];
	[tilespmem:v5+s21+$0x0] =	vst.idx.msk $0xffff, v16  }
0x1a1: {  	v5 =	vld [tilespmem:$0x1FE40];
	_ =	sdelay $0x2  }
0x1a2: {  	v17 =	vld [tilespmem:s14+$0xFFFFFF50];
	v13 =	vadd.f32 v10, v33  }
0x1a3: {  	v4 =	vadd.f32 v15, v35;
	v21 =	vld [tilespmem:$0x1FEC0]  }
0x1a4: {  	v10 =	vadd.s32 v5, v52;
	v5 =	vld [tilespmem:$0x1FE80];
	[tilespmem:v18+s21+$0x0] =	vst.idx.msk $0xffff, v13  }
0x1a5: {  	[tilespmem:v19+s21+$0x0] =	vst.idx.msk $0xffff, v4  }
0x1a6: {  	v56 =	vadd.s32 v27, v45;
	v27 =	vmov v2;
	v2 =	vld [tilespmem:$0x1FD90]  }
0x1a7: {  	v20 =	vadd.f32 v17, v35;
	v17 =	vld [tilespmem:s5+$0xFFFFFF20]  }
0x1a8: {  	v55 =	vld [tilespmem:s14+$0x80];
	v25 =	vadd.s32 v31, v24  }
0x1a9: {  	v58 =	vld [tilespmem:s5+$0xFFFFFFB0]  }
0x1aa: {  	v7 =	vld [tilespmem:s5+$0xF0]  }
0x1ab: {  	v15 =	vld [tilespmem:s14+$0xFFFFFFD0]  }
0x1ac: {  	v12 =	vld [tilespmem:s14+$0xFFFFFF90];
	v13 =	vadd.f32 v17, v34  }
0x1ad: {  	v59 =	vadd.s32 v59, v41;
	[tilespmem:v25+s21+$0x0] =	vst.idx.msk $0xffff, v20  }
0x1ae: {  	v46 =	vadd.s32 v63, v43;
	v3 =	vadd.s32 v28, v39;
	[tilespmem:v2+s21+$0x0] =	vst.idx.msk $0xffff, v13  }
0x1af: {  	v8 =	vadd.f32 v55, v36;
	v55 =	vadd.s32 v61, v44;
	v17 =	vadd.f32 v7, v33;
	v7 =	vld [tilespmem:$0x1FFB0]  }
0x1b0: {  	v61 =	vadd.f32 v58, v33;
	v58 =	vadd.s32 v6, v41;
	v6 =	vadd.f32 v15, v35;
	v15 =	vld [tilespmem:s5+$0xFFFFFFF0]  }
0x1b1: {  	v32 =	vmovc v26;
	v14 =	vadd.f32 v12, v35;
	v9 =	vadd.s32 v0, v50;
	v0 =	vadd.s32 v51, v43;
	v12 =	vld [tilespmem:s5+$0xB0]  }
0x1b2: {  	v50 =	vadd.s32 v26, v42;
	v26 =	vmovc v23;
	v54 =	vadd.s32 v30, v44;
	v16 =	vadd.s32 v22, v42;
	v2 =	vld [tilespmem:s5+$0x70]  }
0x1b3: {  	v30 =	vmovc v22;
	v18 =	vmovc v29;
	v29 =	vmov v28;
	v63 =	vadd.s32 v21, v24;
	v52 =	vadd.s32 v23, v45;
	v13 =	vld [tilespmem:s5+$0xFFFFFF30]  }
0x1b4: {  	s6 =	simm.s32 $0x10;
	s8 =	simm.s32 $0x8900;
	v4 =	vadd.s32 v18, v39;
	v5 =	vadd.s32 v5, v57;
	v31 =	vld [tilespmem:$0x1FF10];
	v28 =	vmovc v7;
	v51 =	vadd.s32 v7, v41  }
.LBB2_11:
0x1b5: {  	_ =	sdelay $0x2  }
0x1b6: {  	[tilespmem:v16+s21+$0x0] =	vst.idx.msk $0xffff, v62  }
0x1b7: {  	v18 =	vld [tilespmem:s8+$0xFFFFFF40];
	[tilespmem:v59+s21+$0x0] =	vst.idx.msk $0xffff, v8  }
0x1b8: {  	s12 =	smov.u32 s6;
	v62 =	vld [tilespmem:s8+$0x0];
	[tilespmem:v3+s21+$0x0] =	vst.idx.msk $0xffff, v14;
	v3 =	vadd.f32 v15, v33  }
0x1b9: {  	s13 =	sadd.s32 $0x2, s12;
	[tilespmem:v11+s21+$0x0] =	vst.idx.msk $0xffff, v17;
	v8 =	vld [tilespmem:s8+$0x80]  }
0x1ba: {  	s29 =	sadd.s32 $0x4, s12;
	v17 =	vmov s13;
	v24 =	vld [tilespmem:s8+$0xC0];
	v12 =	vadd.f32 v12, v33;
	[tilespmem:v9+s21+$0x0] =	vst.idx.msk $0xffff, v3  }
0x1bb: {  	v14 =	vmov s29;
	v16 =	vshrl.u32 v17, $0x3;
	v3 =	vadd.f32 v2, v33;
	[tilespmem:v0+s21+$0x0] =	vst.idx.msk $0xffff, v6;
	v0 =	vld [tilespmem:$0x1FF40]  }
0x1bc: {  	v9 =	vshll.u32 v16, v1;
	v16 =	vld [tilespmem:s14+$0x90];
	[tilespmem:v10+s21+$0x0] =	vst.idx.msk $0xffff, v12;
	v10 =	vshrl.u32 v14, $0x3  }
0x1bd: {  	v17 =	vld [tilespmem:s14+$0x50];
	[tilespmem:v60+s21+$0x0] =	vst.idx.msk $0xffff, v3;
	v3 =	vshll.u32 v10, v1  }
0x1be: {  	v21 =	vld [tilespmem:s14+$0xFFFFFFA0];
	v3 =	vbroadcast v3, $0x0  }
0x1bf: {  	s10 =	sadd.s32 $0x7, s6;
	v7 =	vld [tilespmem:$0x1FE70]  }
0x1c0: {  	v20 =	vmov s10;
	s10 =	sadd.s32 $0x1, s12;
	v23 =	vld [tilespmem:s8+$0xFFFFFF80];
	v0 =	vadd.s32 v0, v3  }
0x1c1: {  	v22 =	vadd.s32 v31, v37;
	s30 =	sadd.s32 $0x5, s12;
	v11 =	vmov s10;
	v13 =	vadd.f32 v13, v33;
	v14 =	vld [tilespmem:$0x1FEA0]  }
0x1c2: {  	[tilespmem:v53+s21+$0x0] =	vst.idx.msk $0xffff, v49;
	v11 =	vshrl.u32 v11, $0x3;
	v15 =	vmov s30;
	v49 =	vadd.f32 v24, v36;
	v24 =	vld [tilespmem:$0x1FF70]  }
0x1c3: {  	v15 =	vshrl.u32 v15, $0x3;
	v12 =	vld [tilespmem:s14+$0xFFFFFF60];
	[tilespmem:v5+s21+$0x0] =	vst.idx.msk $0xffff, v13;
	v10 =	vadd.f32 v21, v34;
	v21 =	vadd.f32 v62, v36  }
0x1c4: {  	v2 =	vshll.u32 v11, v1;
	v11 =	vshrl.u32 v20, $0x3;
	v15 =	vshll.u32 v15, v1;
	v5 =	vld [tilespmem:s8+$0xFFFFFF00]  }
0x1c5: {  	v2 =	vbroadcast v2, $0x0;
	v6 =	vshll.u32 v11, v1;
	v11 =	vld [tilespmem:s14+$0x20];
	[tilespmem:v0+s21+$0x0] =	vst.idx.msk $0xffff, v21;
	v0 =	vbroadcast v15, $0x0  }
0x1c6: {  	v37 =	vmov v39;
	[tilespmem:v22+s21+$0x0] =	vst.idx.msk $0xffff, v61;
	v17 =	vadd.f32 v17, v35;
	v60 =	vld [tilespmem:$0x1FEB0]  }
0x1c7: {  	v39 =	vbroadcast v9, $0x0;
	[tilespmem:v55+s21+$0x0] =	vst.idx.msk $0xffff, v48;
	v9 =	vld [tilespmem:s8+$0x40];
	v14 =	vadd.s32 v14, v2;
	v24 =	vadd.s32 v24, v0  }
0x1c8: {  	[tilespmem:v47+s21+$0x0] =	vst.idx.msk $0xffff, v17;
	v12 =	vadd.f32 v12, v34;
	v47 =	vmov v24;
	v24 =	vld [tilespmem:$0x1FE30]  }
0x1c9: {  	v62 =	vld [tilespmem:$0x1FF50];
	[tilespmem:v4+s21+$0x0] =	vst.idx.msk $0xffff, v10  }
0x1ca: {  	v19 =	vmov s12;
	v55 =	vld [tilespmem:s14+$0xFFFFFF10];
	v4 =	vadd.f32 v18, v36;
	[tilespmem:v63+s21+$0x0] =	vst.idx.msk $0xffff, v12  }
0x1cb: {  	v13 =	vshrl.u32 v19, $0x3;
	v19 =	vadd.s32 v27, v39;
	v25 =	vld [tilespmem:s14+$0xFFFFFF70]  }
0x1cc: {  	[tilespmem:v14+s21+$0x0] =	vst.idx.msk $0xffff, v4;
	v14 =	vld [tilespmem:$0x1FE20]  }
0x1cd: {  	s5 =	sadd.s32 $0x6, s12;
	s12 =	sadd.s32 $0x3, s12;
	v16 =	vadd.f32 v16, v35;
	v21 =	vadd.s32 v60, v2;
	v60 =	vadd.s32 v24, v42;
	v42 =	vmovc v0;
	v0 =	vld [tilespmem:$0x1FE50]  }
0x1ce: {  	v59 =	vmov s12;
	v57 =	vadd.s32 v7, v44;
	v7 =	vld [tilespmem:$0x1FFF0];
	v23 =	vadd.f32 v23, v36  }
0x1cf: {  	v61 =	vld [tilespmem:$0x1FEE0];
	v22 =	vshrl.u32 v59, $0x3;
	v13 =	vshll.u32 v13, v1;
	v5 =	vadd.f32 v5, v36;
	[tilespmem:v58+s21+$0x0] =	vst.idx.msk $0xffff, v16  }
0x1d0: {  	v22 =	vshll.u32 v22, v1;
	v13 =	vbroadcast v13, $0x0;
	v12 =	vld [tilespmem:s14+$0xFFFFFFB0];
	[tilespmem:v19+s21+$0x0] =	vst.idx.msk $0xffff, v23;
	v23 =	vadd.s32 v62, v3  }
0x1d1: {  	v16 =	vld [tilespmem:s14+$0xD0];
	v48 =	vmovc v5;
	v5 =	vbroadcast v22, $0x0;
	v62 =	vadd.f32 v9, v36;
	v9 =	vadd.f32 v55, v35  }
0x1d2: {  	v22 =	vadd.s32 v14, v40;
	v14 =	vld [tilespmem:s8+$0xFFFFFF50];
	v55 =	vadd.s32 v0, v13;
	v0 =	vadd.f32 v25, v33  }
0x1d3: {  	v7 =	vadd.s32 v7, v40;
	v40 =	vmov v3;
	v3 =	vld [tilespmem:$0x1FE10]  }
0x1d4: {  	v18 =	vmov s5;
	[tilespmem:v38+s21+$0x0] =	vst.idx.msk $0xffff, v0;
	v0 =	vld [tilespmem:$0x1FFA0]  }
0x1d5: {  	v18 =	vshrl.u32 v18, $0x3  }
0x1d6: {  	v10 =	vld [tilespmem:s8+$0xFFFFFFC0];
	v18 =	vshll.u32 v18, v1;
	v16 =	vadd.f32 v16, v35  }
0x1d7: {  	v20 =	vadd.s32 v61, v2;
	v61 =	vld [tilespmem:$0x1FF90];
	v18 =	vbroadcast v18, $0x0  }
0x1d8: {  	[tilespmem:v56+s21+$0x0] =	vst.idx.msk $0xffff, v16;
	v16 =	vadd.s32 v3, v5;
	v3 =	vld [tilespmem:$0x1FF30]  }
0x1d9: {  	v11 =	vadd.f32 v11, v34;
	v58 =	vadd.s32 v0, v18;
	v0 =	vld [tilespmem:$0x1FE90]  }
0x1da: {  	v15 =	vld [tilespmem:s14+$0xA0]  }
0x1db: {  	v19 =	vld [tilespmem:s8+$0x10];
	[tilespmem:v7+s21+$0x0] =	vst.idx.msk $0xffff, v11  }
0x1dc: {  	v11 =	vld [tilespmem:s14+$0x30]  }
0x1dd: {  	v17 =	vld [tilespmem:s14+$0xE0]  }
0x1de: {  	[tilespmem:v54+s21+$0x0] =	vst.idx.msk $0xffff, v9;
	v56 =	vadd.s32 v3, v5;
	v9 =	vadd.s32 v0, v43;
	v43 =	vmov v5;
	v5 =	vld [tilespmem:$0x1FE60];
	_ =	sdelay $0x2  }
0x1df: {  	v4 =	vadd.f32 v10, v36;
	v10 =	vld [tilespmem:s14+$0xFFFFFFE0]  }
0x1e0: {  	v59 =	vadd.s32 v61, v18;
	v61 =	vadd.f32 v12, v33;
	v12 =	vadd.f32 v15, v34  }
0x1e1: {  	v15 =	vadd.f32 v17, v34;
	v17 =	vadd.f32 v11, v33;
	v11 =	vadd.s32 v5, v45;
	v5 =	vld [tilespmem:$0x1FFD0];
	_ =	sdelay $0x1  }
0x1e2: {  	v6 =	vbroadcast v6, $0x0  }
0x1e3: {  	v7 =	vld [tilespmem:s14+$0x60];
	v10 =	vadd.f32 v10, v34;
	[tilespmem:v16+s21+$0x0] =	vst.idx.msk $0xffff, v4  }
0x1e4: {  	v16 =	vld [tilespmem:s8+$0xFFFFFFD0];
	v45 =	vmov v6  }
0x1e5: {  	[tilespmem:v46+s21+$0x0] =	vst.idx.msk $0xffff, v10;
	v46 =	vmov v56;
	v56 =	vadd.s32 v5, v45;
	v5 =	vld [tilespmem:$0x1FE40];
	_ =	sdelay $0x1  }
0x1e6: {  	v4 =	vld [tilespmem:s14+$0xFFFFFF20];
	_ =	sdelay $0x1  }
0x1e7: {  	v63 =	vld [tilespmem:$0x1FFC0];
	v7 =	vadd.f32 v7, v34  }
0x1e8: {  	v10 =	vadd.s32 v5, v41;
	v5 =	vld [tilespmem:$0x1FE80]  }
0x1e9: {  	[tilespmem:v50+s21+$0x0] =	vst.idx.msk $0xffff, v7;
	v7 =	vld [tilespmem:$0x1FED0]  }
0x1ea: {  	v24 =	vld [tilespmem:s8+$0xFFFFFF90];
	[tilespmem:v52+s21+$0x0] =	vst.idx.msk $0xffff, v15;
	v4 =	vadd.f32 v4, v34  }
0x1eb: {  	v38 =	vmov v20;
	v20 =	vld [tilespmem:s14+$0xF0]  }
0x1ec: {  	[tilespmem:v57+s21+$0x0] =	vst.idx.msk $0xffff, v4;
	v4 =	vld [tilespmem:$0x1FF00]  }
0x1ed: {  	v8 =	vadd.f32 v8, v36;
	v53 =	vadd.s32 v63, v6;
	v0 =	vld [tilespmem:$0x1FF20];
	v5 =	vadd.s32 v5, v44;
	v44 =	vmovc v13  }
0x1ee: {  	p2 =	slt.u32 s6, $0x78;
	v19 =	vadd.f32 v19, v35;
	[tilespmem:v51+s21+$0x0] =	vst.idx.msk $0xffff, v12;
	v54 =	vadd.s32 v7, v44;
	v7 =	vld [tilespmem:$0x1FEC0]  }
.Ltmp5:
0x1ef: {  	v50 =	vadd.s32 v32, v42;
	[tilespmem:v22+s21+$0x0] =	vst.idx.msk $0xffff, v17;
	v25 =	vadd.f32 v14, v35;
	(pc) =	sbr.rel @p2 .LBB2_11-.Ltmp5, $4  }
0x1f0: {  	v12 =	vld [tilespmem:s14+$0xB0];
	[tilespmem:v23+s21+$0x0] =	vst.idx.msk $0xffff, v19;
	v14 =	vadd.f32 v24, v35;
	v3 =	vadd.s32 v29, v39  }
0x1f1: {  	v15 =	vld [tilespmem:s14+$0xFFFFFFF0];
	[tilespmem:v21+s21+$0x0] =	vst.idx.msk $0xffff, v25;
	v17 =	vadd.f32 v20, v33;
	v4 =	vadd.s32 v4, v39  }
0x1f2: {  	v0 =	vadd.s32 v0, v43;
	v6 =	vadd.f32 v16, v35;
	v16 =	vadd.s32 v30, v42;
	v41 =	vmovc v18;
	v13 =	vld [tilespmem:s14+$0xFFFFFF30]  }
0x1f3: {  	s6 =	sadd.s32 $0x8, s6;
	v52 =	vadd.s32 v26, v45;
	v51 =	vadd.s32 v28, v41;
	v63 =	vadd.s32 v7, v2;
	v2 =	vld [tilespmem:s14+$0x70];
	s14 =	smov.u32 s8;
	s8 =	sadd.s32 $0x200, s8  }
0x1f4: {  	_ =	sdelay $0x3  }
0x1f5: {  	[tilespmem:v59+s21+$0x0] =	vst.idx.msk $0xffff, v8  }
0x1f6: {  	[tilespmem:v3+s21+$0x0] =	vst.idx.msk $0xffff, v14  }
0x1f7: {  	[tilespmem:v53+s21+$0x0] =	vst.idx.msk $0xffff, v49  }
0x1f8: {  	[tilespmem:v11+s21+$0x0] =	vst.idx.msk $0xffff, v17  }
0x1f9: {  	v23 =	vadd.s32 v31, v37;
	[tilespmem:v16+s21+$0x0] =	vst.idx.msk $0xffff, v62;
	v7 =	vld [tilespmem:s14+$0xD0]  }
0x1fa: {  	[tilespmem:v55+s21+$0x0] =	vst.idx.msk $0xffff, v48;
	v24 =	vadd.f32 v12, v33  }
0x1fb: {  	[tilespmem:v0+s21+$0x0] =	vst.idx.msk $0xffff, v6;
	v3 =	vadd.f32 v15, v33  }
0x1fc: {  	[tilespmem:v10+s21+$0x0] =	vst.idx.msk $0xffff, v24  }
0x1fd: {  	[tilespmem:v9+s21+$0x0] =	vst.idx.msk $0xffff, v3;
	v2 =	vadd.f32 v2, v33  }
0x1fe: {  	[tilespmem:v23+s21+$0x0] =	vst.idx.msk $0xffff, v61;
	v7 =	vadd.f32 v7, v35  }
0x1ff: {  	v3 =	vld [tilespmem:s14+$0x90];
	[tilespmem:v60+s21+$0x0] =	vst.idx.msk $0xffff, v2  }
0x200: {  	v25 =	vld [tilespmem:s14+$0x50];
	[tilespmem:v56+s21+$0x0] =	vst.idx.msk $0xffff, v7  }
0x201: {  	v49 =	vld [tilespmem:$0x1FFF0]  }
0x202: {  	v2 =	vld [tilespmem:s14+$0xFFFFFF10]  }
0x203: {  	v26 =	vld [tilespmem:s14+$0xFFFFFF60]  }
0x204: {  	v27 =	vld [tilespmem:s14+$0x20];
	v3 =	vadd.f32 v3, v35  }
0x205: {  	v0 =	vadd.f32 v25, v35;
	v28 =	vld [tilespmem:s14+$0xE0]  }
0x206: {  	v30 =	vadd.f32 v13, v33;
	[tilespmem:v58+s21+$0x0] =	vst.idx.msk $0xffff, v3;
	v3 =	vld [tilespmem:s14+$0xFFFFFFE0];
	v29 =	vadd.s32 v49, v40  }
0x207: {  	[tilespmem:v47+s21+$0x0] =	vst.idx.msk $0xffff, v0;
	v0 =	vadd.f32 v2, v35  }
0x208: {  	[tilespmem:v5+s21+$0x0] =	vst.idx.msk $0xffff, v30;
	v2 =	vadd.f32 v26, v34  }
0x209: {  	v8 =	vadd.f32 v27, v34;
	[tilespmem:v54+s21+$0x0] =	vst.idx.msk $0xffff, v0  }
0x20a: {  	v36 =	vld [tilespmem:s14+$0x60];
	[tilespmem:v63+s21+$0x0] =	vst.idx.msk $0xffff, v2;
	v2 =	vadd.f32 v28, v34  }
0x20b: {  	v32 =	vld [tilespmem:s14+$0xA0];
	v3 =	vadd.f32 v3, v34;
	[tilespmem:v29+s21+$0x0] =	vst.idx.msk $0xffff, v8  }
0x20c: {  	v7 =	vld [tilespmem:$0x1FE70];
	[tilespmem:v52+s21+$0x0] =	vst.idx.msk $0xffff, v2  }
0x20d: {  	v37 =	vld [tilespmem:s14+$0xFFFFFFA0];
	[tilespmem:v46+s21+$0x0] =	vst.idx.msk $0xffff, v3  }
0x20e: {  	v54 =	vld [tilespmem:$0x1FE20]  }
0x20f: {  	v0 =	vld [tilespmem:s14+$0xFFFFFF20]  }
0x210: {  	v47 =	vld [tilespmem:s14+$0xFFFFFF70];
	v48 =	vadd.f32 v32, v34  }
0x211: {  	v8 =	vld [tilespmem:s14+$0x30];
	v2 =	vadd.f32 v36, v34;
	v7 =	vadd.s32 v7, v44  }
0x212: {  	v53 =	vadd.f32 v37, v34;
	v3 =	vld [tilespmem:s14+$0xF0];
	[tilespmem:v51+s21+$0x0] =	vst.idx.msk $0xffff, v48  }
0x213: {  	v10 =	vld [tilespmem:$0x1FE60];
	[tilespmem:v50+s21+$0x0] =	vst.idx.msk $0xffff, v2;
	v9 =	vadd.s32 v54, v40  }
0x214: {  	v0 =	vadd.f32 v0, v34;
	v55 =	vld [tilespmem:s14+$0xFFFFFFF0];
	[tilespmem:v4+s21+$0x0] =	vst.idx.msk $0xffff, v53  }
0x215: {  	v56 =	vadd.f32 v47, v33;
	v5 =	vld [tilespmem:$0x1FE90]  }
0x216: {  	v59 =	vld [tilespmem:$0x1FE40];
	v8 =	vadd.f32 v8, v33;
	[tilespmem:v7+s21+$0x0] =	vst.idx.msk $0xffff, v0  }
0x217: {  	v0 =	vld [tilespmem:$0x1FE30];
	[tilespmem:v38+s21+$0x0] =	vst.idx.msk $0xffff, v56  }
0x218: {  	v58 =	vld [tilespmem:s14+$0xFFFFFFB0];
	[tilespmem:v9+s21+$0x0] =	vst.idx.msk $0xffff, v8  }
0x219: {  	v10 =	vadd.s32 v10, v45;
	v9 =	vld [tilespmem:$0x1FE80]  }
0x21a: {  	v62 =	vadd.s32 v31, v39;
	v2 =	vld [tilespmem:s14+$0xB0]  }
0x21b: {  	v57 =	vld [tilespmem:s14+$0x70];
	v5 =	vadd.s32 v5, v43  }
0x21c: {  	v3 =	vadd.f32 v3, v33;
	v13 =	vadd.s32 v59, v41;
	v60 =	vld [tilespmem:s14+$0xFFFFFF30]  }
0x21d: {  	v63 =	vadd.f32 v58, v33;
	v0 =	vadd.s32 v0, v42  }
0x21e: {  	v61 =	vadd.f32 v55, v33;
	[tilespmem:v10+s21+$0x0] =	vst.idx.msk $0xffff, v3;
	v9 =	vadd.s32 v9, v44  }
0x21f: {  	v2 =	vadd.f32 v2, v33;
	[tilespmem:v62+s21+$0x0] =	vst.idx.msk $0xffff, v63  }
0x220: {  	v3 =	vadd.f32 v57, v33;
	[tilespmem:v5+s21+$0x0] =	vst.idx.msk $0xffff, v61  }
0x221: {  	s5 =	sshll.u32 s9, $0xF;
	[tilespmem:v13+s21+$0x0] =	vst.idx.msk $0xffff, v2;
	v2 =	vadd.f32 v60, v33  }
0x222: {  	s5 =	sadd.s32 s2, s5;
	[tilespmem:v0+s21+$0x0] =	vst.idx.msk $0xffff, v3  }
0x223: {  	s13 =	simm.s32 $0x10600;
	s6 =	sadd.s32 s7, s5;
	[tilespmem:v9+s21+$0x0] =	vst.idx.msk $0xffff, v2  }
0x224: {  	[hbm4b:s6+s3] =	stream.linear.scatter [tilespmem:s13], [sflag:$0x6], $0x80, $0x38;
	[tilespmem:$0x19E00] =	vst v63  }
0x225: {  	s8 =	sadd.s32 $0x10, s6;
	s14 =	simm.s32 $0x10688  }
0x226: {  	[hbm4b:s8+s3] =	stream.linear.scatter [tilespmem:s14], [sflag:$0x6], $0x80, $0x38;
	[tilespmem:$0x19E00] =	vst v63  }
0x227: {  	s29 =	simm.s32 $0x10710;
	s10 =	simm.s32 $0x10820;
	s30 =	sadd.s32 $0x20, s6  }
0x228: {  	[hbm4b:s30+s3] =	stream.linear.scatter [tilespmem:s29], [sflag:$0x6], $0x80, $0x38;
	[tilespmem:$0x19E00] =	vst v63  }
0x229: {  	s5 =	simm.s32 $0x440;
	s9 =	sadd.s32 $0x30, s6;
	s8 =	simm.s32 $0x10798  }
0x22a: {  	[hbm4b:s9+s3] =	stream.linear.scatter [tilespmem:s8], [sflag:$0x6], $0x80, $0x38;
	[tilespmem:$0x19E00] =	vst v63  }
0x22b: {  	s12 =	sadd.s32 $0x40, s6;
	s13 =	simm.s32 $0x108A8;
	s14 =	sadd.s32 $0x50, s6  }
0x22c: {  	[hbm4b:s12+s3] =	stream.linear.scatter [tilespmem:s10], [sflag:$0x6], $0x80, $0x38;
	[tilespmem:$0x19E00] =	vst v63  }
0x22d: {  	s29 =	simm.s32 $0x10930;
	s30 =	sadd.s32 $0x60, s6;
	s8 =	simm.s32 $0x2200  }
0x22e: {  	[hbm4b:s14+s3] =	stream.linear.scatter [tilespmem:s13], [sflag:$0x6], $0x80, $0x38;
	[tilespmem:$0x19E00] =	vst v63  }
0x22f: {  	s9 =	simm.s32 $0x109B8;
	s14 =	sadd.s32 $0x70, s6;
	s6 =	sadd.s32 $0x1000, s6  }
0x230: {  	[hbm4b:s30+s3] =	stream.linear.scatter [tilespmem:s29], [sflag:$0x6], $0x80, $0x38;
	[tilespmem:$0x19E00] =	vst v63  }
.LBB2_13:
0x231: {  	[hbm4b:s14+s3] =	stream.linear.scatter [tilespmem:s9], [sflag:$0x6], $0x80, $0x38;
	[tilespmem:$0x19E00] =	vst v63  }
0x232: {  	s9 =	smov.u32 s5;
	s5 =	smov.u32 s8  }
0x233: {  	s10 =	sadd.s32 $0x1100, s8;
	s5 =	sshra.s32 s5, $0x2;
	s12 =	sadd.s32 $0x10600, s9  }
0x234: {  	[hbm4b:s6+s3] =	stream.linear.scatter [tilespmem:s12], [sflag:$0x6], $0x80, $0x38;
	[tilespmem:$0x19E00] =	vst v63  }
0x235: {  	p2 =	sne.s32 s8, $0x7700;
	s8 =	sadd.s32 $0x10688, s9;
	s12 =	sadd.s32 $0x10, s6  }
0x236: {  	[hbm4b:s12+s3] =	stream.linear.scatter [tilespmem:s8], [sflag:$0x6], $0x80, $0x38;
	[tilespmem:$0x19E00] =	vst v63  }
0x237: {  	s8 =	sadd.s32 $0x10710, s9;
	s12 =	sadd.s32 $0x20, s6  }
0x238: {  	[hbm4b:s12+s3] =	stream.linear.scatter [tilespmem:s8], [sflag:$0x6], $0x80, $0x38;
	[tilespmem:$0x19E00] =	vst v63  }
0x239: {  	s8 =	sadd.s32 $0x10798, s9;
	s12 =	sadd.s32 $0x30, s6  }
0x23a: {  	[hbm4b:s12+s3] =	stream.linear.scatter [tilespmem:s8], [sflag:$0x6], $0x80, $0x38;
	[tilespmem:$0x19E00] =	vst v63  }
0x23b: {  	s8 =	sadd.s32 $0x10820, s9;
	s12 =	sadd.s32 $0x40, s6  }
0x23c: {  	[hbm4b:s12+s3] =	stream.linear.scatter [tilespmem:s8], [sflag:$0x6], $0x80, $0x38;
	[tilespmem:$0x19E00] =	vst v63  }
.Ltmp6:
0x23d: {  	s8 =	sadd.s32 $0x108A8, s9;
	s12 =	sadd.s32 $0x50, s6;
	(pc) =	sbr.rel @p2 .LBB2_13-.Ltmp6, $4  }
0x23e: {  	[hbm4b:s12+s3] =	stream.linear.scatter [tilespmem:s8], [sflag:$0x6], $0x80, $0x38;
	[tilespmem:$0x19E00] =	vst v63  }
0x23f: {  	s14 =	sadd.s32 $0x70, s6;
	s8 =	sadd.s32 $0x10930, s9;
	s12 =	sadd.s32 $0x60, s6  }
0x240: {  	[hbm4b:s12+s3] =	stream.linear.scatter [tilespmem:s8], [sflag:$0x6], $0x80, $0x38;
	[tilespmem:$0x19E00] =	vst v63  }
0x241: {  	s9 =	sadd.s32 $0x109B8, s9;
	s6 =	sadd.s32 $0x1000, s6;
	s8 =	smov.u32 s10  }
0x242: {  	[hbm4b:s14+s3] =	stream.linear.scatter [tilespmem:s9], [sflag:$0x6], $0x80, $0x38;
	[tilespmem:$0x19E00] =	vst v63  }
0x243: {  	s8 =	sadd.s32 $0x10600, s5  }
0x244: {  	[hbm4b:s6+s3] =	stream.linear.scatter [tilespmem:s8], [sflag:$0x6], $0x80, $0x38;
	[tilespmem:$0x19E00] =	vst v63  }
0x245: {  	s29 =	sadd.s32 $0x10688, s5;
	s30 =	sadd.s32 $0x10, s6  }
0x246: {  	[hbm4b:s30+s3] =	stream.linear.scatter [tilespmem:s29], [sflag:$0x6], $0x80, $0x38;
	[tilespmem:$0x19E00] =	vst v63  }
0x247: {  	s10 =	sadd.s32 $0x10710, s5;
	s12 =	sadd.s32 $0x20, s6  }
0x248: {  	[hbm4b:s12+s3] =	stream.linear.scatter [tilespmem:s10], [sflag:$0x6], $0x80, $0x38;
	[tilespmem:$0x19E00] =	vst v63  }
0x249: {  	s13 =	sadd.s32 $0x10798, s5;
	s14 =	sadd.s32 $0x30, s6  }
0x24a: {  	[hbm4b:s14+s3] =	stream.linear.scatter [tilespmem:s13], [sflag:$0x6], $0x80, $0x38;
	[tilespmem:$0x19E00] =	vst v63  }
0x24b: {  	s29 =	sadd.s32 $0x10820, s5;
	s30 =	sadd.s32 $0x40, s6  }
0x24c: {  	[hbm4b:s30+s3] =	stream.linear.scatter [tilespmem:s29], [sflag:$0x6], $0x80, $0x38;
	[tilespmem:$0x19E00] =	vst v63  }
0x24d: {  	v30 =	vld [tilespmem:$0x1FE50];
	s10 =	sadd.s32 $0x108A8, s5;
	s12 =	sadd.s32 $0x50, s6  }
0x24e: {  	v47 =	vld [tilespmem:$0x1FEA0];
	[hbm4b:s12+s3] =	stream.linear.scatter [tilespmem:s10], [sflag:$0x6], $0x80, $0x38  }
.Ltmp7:
0x24f: {  	v56 =	vld [tilespmem:$0x1FEB0];
	(pc) =	sbr.rel @p1 .LBB2_16-.Ltmp7, $4  }
0x250: {  	v22 =	vld [tilespmem:$0x1FEC0];
	s13 =	sadd.s32 $0x10930, s5;
	s14 =	sadd.s32 $0x60, s6  }
0x251: {  	v11 =	vld [tilespmem:$0x1FEE0];
	[hbm4b:s14+s3] =	stream.linear.scatter [tilespmem:s13], [sflag:$0x6], $0x80, $0x38  }
0x252: {  	v28 =	vld [tilespmem:$0x1FEF0];
	s29 =	sadd.s32 $0x109B8, s5;
	s30 =	sadd.s32 $0x70, s6  }
0x253: {  	v26 =	vld [tilespmem:$0x1FE00];
	[hbm4b:s30+s3] =	stream.linear.scatter [tilespmem:s29], [sflag:$0x6], $0x80, $0x38  }
.Ltmp8:
0x254: {  	(pc) =	sbr.rel .LBB2_17-.Ltmp8, $4  }
0x255: {  	_ = 	snop  }
0x256: {  	_ =	swait.ge [sflag:s22], $0x2000  }
0x257: {  	[sflag:s22] =	ssyncset.done $0x0  }
0x258: {  	[sflag:s22] =	ssyncadd.s32 $0xFFFFE000  }
.LBB2_16:
0x259: {  	s5 =	sshll.u32 s31, $0x9  }
0x25a: {  	s5 =	sand.u32 $0x3FFFFE00, s5  }
.Ltmp9:
0x25b: {  	s6 =	simm.s32 $0x8400;
	s5 =	sadd.s32 $0x280, s5;
	(pc) =	sbr.rel @p0 .LBB2_18-.Ltmp9, $4  }
0x25c: {  	[tilespmem:s6], [sflag:$0x2] =	stream.indirect.gather [hbm4b:s4+s11], $0x40, s5, s11, $0xb8;
	[tilespmem:$0x19E00] =	vst v63  }
0x25d: {  	_ =	swait.ge [sflag:s22], $0x2000  }
0x25e: {  	[sflag:s22] =	ssyncset.done $0x0  }
0x25f: {  	[sflag:s22] =	ssyncadd.s32 $0xFFFFE000  }
.LBB2_17:
0x260: {  	_ =	swait.ge [sflag:s23], $0x2000  }
0x261: {  	[sflag:s23] =	ssyncset.done $0x0  }
0x262: {  	[sflag:s23] =	ssyncadd.s32 $0xFFFFE000  }
.LBB2_18:
0x263: {  	s0 =	sor.u32 $0x2, s0  }
0x264: {  	v48 =	vld [tilespmem:$0x1FF40];
	s5 =	sshll.u32 s0, $0x6  }
0x265: {  	s30 =	simm.s32 $0x1;
	v62 =	vld [tilespmem:$0x1FE10];
	s5 =	sand.u32 $0x3FFFFFC0, s5  }
0x266: {  	s29 =	simm.s32 $0x4;
	v5 =	vmov s30;
	v36 =	vld [tilespmem:s5+$0x16C00]  }
0x267: {  	v3 =	vmov s29;
	v5 =	vshrl.u32 v5, $0x3;
	v35 =	vld [tilespmem:s5+$0x16C10]  }
0x268: {  	s10 =	simm.s32 $0x2;
	v3 =	vshrl.u32 v3, $0x3;
	v34 =	vld [tilespmem:s5+$0x16C20];
	v5 =	vshll.u32 v5, v1  }
0x269: {  	s12 =	simm.s32 $0x3;
	v6 =	vmov s10;
	v33 =	vld [tilespmem:s5+$0x16C30];
	s5 =	simm.s32 $0xA500;
	v3 =	vshll.u32 v3, v1;
	v5 =	vbroadcast v5, $0x0  }
0x26a: {  	v6 =	vshrl.u32 v6, $0x3;
	v7 =	vld [tilespmem:s5+$0x0];
	v44 =	vbroadcast v3, $0x0;
	v3 =	vmov s12  }
0x26b: {  	v6 =	vshll.u32 v6, v1;
	v8 =	vld [tilespmem:s5+$0xFFFFFF40];
	v3 =	vshrl.u32 v3, $0x3;
	v12 =	vadd.s32 v11, v5  }
0x26c: {  	v9 =	vld [tilespmem:s5+$0xFFFFFF80];
	v37 =	vbroadcast v6, $0x0;
	v6 =	vadd.s32 v48, v44;
	v3 =	vshll.u32 v3, v1;
	[tilespmem:$0x1FCF0] =	vst v12  }
0x26d: {  	s6 =	simm.s32 $0x0;
	v53 =	vmov v11;
	v10 =	vadd.s32 v47, v5;
	v50 =	vbroadcast v3, $0x0;
	v11 =	vld [tilespmem:s5+$0xFFFFFFC0]  }
0x26e: {  	v0 =	vmov s6;
	v12 =	vadd.s32 v28, v37;
	v3 =	vld [tilespmem:s5+$0xFFFFFF00]  }
0x26f: {  	s13 =	simm.s32 $0x6;
	v0 =	vshrl.u32 v0, $0x3;
	v13 =	vld [tilespmem:s5+$0xC0];
	v7 =	vadd.f32 v7, v36;
	v15 =	vadd.s32 v62, v50  }
0x270: {  	s8 =	simm.s32 $0x7;
	v14 =	vmov s13;
	v17 =	vshll.u32 v0, v1;
	v16 =	vld [tilespmem:s5+$0x80];
	v0 =	vadd.f32 v8, v36  }
0x271: {  	v2 =	vmov s8;
	v8 =	vshrl.u32 v14, $0x3;
	v14 =	vld [tilespmem:s5+$0x40];
	v9 =	vadd.f32 v9, v36;
	[tilespmem:v6+s24+$0x0] =	vst.idx.msk $0xffff, v7  }
0x272: {  	v2 =	vshrl.u32 v2, $0x3;
	[tilespmem:v10+s24+$0x0] =	vst.idx.msk $0xffff, v0;
	v6 =	vld [tilespmem:s5+$0x10];
	v0 =	vadd.f32 v11, v36  }
0x273: {  	v2 =	vshll.u32 v2, v1;
	[tilespmem:v12+s24+$0x0] =	vst.idx.msk $0xffff, v9;
	v7 =	vld [tilespmem:s5+$0xFFFFFF50]  }
0x274: {  	v54 =	vbroadcast v2, $0x0;
	v2 =	vld [tilespmem:s5+$0xFFFFFF90];
	[tilespmem:v15+s24+$0x0] =	vst.idx.msk $0xffff, v0  }
0x275: {  	v59 =	vld [tilespmem:$0x1FF90]  }
0x276: {  	v61 =	vld [tilespmem:$0x1FF50]  }
0x277: {  	s9 =	simm.s32 $0x5;
	v60 =	vld [tilespmem:$0x1FF70]  }
0x278: {  	v4 =	vmov s9;
	v32 =	vld [tilespmem:$0x1FFC0]  }
0x279: {  	v4 =	vshrl.u32 v4, $0x3;
	v51 =	vld [tilespmem:$0x1FF30]  }
0x27a: {  	v4 =	vshll.u32 v4, v1;
	v27 =	vld [tilespmem:$0x1FED0]  }
0x27b: {  	v4 =	vbroadcast v4, $0x0;
	v31 =	vld [tilespmem:$0x1FF80]  }
0x27c: {  	v57 =	vbroadcast v17, $0x0;
	v17 =	vadd.s32 v26, v37;
	v63 =	vld [tilespmem:$0x1FFD0]  }
0x27d: {  	v25 =	vadd.s32 v22, v5;
	v8 =	vshll.u32 v8, v1;
	v22 =	vld [tilespmem:$0x1FFE0];
	v0 =	vadd.s32 v60, v4  }
0x27e: {  	v52 =	vbroadcast v8, $0x0;
	v29 =	vld [tilespmem:$0x1FF00];
	[tilespmem:$0x1FCD0] =	vst v0;
	v0 =	vadd.s32 v51, v50  }
0x27f: {  	v9 =	vadd.s32 v56, v5;
	v8 =	vadd.f32 v13, v36;
	v23 =	vadd.s32 v27, v57;
	v13 =	vld [tilespmem:s5+$0xFFFFFFD0];
	[tilespmem:$0x1FD00] =	vst v0  }
0x280: {  	v19 =	vadd.f32 v6, v35;
	v6 =	vld [tilespmem:$0x1FF20];
	v2 =	vadd.f32 v2, v35;
	v5 =	vadd.s32 v31, v4;
	[tilespmem:$0x1FCE0] =	vst v23  }
0x281: {  	v0 =	vld [tilespmem:$0x1FFA0];
	[tilespmem:$0x1FD20] =	vst v5  }
0x282: {  	v23 =	vld [tilespmem:$0x1FF60];
	[tilespmem:v17+s24+$0x0] =	vst.idx.msk $0xffff, v2  }
0x283: {  	v58 =	vmov v28;
	v28 =	vld [tilespmem:$0x1FFB0];
	_ =	sdelay $0x3  }
0x284: {  	s9 =	simm.s32 $0xA700  }
0x285: {  	v42 =	vld [tilespmem:s9+$0xFFFFFF40];
	v2 =	vadd.s32 v28, v52  }
0x286: {  	[tilespmem:$0x1FD10] =	vst v2;
	v2 =	vld [tilespmem:$0x1FE70];
	_ =	sdelay $0x1  }
0x287: {  	v10 =	vadd.s32 v59, v52;
	_ =	sdelay $0x1  }
0x288: {  	s29 =	simm.s32 $0xF  }
0x289: {  	s30 =	simm.s32 $0x9;
	v40 =	vmov s29;
	v16 =	vadd.f32 v16, v36;
	v2 =	vadd.s32 v2, v57  }
0x28a: {  	v39 =	vmov s30;
	v18 =	vadd.s32 v30, v57;
	v24 =	vadd.s32 v23, v4;
	[tilespmem:$0x1FD30] =	vst v2  }
0x28b: {  	v39 =	vshrl.u32 v39, $0x3;
	v3 =	vadd.f32 v3, v36;
	v11 =	vadd.s32 v61, v44;
	[tilespmem:v10+s24+$0x0] =	vst.idx.msk $0xffff, v16  }
0x28c: {  	v14 =	vadd.f32 v14, v36;
	v7 =	vadd.f32 v7, v35;
	v15 =	vadd.s32 v32, v54;
	v46 =	vld [tilespmem:s5+$0x90]  }
0x28d: {  	s13 =	simm.s32 $0xA;
	v41 =	vadd.s32 v29, v37;
	v21 =	vadd.s32 v6, v50;
	v17 =	vadd.s32 v49, v44  }
0x28e: {  	s12 =	simm.s32 $0xC;
	v20 =	vadd.s32 v0, v52;
	v13 =	vadd.f32 v13, v35;
	v38 =	vld [tilespmem:s5+$0xFFFFFFA0];
	v16 =	vmov s13;
	[tilespmem:v9+s24+$0x0] =	vst.idx.msk $0xffff, v7  }
0x28f: {  	v10 =	vmov s12;
	[tilespmem:v24+s24+$0x0] =	vst.idx.msk $0xffff, v14;
	v9 =	vshrl.u32 v16, $0x3;
	v16 =	vshll.u32 v39, v1;
	v14 =	vld [tilespmem:s5+$0xFFFFFF60]  }
0x290: {  	[tilespmem:v11+s24+$0x0] =	vst.idx.msk $0xffff, v19;
	v10 =	vshrl.u32 v10, $0x3;
	v9 =	vshll.u32 v9, v1;
	v24 =	vbroadcast v16, $0x0  }
0x291: {  	v45 =	vld [tilespmem:s9+$0xFFFFFF80];
	[tilespmem:v15+s24+$0x0] =	vst.idx.msk $0xffff, v8;
	v39 =	vbroadcast v9, $0x0;
	v9 =	vshll.u32 v10, v1;
	v15 =	vadd.f32 v46, v35  }
0x292: {  	v49 =	vld [tilespmem:s9+$0x0];
	[tilespmem:v21+s24+$0x0] =	vst.idx.msk $0xffff, v13;
	v16 =	vshrl.u32 v40, $0x3;
	v19 =	vadd.s32 v47, v24;
	v40 =	vbroadcast v9, $0x0  }
0x293: {  	v10 =	vadd.f32 v38, v34;
	v21 =	vadd.s32 v58, v39;
	[tilespmem:v20+s24+$0x0] =	vst.idx.msk $0xffff, v15;
	v20 =	vld [tilespmem:s5+$0xD0]  }
0x294: {  	[tilespmem:v18+s24+$0x0] =	vst.idx.msk $0xffff, v3;
	v8 =	vadd.s32 v48, v40;
	v14 =	vadd.f32 v14, v34  }
0x295: {  	v12 =	vadd.s32 v63, v54;
	v46 =	vadd.f32 v42, v36;
	[tilespmem:v41+s24+$0x0] =	vst.idx.msk $0xffff, v10  }
0x296: {  	v3 =	vadd.f32 v45, v36;
	[tilespmem:v25+s24+$0x0] =	vst.idx.msk $0xffff, v14  }
0x297: {  	s14 =	simm.s32 $0x8;
	v25 =	vadd.f32 v49, v36;
	[tilespmem:v19+s24+$0x0] =	vst.idx.msk $0xffff, v46  }
0x298: {  	v43 =	vmov s14;
	[tilespmem:v21+s24+$0x0] =	vst.idx.msk $0xffff, v3;
	v3 =	vadd.f32 v20, v35  }
0x299: {  	v13 =	vshrl.u32 v43, $0x3;
	v43 =	vld [tilespmem:s9+$0xC0];
	[tilespmem:v8+s24+$0x0] =	vst.idx.msk $0xffff, v25  }
0x29a: {  	v11 =	vld [tilespmem:s5+$0x50];
	[tilespmem:v12+s24+$0x0] =	vst.idx.msk $0xffff, v3  }
0x29b: {  	v12 =	vld [tilespmem:$0x1FCD0]  }
0x29c: {  	v9 =	vld [tilespmem:s9+$0xFFFFFF00]  }
0x29d: {  	v14 =	vld [tilespmem:s5+$0x20]  }
0x29e: {  	s29 =	simm.s32 $0xB;
	s30 =	simm.s32 $0xE  }
0x29f: {  	v2 =	vmov v58;
	v58 =	vmov s29;
	v15 =	vmov s30  }
0x2a0: {  	v11 =	vadd.f32 v11, v35;
	v41 =	vshrl.u32 v58, $0x3;
	v15 =	vshrl.u32 v15, $0x3  }
0x2a1: {  	v48 =	vadd.f32 v9, v36;
	v9 =	vshll.u32 v15, v1;
	v15 =	vshll.u32 v41, v1  }
0x2a2: {  	v49 =	vadd.f32 v43, v36;
	v43 =	vbroadcast v15, $0x0;
	v3 =	vadd.f32 v14, v34  }
0x2a3: {  	v38 =	vadd.s32 v53, v24;
	v53 =	vld [tilespmem:s9+$0xFFFFFFC0];
	[tilespmem:v12+s24+$0x0] =	vst.idx.msk $0xffff, v11  }
0x2a4: {  	v41 =	vbroadcast v9, $0x0;
	v9 =	vadd.s32 v62, v43;
	v62 =	vld [tilespmem:$0x1FE20];
	[tilespmem:v17+s24+$0x0] =	vst.idx.msk $0xffff, v3  }
0x2a5: {  	v3 =	vld [tilespmem:$0x1FCE0]  }
0x2a6: {  	v18 =	vld [tilespmem:s5+$0xFFFFFF10];
	_ =	sdelay $0x3  }
0x2a7: {  	v14 =	vadd.f32 v53, v36  }
0x2a8: {  	v12 =	vadd.f32 v18, v35  }
0x2a9: {  	[tilespmem:v9+s24+$0x0] =	vst.idx.msk $0xffff, v14  }
0x2aa: {  	v11 =	vld [tilespmem:s5+$0xE0];
	[tilespmem:v3+s24+$0x0] =	vst.idx.msk $0xffff, v12  }
0x2ab: {  	v14 =	vld [tilespmem:$0x1FCF0]  }
0x2ac: {  	v8 =	vld [tilespmem:s5+$0xFFFFFF70]  }
0x2ad: {  	v5 =	vadd.s32 v22, v54;
	_ =	sdelay $0x2  }
0x2ae: {  	v11 =	vadd.f32 v11, v34  }
0x2af: {  	v13 =	vshll.u32 v13, v1;
	v12 =	vadd.f32 v8, v33  }
0x2b0: {  	v18 =	vadd.s32 v62, v44;
	v44 =	vbroadcast v13, $0x0;
	v13 =	vld [tilespmem:$0x1FE30];
	[tilespmem:v5+s24+$0x0] =	vst.idx.msk $0xffff, v11  }
0x2b1: {  	[tilespmem:v14+s24+$0x0] =	vst.idx.msk $0xffff, v12  }
0x2b2: {  	s14 =	simm.s32 $0xD;
	v16 =	vshll.u32 v16, v1;
	v5 =	vld [tilespmem:$0x1FD00]  }
0x2b3: {  	v7 =	vmov s14;
	v45 =	vbroadcast v16, $0x0;
	v16 =	vld [tilespmem:s5+$0xFFFFFFE0]  }
0x2b4: {  	v7 =	vshrl.u32 v7, $0x3  }
0x2b5: {  	v7 =	vshll.u32 v7, v1  }
0x2b6: {  	v42 =	vbroadcast v7, $0x0;
	_ =	sdelay $0x1  }
0x2b7: {  	v47 =	vadd.s32 v60, v42;
	v60 =	vadd.s32 v13, v4;
	v13 =	vadd.f32 v16, v34;
	_ =	sdelay $0x1  }
0x2b8: {  	[tilespmem:v5+s24+$0x0] =	vst.idx.msk $0xffff, v13  }
0x2b9: {  	v5 =	vld [tilespmem:$0x1FD10]  }
0x2ba: {  	v7 =	vld [tilespmem:s5+$0xA0];
	_ =	sdelay $0x1  }
0x2bb: {  	v58 =	vld [tilespmem:s5+$0xFFFFFFB0];
	_ =	sdelay $0x2  }
0x2bc: {  	v7 =	vadd.f32 v7, v34  }
0x2bd: {  	v19 =	vadd.s32 v61, v40  }
0x2be: {  	v61 =	vadd.f32 v58, v33;
	v58 =	vadd.s32 v0, v41;
	v0 =	vld [tilespmem:$0x1FE90];
	[tilespmem:v5+s24+$0x0] =	vst.idx.msk $0xffff, v7  }
0x2bf: {  	v5 =	vld [tilespmem:$0x1FE60];
	_ =	sdelay $0x4  }
0x2c0: {  	v11 =	vadd.s32 v5, v54;
	v5 =	vld [tilespmem:$0x1FD20]  }
0x2c1: {  	v9 =	vld [tilespmem:s5+$0x60]  }
0x2c2: {  	v10 =	vld [tilespmem:s9+$0x40];
	_ =	sdelay $0x3  }
0x2c3: {  	v16 =	vadd.f32 v9, v34  }
0x2c4: {  	v62 =	vadd.f32 v10, v36;
	v10 =	vld [tilespmem:s5+$0x30]  }
0x2c5: {  	v15 =	vld [tilespmem:s9+$0x10];
	[tilespmem:v5+s24+$0x0] =	vst.idx.msk $0xffff, v16  }
0x2c6: {  	v5 =	vld [tilespmem:$0x1FE40]  }
0x2c7: {  	v17 =	vld [tilespmem:s9+$0xFFFFFF50];
	_ =	sdelay $0x1  }
0x2c8: {  	v55 =	vld [tilespmem:s9+$0x80];
	v13 =	vadd.f32 v10, v33  }
0x2c9: {  	v4 =	vadd.f32 v15, v35;
	v21 =	vld [tilespmem:$0x1FEC0]  }
0x2ca: {  	v10 =	vadd.s32 v5, v52;
	v5 =	vld [tilespmem:$0x1FE80];
	[tilespmem:v18+s24+$0x0] =	vst.idx.msk $0xffff, v13  }
0x2cb: {  	v20 =	vadd.f32 v17, v35;
	v17 =	vld [tilespmem:s5+$0xFFFFFF20];
	[tilespmem:v19+s24+$0x0] =	vst.idx.msk $0xffff, v4  }
0x2cc: {  	v54 =	vadd.s32 v27, v44;
	v27 =	vmov v2;
	v2 =	vld [tilespmem:$0x1FD30]  }
0x2cd: {  	v15 =	vld [tilespmem:s9+$0xFFFFFFD0]  }
0x2ce: {  	v12 =	vld [tilespmem:s9+$0xFFFFFF90]  }
0x2cf: {  	v25 =	vadd.s32 v56, v24;
	v56 =	vadd.s32 v63, v45;
	v59 =	vadd.s32 v59, v41  }
0x2d0: {  	v46 =	vadd.s32 v51, v43;
	v51 =	vadd.s32 v28, v41;
	v53 =	vadd.s32 v32, v45;
	v7 =	vld [tilespmem:s5+$0xF0]  }
0x2d1: {  	v3 =	vadd.s32 v26, v39;
	v8 =	vadd.f32 v55, v36;
	v9 =	vadd.s32 v0, v50  }
0x2d2: {  	v0 =	vadd.s32 v6, v43;
	v6 =	vadd.f32 v15, v35;
	v15 =	vld [tilespmem:s5+$0xFFFFFFF0];
	v13 =	vadd.f32 v17, v34  }
0x2d3: {  	v55 =	vadd.s32 v30, v44;
	v30 =	vmovc v31;
	v14 =	vadd.f32 v12, v35;
	v50 =	vadd.s32 v31, v42;
	v12 =	vld [tilespmem:s5+$0xB0]  }
0x2d4: {  	v31 =	vmovc v22;
	v16 =	vadd.s32 v23, v42;
	v18 =	vmov v29;
	v29 =	vmov v26;
	[tilespmem:v2+s24+$0x0] =	vst.idx.msk $0xffff, v13;
	v2 =	vld [tilespmem:s5+$0x70]  }
0x2d5: {  	v32 =	vmov v21;
	v63 =	vadd.s32 v21, v24;
	v17 =	vadd.f32 v7, v33;
	[tilespmem:v25+s24+$0x0] =	vst.idx.msk $0xffff, v20;
	v13 =	vld [tilespmem:s5+$0xFFFFFF30]  }
0x2d6: {  	s6 =	simm.s32 $0x10;
	s8 =	simm.s32 $0xA900;
	v52 =	vadd.s32 v22, v45;
	v26 =	vmovc v28;
	v4 =	vadd.s32 v18, v39;
	v5 =	vadd.s32 v5, v57;
	v28 =	vld [tilespmem:$0x1FF10]  }
.LBB2_19:
0x2d7: {  	_ =	sdelay $0x3  }
0x2d8: {  	[tilespmem:v16+s24+$0x0] =	vst.idx.msk $0xffff, v62  }
0x2d9: {  	v18 =	vld [tilespmem:s8+$0xFFFFFF40];
	[tilespmem:v59+s24+$0x0] =	vst.idx.msk $0xffff, v8  }
0x2da: {  	s12 =	smov.u32 s6;
	v62 =	vld [tilespmem:s8+$0x0];
	[tilespmem:v3+s24+$0x0] =	vst.idx.msk $0xffff, v14;
	v3 =	vadd.f32 v15, v33  }
0x2db: {  	s29 =	sadd.s32 $0x2, s12;
	[tilespmem:v11+s24+$0x0] =	vst.idx.msk $0xffff, v17;
	v8 =	vld [tilespmem:s8+$0x80]  }
0x2dc: {  	s13 =	sadd.s32 $0x4, s12;
	v17 =	vmov s29;
	v24 =	vld [tilespmem:s8+$0xC0];
	v12 =	vadd.f32 v12, v33;
	[tilespmem:v9+s24+$0x0] =	vst.idx.msk $0xffff, v3  }
0x2dd: {  	v14 =	vmov s13;
	v16 =	vshrl.u32 v17, $0x3;
	v3 =	vadd.f32 v2, v33;
	[tilespmem:v0+s24+$0x0] =	vst.idx.msk $0xffff, v6;
	v0 =	vld [tilespmem:$0x1FF40]  }
0x2de: {  	v9 =	vshll.u32 v16, v1;
	v16 =	vld [tilespmem:s9+$0x90];
	[tilespmem:v10+s24+$0x0] =	vst.idx.msk $0xffff, v12;
	v10 =	vshrl.u32 v14, $0x3  }
0x2df: {  	v17 =	vld [tilespmem:s9+$0x50];
	[tilespmem:v60+s24+$0x0] =	vst.idx.msk $0xffff, v3;
	v3 =	vshll.u32 v10, v1  }
0x2e0: {  	v21 =	vld [tilespmem:s9+$0xFFFFFFA0];
	v3 =	vbroadcast v3, $0x0  }
0x2e1: {  	v7 =	vld [tilespmem:$0x1FE70]  }
0x2e2: {  	s10 =	sadd.s32 $0x7, s6;
	v22 =	vadd.s32 v28, v37;
	s30 =	sadd.s32 $0x1, s12;
	v23 =	vld [tilespmem:s8+$0xFFFFFF80];
	v0 =	vadd.s32 v0, v3  }
0x2e3: {  	s14 =	sadd.s32 $0x5, s12;
	v20 =	vmov s10;
	v11 =	vmov s30;
	v13 =	vadd.f32 v13, v33;
	v14 =	vld [tilespmem:$0x1FEA0]  }
0x2e4: {  	[tilespmem:v53+s24+$0x0] =	vst.idx.msk $0xffff, v49;
	v11 =	vshrl.u32 v11, $0x3;
	v15 =	vmov s14;
	v49 =	vadd.f32 v24, v36;
	v24 =	vld [tilespmem:$0x1FF70]  }
0x2e5: {  	v15 =	vshrl.u32 v15, $0x3;
	v12 =	vld [tilespmem:s9+$0xFFFFFF60];
	[tilespmem:v5+s24+$0x0] =	vst.idx.msk $0xffff, v13;
	v10 =	vadd.f32 v21, v34;
	v21 =	vadd.f32 v62, v36  }
0x2e6: {  	v2 =	vshll.u32 v11, v1;
	v11 =	vshrl.u32 v20, $0x3;
	v15 =	vshll.u32 v15, v1;
	v5 =	vld [tilespmem:s8+$0xFFFFFF00]  }
0x2e7: {  	v2 =	vbroadcast v2, $0x0;
	v6 =	vshll.u32 v11, v1;
	v11 =	vld [tilespmem:s9+$0x20];
	[tilespmem:v0+s24+$0x0] =	vst.idx.msk $0xffff, v21;
	v0 =	vbroadcast v15, $0x0  }
0x2e8: {  	v37 =	vmov v39;
	[tilespmem:v22+s24+$0x0] =	vst.idx.msk $0xffff, v61;
	v17 =	vadd.f32 v17, v35;
	v60 =	vld [tilespmem:$0x1FEB0]  }
0x2e9: {  	v39 =	vbroadcast v9, $0x0;
	[tilespmem:v55+s24+$0x0] =	vst.idx.msk $0xffff, v48;
	v9 =	vld [tilespmem:s8+$0x40];
	v14 =	vadd.s32 v14, v2;
	v24 =	vadd.s32 v24, v0  }
0x2ea: {  	[tilespmem:v47+s24+$0x0] =	vst.idx.msk $0xffff, v17;
	v12 =	vadd.f32 v12, v34;
	v47 =	vmov v24;
	v24 =	vld [tilespmem:$0x1FE30]  }
0x2eb: {  	v62 =	vld [tilespmem:$0x1FF50];
	[tilespmem:v4+s24+$0x0] =	vst.idx.msk $0xffff, v10  }
0x2ec: {  	v19 =	vmov s12;
	v55 =	vld [tilespmem:s9+$0xFFFFFF10];
	v4 =	vadd.f32 v18, v36;
	[tilespmem:v63+s24+$0x0] =	vst.idx.msk $0xffff, v12  }
0x2ed: {  	v13 =	vshrl.u32 v19, $0x3;
	v19 =	vadd.s32 v27, v39;
	v25 =	vld [tilespmem:s9+$0xFFFFFF70]  }
0x2ee: {  	[tilespmem:v14+s24+$0x0] =	vst.idx.msk $0xffff, v4;
	v14 =	vld [tilespmem:$0x1FE20]  }
0x2ef: {  	s5 =	sadd.s32 $0x6, s12;
	s12 =	sadd.s32 $0x3, s12;
	v16 =	vadd.f32 v16, v35;
	v21 =	vadd.s32 v60, v2;
	v60 =	vadd.s32 v24, v42;
	v42 =	vmovc v0;
	v0 =	vld [tilespmem:$0x1FE50]  }
0x2f0: {  	v59 =	vmov s12;
	v57 =	vadd.s32 v7, v44;
	v7 =	vld [tilespmem:$0x1FFF0];
	v23 =	vadd.f32 v23, v36  }
0x2f1: {  	v61 =	vld [tilespmem:$0x1FEE0];
	v22 =	vshrl.u32 v59, $0x3;
	v13 =	vshll.u32 v13, v1;
	v5 =	vadd.f32 v5, v36;
	[tilespmem:v58+s24+$0x0] =	vst.idx.msk $0xffff, v16  }
0x2f2: {  	v22 =	vshll.u32 v22, v1;
	v13 =	vbroadcast v13, $0x0;
	v12 =	vld [tilespmem:s9+$0xFFFFFFB0];
	[tilespmem:v19+s24+$0x0] =	vst.idx.msk $0xffff, v23;
	v23 =	vadd.s32 v62, v3  }
0x2f3: {  	v16 =	vld [tilespmem:s9+$0xD0];
	v48 =	vmovc v5;
	v5 =	vbroadcast v22, $0x0;
	v62 =	vadd.f32 v9, v36;
	v9 =	vadd.f32 v55, v35  }
0x2f4: {  	v22 =	vadd.s32 v14, v40;
	v14 =	vld [tilespmem:s8+$0xFFFFFF50];
	v55 =	vadd.s32 v0, v13;
	v0 =	vadd.f32 v25, v33  }
0x2f5: {  	v7 =	vadd.s32 v7, v40;
	v40 =	vmov v3;
	v3 =	vld [tilespmem:$0x1FE10]  }
0x2f6: {  	v18 =	vmov s5;
	[tilespmem:v38+s24+$0x0] =	vst.idx.msk $0xffff, v0;
	v0 =	vld [tilespmem:$0x1FFA0]  }
0x2f7: {  	v18 =	vshrl.u32 v18, $0x3  }
0x2f8: {  	v10 =	vld [tilespmem:s8+$0xFFFFFFC0];
	v18 =	vshll.u32 v18, v1;
	v16 =	vadd.f32 v16, v35  }
0x2f9: {  	v20 =	vadd.s32 v61, v2;
	v61 =	vld [tilespmem:$0x1FF90];
	v18 =	vbroadcast v18, $0x0  }
0x2fa: {  	[tilespmem:v56+s24+$0x0] =	vst.idx.msk $0xffff, v16;
	v16 =	vadd.s32 v3, v5;
	v3 =	vld [tilespmem:$0x1FF30]  }
0x2fb: {  	v11 =	vadd.f32 v11, v34;
	v58 =	vadd.s32 v0, v18;
	v0 =	vld [tilespmem:$0x1FE90]  }
0x2fc: {  	v15 =	vld [tilespmem:s9+$0xA0]  }
0x2fd: {  	v19 =	vld [tilespmem:s8+$0x10];
	[tilespmem:v7+s24+$0x0] =	vst.idx.msk $0xffff, v11  }
0x2fe: {  	v11 =	vld [tilespmem:s9+$0x30]  }
0x2ff: {  	v17 =	vld [tilespmem:s9+$0xE0]  }
0x300: {  	[tilespmem:v54+s24+$0x0] =	vst.idx.msk $0xffff, v9;
	v56 =	vadd.s32 v3, v5;
	v9 =	vadd.s32 v0, v43;
	v43 =	vmov v5;
	v5 =	vld [tilespmem:$0x1FE60];
	_ =	sdelay $0x2  }
0x301: {  	v4 =	vadd.f32 v10, v36;
	v10 =	vld [tilespmem:s9+$0xFFFFFFE0]  }
0x302: {  	v59 =	vadd.s32 v61, v18;
	v61 =	vadd.f32 v12, v33;
	v12 =	vadd.f32 v15, v34  }
0x303: {  	v15 =	vadd.f32 v17, v34;
	v17 =	vadd.f32 v11, v33;
	v11 =	vadd.s32 v5, v45;
	v5 =	vld [tilespmem:$0x1FFD0];
	_ =	sdelay $0x1  }
0x304: {  	v6 =	vbroadcast v6, $0x0  }
0x305: {  	v7 =	vld [tilespmem:s9+$0x60];
	v10 =	vadd.f32 v10, v34;
	[tilespmem:v16+s24+$0x0] =	vst.idx.msk $0xffff, v4  }
0x306: {  	v16 =	vld [tilespmem:s8+$0xFFFFFFD0];
	v45 =	vmov v6  }
0x307: {  	[tilespmem:v46+s24+$0x0] =	vst.idx.msk $0xffff, v10;
	v46 =	vmov v56;
	v56 =	vadd.s32 v5, v45;
	v5 =	vld [tilespmem:$0x1FE40];
	_ =	sdelay $0x1  }
0x308: {  	v4 =	vld [tilespmem:s9+$0xFFFFFF20];
	_ =	sdelay $0x1  }
0x309: {  	v63 =	vld [tilespmem:$0x1FFC0];
	v7 =	vadd.f32 v7, v34  }
0x30a: {  	v10 =	vadd.s32 v5, v41;
	v5 =	vld [tilespmem:$0x1FE80]  }
0x30b: {  	[tilespmem:v50+s24+$0x0] =	vst.idx.msk $0xffff, v7;
	v7 =	vld [tilespmem:$0x1FED0]  }
0x30c: {  	v24 =	vld [tilespmem:s8+$0xFFFFFF90];
	[tilespmem:v52+s24+$0x0] =	vst.idx.msk $0xffff, v15;
	v4 =	vadd.f32 v4, v34  }
0x30d: {  	v38 =	vmov v20;
	v20 =	vld [tilespmem:s9+$0xF0]  }
0x30e: {  	[tilespmem:v57+s24+$0x0] =	vst.idx.msk $0xffff, v4;
	v4 =	vld [tilespmem:$0x1FF00]  }
0x30f: {  	v8 =	vadd.f32 v8, v36;
	v53 =	vadd.s32 v63, v6;
	v0 =	vld [tilespmem:$0x1FF20];
	v5 =	vadd.s32 v5, v44;
	v44 =	vmovc v13  }
0x310: {  	p2 =	slt.u32 s6, $0x78;
	v19 =	vadd.f32 v19, v35;
	[tilespmem:v51+s24+$0x0] =	vst.idx.msk $0xffff, v12;
	v54 =	vadd.s32 v7, v44;
	v7 =	vld [tilespmem:$0x1FF60]  }
.Ltmp10:
0x311: {  	v63 =	vadd.s32 v32, v2;
	[tilespmem:v22+s24+$0x0] =	vst.idx.msk $0xffff, v17;
	v25 =	vadd.f32 v14, v35;
	(pc) =	sbr.rel @p2 .LBB2_19-.Ltmp10, $4  }
0x312: {  	v12 =	vld [tilespmem:s9+$0xB0];
	v50 =	vadd.s32 v30, v42;
	[tilespmem:v23+s24+$0x0] =	vst.idx.msk $0xffff, v19;
	v14 =	vadd.f32 v24, v35  }
0x313: {  	v2 =	vld [tilespmem:s9+$0x70];
	v3 =	vadd.s32 v29, v39;
	[tilespmem:v21+s24+$0x0] =	vst.idx.msk $0xffff, v25;
	v17 =	vadd.f32 v20, v33  }
0x314: {  	v15 =	vld [tilespmem:s9+$0xFFFFFFF0];
	v4 =	vadd.s32 v4, v39;
	v0 =	vadd.s32 v0, v43;
	v6 =	vadd.f32 v16, v35;
	v41 =	vmovc v18  }
0x315: {  	s6 =	sadd.s32 $0x8, s6;
	v52 =	vadd.s32 v31, v45;
	v51 =	vadd.s32 v26, v41;
	v13 =	vld [tilespmem:s9+$0xFFFFFF30];
	s9 =	smov.u32 s8;
	s8 =	sadd.s32 $0x200, s8;
	v16 =	vadd.s32 v7, v42  }
0x316: {  	_ =	sdelay $0x3  }
0x317: {  	[tilespmem:v59+s24+$0x0] =	vst.idx.msk $0xffff, v8  }
0x318: {  	[tilespmem:v3+s24+$0x0] =	vst.idx.msk $0xffff, v14  }
0x319: {  	[tilespmem:v53+s24+$0x0] =	vst.idx.msk $0xffff, v49  }
0x31a: {  	[tilespmem:v11+s24+$0x0] =	vst.idx.msk $0xffff, v17  }
0x31b: {  	[tilespmem:v16+s24+$0x0] =	vst.idx.msk $0xffff, v62;
	v7 =	vld [tilespmem:s9+$0xD0]  }
0x31c: {  	v23 =	vadd.s32 v28, v37;
	[tilespmem:v55+s24+$0x0] =	vst.idx.msk $0xffff, v48;
	v24 =	vadd.f32 v12, v33  }
0x31d: {  	[tilespmem:v0+s24+$0x0] =	vst.idx.msk $0xffff, v6;
	v2 =	vadd.f32 v2, v33  }
0x31e: {  	v3 =	vadd.f32 v15, v33;
	[tilespmem:v10+s24+$0x0] =	vst.idx.msk $0xffff, v24  }
0x31f: {  	[tilespmem:v60+s24+$0x0] =	vst.idx.msk $0xffff, v2  }
0x320: {  	[tilespmem:v9+s24+$0x0] =	vst.idx.msk $0xffff, v3;
	v7 =	vadd.f32 v7, v35  }
0x321: {  	v3 =	vld [tilespmem:s9+$0x90];
	[tilespmem:v23+s24+$0x0] =	vst.idx.msk $0xffff, v61  }
0x322: {  	v25 =	vld [tilespmem:s9+$0x50];
	[tilespmem:v56+s24+$0x0] =	vst.idx.msk $0xffff, v7  }
0x323: {  	v49 =	vld [tilespmem:$0x1FFF0]  }
0x324: {  	v2 =	vld [tilespmem:s9+$0xFFFFFF10]  }
0x325: {  	v26 =	vld [tilespmem:s9+$0xFFFFFF60]  }
0x326: {  	v27 =	vld [tilespmem:s9+$0x20];
	v3 =	vadd.f32 v3, v35  }
0x327: {  	v0 =	vadd.f32 v25, v35;
	v29 =	vld [tilespmem:s9+$0xE0]  }
0x328: {  	v31 =	vadd.f32 v13, v33;
	[tilespmem:v58+s24+$0x0] =	vst.idx.msk $0xffff, v3;
	v3 =	vld [tilespmem:s9+$0xFFFFFFE0];
	v30 =	vadd.s32 v49, v40  }
0x329: {  	[tilespmem:v47+s24+$0x0] =	vst.idx.msk $0xffff, v0;
	v0 =	vadd.f32 v2, v35  }
0x32a: {  	[tilespmem:v5+s24+$0x0] =	vst.idx.msk $0xffff, v31;
	v2 =	vadd.f32 v26, v34  }
0x32b: {  	v8 =	vadd.f32 v27, v34;
	[tilespmem:v54+s24+$0x0] =	vst.idx.msk $0xffff, v0  }
0x32c: {  	v36 =	vld [tilespmem:s9+$0x60];
	[tilespmem:v63+s24+$0x0] =	vst.idx.msk $0xffff, v2;
	v2 =	vadd.f32 v29, v34  }
0x32d: {  	v32 =	vld [tilespmem:s9+$0xA0];
	v3 =	vadd.f32 v3, v34;
	[tilespmem:v30+s24+$0x0] =	vst.idx.msk $0xffff, v8  }
0x32e: {  	v7 =	vld [tilespmem:$0x1FE70];
	[tilespmem:v52+s24+$0x0] =	vst.idx.msk $0xffff, v2  }
0x32f: {  	v37 =	vld [tilespmem:s9+$0xFFFFFFA0];
	[tilespmem:v46+s24+$0x0] =	vst.idx.msk $0xffff, v3  }
0x330: {  	v54 =	vld [tilespmem:$0x1FE20]  }
0x331: {  	v0 =	vld [tilespmem:s9+$0xFFFFFF20]  }
0x332: {  	v47 =	vld [tilespmem:s9+$0xFFFFFF70];
	v48 =	vadd.f32 v32, v34  }
0x333: {  	v8 =	vld [tilespmem:s9+$0x30];
	v2 =	vadd.f32 v36, v34;
	v7 =	vadd.s32 v7, v44  }
0x334: {  	v53 =	vadd.f32 v37, v34;
	v3 =	vld [tilespmem:s9+$0xF0];
	[tilespmem:v51+s24+$0x0] =	vst.idx.msk $0xffff, v48  }
0x335: {  	v10 =	vld [tilespmem:$0x1FE60];
	[tilespmem:v50+s24+$0x0] =	vst.idx.msk $0xffff, v2;
	v9 =	vadd.s32 v54, v40  }
0x336: {  	v0 =	vadd.f32 v0, v34;
	v55 =	vld [tilespmem:s9+$0xFFFFFFF0];
	[tilespmem:v4+s24+$0x0] =	vst.idx.msk $0xffff, v53  }
0x337: {  	v56 =	vadd.f32 v47, v33;
	v5 =	vld [tilespmem:$0x1FE90]  }
0x338: {  	v59 =	vld [tilespmem:$0x1FE40];
	v8 =	vadd.f32 v8, v33;
	[tilespmem:v7+s24+$0x0] =	vst.idx.msk $0xffff, v0  }
0x339: {  	v0 =	vld [tilespmem:$0x1FE30];
	[tilespmem:v38+s24+$0x0] =	vst.idx.msk $0xffff, v56  }
0x33a: {  	v58 =	vld [tilespmem:s9+$0xFFFFFFB0];
	[tilespmem:v9+s24+$0x0] =	vst.idx.msk $0xffff, v8  }
0x33b: {  	v10 =	vadd.s32 v10, v45;
	v9 =	vld [tilespmem:$0x1FE80]  }
0x33c: {  	v62 =	vadd.s32 v28, v39;
	v2 =	vld [tilespmem:s9+$0xB0]  }
0x33d: {  	v57 =	vld [tilespmem:s9+$0x70];
	v5 =	vadd.s32 v5, v43  }
0x33e: {  	v3 =	vadd.f32 v3, v33;
	v13 =	vadd.s32 v59, v41;
	v60 =	vld [tilespmem:s9+$0xFFFFFF30]  }
0x33f: {  	v63 =	vadd.f32 v58, v33;
	v0 =	vadd.s32 v0, v42  }
0x340: {  	v61 =	vadd.f32 v55, v33;
	[tilespmem:v10+s24+$0x0] =	vst.idx.msk $0xffff, v3;
	v9 =	vadd.s32 v9, v44  }
0x341: {  	v2 =	vadd.f32 v2, v33;
	[tilespmem:v62+s24+$0x0] =	vst.idx.msk $0xffff, v63  }
0x342: {  	v3 =	vadd.f32 v57, v33;
	[tilespmem:v5+s24+$0x0] =	vst.idx.msk $0xffff, v61  }
0x343: {  	s0 =	sshll.u32 s0, $0xF;
	[tilespmem:v13+s24+$0x0] =	vst.idx.msk $0xffff, v2;
	v2 =	vadd.f32 v60, v33  }
0x344: {  	s0 =	sadd.s32 s2, s0;
	[tilespmem:v0+s24+$0x0] =	vst.idx.msk $0xffff, v3  }
0x345: {  	s13 =	simm.s32 $0x12800;
	s5 =	sadd.s32 s7, s0;
	[tilespmem:v9+s24+$0x0] =	vst.idx.msk $0xffff, v2  }
0x346: {  	[hbm4b:s5+s3] =	stream.linear.scatter [tilespmem:s13], [sflag:$0x7], $0x80, $0x38;
	[tilespmem:$0x19E00] =	vst v63  }
0x347: {  	s14 =	simm.s32 $0x12888;
	s6 =	sadd.s32 $0x10, s5  }
0x348: {  	[hbm4b:s6+s3] =	stream.linear.scatter [tilespmem:s14], [sflag:$0x7], $0x80, $0x38;
	[tilespmem:$0x19E00] =	vst v63  }
0x349: {  	s29 =	simm.s32 $0x12910;
	s8 =	simm.s32 $0x12998;
	s30 =	sadd.s32 $0x20, s5  }
0x34a: {  	[hbm4b:s30+s3] =	stream.linear.scatter [tilespmem:s29], [sflag:$0x7], $0x80, $0x38;
	[tilespmem:$0x19E00] =	vst v63  }
0x34b: {  	s10 =	simm.s32 $0x12A20;
	s0 =	simm.s32 $0x440;
	s9 =	sadd.s32 $0x30, s5  }
0x34c: {  	[hbm4b:s9+s3] =	stream.linear.scatter [tilespmem:s8], [sflag:$0x7], $0x80, $0x38;
	[tilespmem:$0x19E00] =	vst v63  }
0x34d: {  	s12 =	sadd.s32 $0x40, s5;
	s13 =	simm.s32 $0x12AA8;
	s14 =	sadd.s32 $0x50, s5  }
0x34e: {  	[hbm4b:s12+s3] =	stream.linear.scatter [tilespmem:s10], [sflag:$0x7], $0x80, $0x38;
	[tilespmem:$0x19E00] =	vst v63  }
0x34f: {  	s6 =	simm.s32 $0x2200;
	s29 =	simm.s32 $0x12B30;
	s30 =	sadd.s32 $0x60, s5  }
0x350: {  	[hbm4b:s14+s3] =	stream.linear.scatter [tilespmem:s13], [sflag:$0x7], $0x80, $0x38;
	[tilespmem:$0x19E00] =	vst v63  }
0x351: {  	s8 =	simm.s32 $0x12BB8;
	s9 =	sadd.s32 $0x70, s5;
	s5 =	sadd.s32 $0x1000, s5  }
0x352: {  	[hbm4b:s30+s3] =	stream.linear.scatter [tilespmem:s29], [sflag:$0x7], $0x80, $0x38;
	[tilespmem:$0x19E00] =	vst v63  }
.LBB2_21:
0x353: {  	[hbm4b:s9+s3] =	stream.linear.scatter [tilespmem:s8], [sflag:$0x7], $0x80, $0x38;
	[tilespmem:$0x19E00] =	vst v63  }
0x354: {  	s8 =	smov.u32 s0;
	s0 =	smov.u32 s6  }
0x355: {  	s10 =	sadd.s32 $0x1100, s6;
	s0 =	sshra.s32 s0, $0x2;
	s9 =	sadd.s32 $0x12800, s8  }
0x356: {  	[hbm4b:s5+s3] =	stream.linear.scatter [tilespmem:s9], [sflag:$0x7], $0x80, $0x38;
	[tilespmem:$0x19E00] =	vst v63  }
0x357: {  	p2 =	sne.s32 s6, $0x7700;
	s6 =	sadd.s32 $0x12888, s8;
	s9 =	sadd.s32 $0x10, s5  }
0x358: {  	[hbm4b:s9+s3] =	stream.linear.scatter [tilespmem:s6], [sflag:$0x7], $0x80, $0x38;
	[tilespmem:$0x19E00] =	vst v63  }
0x359: {  	s6 =	sadd.s32 $0x12910, s8;
	s9 =	sadd.s32 $0x20, s5  }
0x35a: {  	[hbm4b:s9+s3] =	stream.linear.scatter [tilespmem:s6], [sflag:$0x7], $0x80, $0x38;
	[tilespmem:$0x19E00] =	vst v63  }
0x35b: {  	s6 =	sadd.s32 $0x12998, s8;
	s9 =	sadd.s32 $0x30, s5  }
0x35c: {  	[hbm4b:s9+s3] =	stream.linear.scatter [tilespmem:s6], [sflag:$0x7], $0x80, $0x38;
	[tilespmem:$0x19E00] =	vst v63  }
0x35d: {  	s6 =	sadd.s32 $0x12A20, s8;
	s9 =	sadd.s32 $0x40, s5  }
0x35e: {  	[hbm4b:s9+s3] =	stream.linear.scatter [tilespmem:s6], [sflag:$0x7], $0x80, $0x38;
	[tilespmem:$0x19E00] =	vst v63  }
.Ltmp11:
0x35f: {  	s6 =	sadd.s32 $0x12AA8, s8;
	s9 =	sadd.s32 $0x50, s5;
	(pc) =	sbr.rel @p2 .LBB2_21-.Ltmp11, $4  }
0x360: {  	[hbm4b:s9+s3] =	stream.linear.scatter [tilespmem:s6], [sflag:$0x7], $0x80, $0x38;
	[tilespmem:$0x19E00] =	vst v63  }
0x361: {  	s6 =	sadd.s32 $0x12B30, s8;
	s9 =	sadd.s32 $0x60, s5;
	s8 =	sadd.s32 $0x12BB8, s8  }
0x362: {  	[hbm4b:s9+s3] =	stream.linear.scatter [tilespmem:s6], [sflag:$0x7], $0x80, $0x38;
	[tilespmem:$0x19E00] =	vst v63  }
0x363: {  	s9 =	sadd.s32 $0x70, s5;
	s5 =	sadd.s32 $0x1000, s5;
	s6 =	smov.u32 s10  }
0x364: {  	[hbm4b:s9+s3] =	stream.linear.scatter [tilespmem:s8], [sflag:$0x7], $0x80, $0x38;
	[tilespmem:$0x19E00] =	vst v63  }
0x365: {  	s6 =	sadd.s32 $0x12800, s0  }
0x366: {  	[hbm4b:s5+s3] =	stream.linear.scatter [tilespmem:s6], [sflag:$0x7], $0x80, $0x38;
	[tilespmem:$0x19E00] =	vst v63  }
0x367: {  	s10 =	sadd.s32 $0x12888, s0;
	s12 =	sadd.s32 $0x10, s5  }
0x368: {  	[hbm4b:s12+s3] =	stream.linear.scatter [tilespmem:s10], [sflag:$0x7], $0x80, $0x38;
	[tilespmem:$0x19E00] =	vst v63  }
0x369: {  	s13 =	sadd.s32 $0x12910, s0;
	s14 =	sadd.s32 $0x20, s5  }
0x36a: {  	[hbm4b:s14+s3] =	stream.linear.scatter [tilespmem:s13], [sflag:$0x7], $0x80, $0x38;
	[tilespmem:$0x19E00] =	vst v63  }
0x36b: {  	s29 =	sadd.s32 $0x12998, s0;
	s30 =	sadd.s32 $0x30, s5  }
0x36c: {  	[hbm4b:s30+s3] =	stream.linear.scatter [tilespmem:s29], [sflag:$0x7], $0x80, $0x38;
	[tilespmem:$0x19E00] =	vst v63  }
0x36d: {  	s8 =	sadd.s32 $0x12A20, s0;
	s9 =	sadd.s32 $0x40, s5  }
0x36e: {  	[hbm4b:s9+s3] =	stream.linear.scatter [tilespmem:s8], [sflag:$0x7], $0x80, $0x38;
	[tilespmem:$0x19E00] =	vst v63  }
0x36f: {  	v56 =	vld [tilespmem:$0x1FE50];
	s10 =	sadd.s32 $0x12AA8, s0;
	s12 =	sadd.s32 $0x50, s5  }
0x370: {  	v26 =	vld [tilespmem:$0x1FEA0];
	[hbm4b:s12+s3] =	stream.linear.scatter [tilespmem:s10], [sflag:$0x7], $0x80, $0x38  }
.Ltmp12:
0x371: {  	v31 =	vld [tilespmem:$0x1FEB0];
	(pc) =	sbr.rel @p1 .LBB2_24-.Ltmp12, $4  }
0x372: {  	v23 =	vld [tilespmem:$0x1FEC0];
	s13 =	sadd.s32 $0x12B30, s0;
	s14 =	sadd.s32 $0x60, s5  }
0x373: {  	v11 =	vld [tilespmem:$0x1FEE0];
	[hbm4b:s14+s3] =	stream.linear.scatter [tilespmem:s13], [sflag:$0x7], $0x80, $0x38  }
0x374: {  	v29 =	vld [tilespmem:$0x1FEF0];
	s29 =	sadd.s32 $0x12BB8, s0;
	s30 =	sadd.s32 $0x70, s5  }
0x375: {  	v28 =	vld [tilespmem:$0x1FE00];
	[hbm4b:s30+s3] =	stream.linear.scatter [tilespmem:s29], [sflag:$0x7], $0x80, $0x38  }
.Ltmp13:
0x376: {  	(pc) =	sbr.rel .LBB2_25-.Ltmp13, $4  }
0x377: {  	_ = 	snop  }
0x378: {  	_ =	swait.ge [sflag:s25], $0x2000  }
0x379: {  	[sflag:s25] =	ssyncset.done $0x0  }
0x37a: {  	[sflag:s25] =	ssyncadd.s32 $0xFFFFE000  }
.LBB2_24:
0x37b: {  	s0 =	sshll.u32 s31, $0x9  }
0x37c: {  	s0 =	sand.u32 $0x3FFFFE00, s0  }
.Ltmp14:
0x37d: {  	s0 =	sadd.s32 $0x300, s0;
	(pc) =	sbr.rel @p0 .LBB2_26-.Ltmp14, $4  }
0x37e: {  	[tilespmem:s15], [sflag:$0x3] =	stream.indirect.gather [hbm4b:s4+s11], $0x40, s0, s11, $0xb8;
	[tilespmem:$0x19E00] =	vst v63  }
0x37f: {  	_ =	swait.ge [sflag:s25], $0x2000  }
0x380: {  	[sflag:s25] =	ssyncset.done $0x0  }
0x381: {  	[sflag:s25] =	ssyncadd.s32 $0xFFFFE000  }
.LBB2_25:
0x382: {  	_ =	swait.ge [sflag:s26], $0x2000  }
0x383: {  	[sflag:s26] =	ssyncset.done $0x0  }
0x384: {  	[sflag:s26] =	ssyncadd.s32 $0xFFFFE000  }
.LBB2_26:
0x385: {  	s0 =	sshll.u32 s1, $0x6;
	v48 =	vld [tilespmem:$0x1FF40]  }
0x386: {  	s29 =	simm.s32 $0x1;
	v62 =	vld [tilespmem:$0x1FE10];
	s0 =	sand.u32 $0x3FFFFFC0, s0  }
0x387: {  	s14 =	simm.s32 $0x4;
	v5 =	vmov s29;
	v36 =	vld [tilespmem:s0+$0x16C00]  }
0x388: {  	s5 =	simm.s32 $0x0;
	v3 =	vmov s14;
	v35 =	vld [tilespmem:s0+$0x16C10];
	v5 =	vshrl.u32 v5, $0x3  }
0x389: {  	s9 =	simm.s32 $0x2;
	v0 =	vmov s5;
	v34 =	vld [tilespmem:s0+$0x16C20];
	v3 =	vshrl.u32 v3, $0x3;
	v5 =	vshll.u32 v5, v1  }
0x38a: {  	s30 =	simm.s32 $0x3;
	v6 =	vmov s9;
	s5 =	simm.s32 $0xC500;
	v33 =	vld [tilespmem:s0+$0x16C30];
	v3 =	vshll.u32 v3, v1;
	v5 =	vbroadcast v5, $0x0  }
0x38b: {  	v6 =	vshrl.u32 v6, $0x3;
	v7 =	vld [tilespmem:s5+$0x0];
	v44 =	vbroadcast v3, $0x0;
	v3 =	vmov s30  }
0x38c: {  	v8 =	vld [tilespmem:s5+$0xFFFFFF40];
	v6 =	vshll.u32 v6, v1;
	v3 =	vshrl.u32 v3, $0x3;
	v12 =	vadd.s32 v11, v5  }
0x38d: {  	v9 =	vld [tilespmem:s5+$0xFFFFFF80];
	v37 =	vbroadcast v6, $0x0;
	v6 =	vadd.s32 v48, v44;
	v3 =	vshll.u32 v3, v1;
	[tilespmem:$0x1FC90] =	vst v12  }
0x38e: {  	s6 =	simm.s32 $0x7;
	v53 =	vmov v11;
	v10 =	vadd.s32 v26, v5;
	v50 =	vbroadcast v3, $0x0;
	v11 =	vld [tilespmem:s5+$0xFFFFFFC0]  }
0x38f: {  	v2 =	vmov s6;
	v12 =	vadd.s32 v29, v37;
	v3 =	vld [tilespmem:s5+$0xFFFFFF00]  }
0x390: {  	s6 =	simm.s32 $0x6;
	v0 =	vshrl.u32 v0, $0x3;
	v7 =	vadd.f32 v7, v36;
	v13 =	vld [tilespmem:s5+$0xC0];
	v15 =	vadd.s32 v62, v50  }
0x391: {  	v14 =	vmov s6;
	v17 =	vshll.u32 v0, v1;
	v0 =	vadd.f32 v8, v36;
	v16 =	vld [tilespmem:s5+$0x80]  }
0x392: {  	v8 =	vshrl.u32 v14, $0x3;
	v9 =	vadd.f32 v9, v36;
	v14 =	vld [tilespmem:s5+$0x40];
	[tilespmem:v6+s28+$0x0] =	vst.idx.msk $0xffff, v7  }
0x393: {  	v2 =	vshrl.u32 v2, $0x3;
	[tilespmem:v10+s28+$0x0] =	vst.idx.msk $0xffff, v0;
	v6 =	vld [tilespmem:s5+$0x10];
	v0 =	vadd.f32 v11, v36  }
0x394: {  	v2 =	vshll.u32 v2, v1;
	[tilespmem:v12+s28+$0x0] =	vst.idx.msk $0xffff, v9;
	v7 =	vld [tilespmem:s5+$0xFFFFFF50]  }
0x395: {  	s8 =	simm.s32 $0x5;
	v54 =	vbroadcast v2, $0x0;
	v2 =	vld [tilespmem:s5+$0xFFFFFF90];
	[tilespmem:v15+s28+$0x0] =	vst.idx.msk $0xffff, v0  }
0x396: {  	v4 =	vmov s8;
	v60 =	vld [tilespmem:$0x1FF70]  }
0x397: {  	v4 =	vshrl.u32 v4, $0x3;
	v59 =	vld [tilespmem:$0x1FF90]  }
0x398: {  	v4 =	vshll.u32 v4, v1;
	v61 =	vld [tilespmem:$0x1FF50]  }
0x399: {  	v4 =	vbroadcast v4, $0x0;
	v32 =	vld [tilespmem:$0x1FFC0]  }
0x39a: {  	v30 =	vld [tilespmem:$0x1FED0]  }
0x39b: {  	v58 =	vmovc v29;
	v57 =	vbroadcast v17, $0x0;
	v17 =	vadd.s32 v28, v37;
	v29 =	vmovc v28;
	v28 =	vld [tilespmem:$0x1FF80];
	v0 =	vadd.s32 v60, v4  }
0x39c: {  	[tilespmem:$0x1FC70] =	vst v0;
	v0 =	vld [tilespmem:$0x1FF30]  }
0x39d: {  	v63 =	vld [tilespmem:$0x1FF20]  }
0x39e: {  	v8 =	vshll.u32 v8, v1;
	v27 =	vld [tilespmem:$0x1FFD0]  }
0x39f: {  	v25 =	vadd.s32 v23, v5;
	v52 =	vbroadcast v8, $0x0;
	v23 =	vld [tilespmem:$0x1FFE0];
	v22 =	vadd.s32 v30, v57  }
0x3a0: {  	v9 =	vadd.s32 v31, v5;
	v8 =	vadd.f32 v13, v36;
	v5 =	vadd.s32 v28, v4;
	v13 =	vld [tilespmem:s5+$0xFFFFFFD0];
	[tilespmem:$0x1FC80] =	vst v22  }
0x3a1: {  	v51 =	vld [tilespmem:$0x1FF00];
	v2 =	vadd.f32 v2, v35;
	[tilespmem:$0x1FCC0] =	vst v5;
	v12 =	vadd.s32 v0, v50  }
0x3a2: {  	v19 =	vadd.f32 v6, v35;
	v6 =	vld [tilespmem:$0x1FFA0];
	[tilespmem:$0x1FCA0] =	vst v12  }
0x3a3: {  	v22 =	vld [tilespmem:$0x1FF60];
	[tilespmem:v17+s28+$0x0] =	vst.idx.msk $0xffff, v2  }
0x3a4: {  	v2 =	vld [tilespmem:$0x1FFB0];
	_ =	sdelay $0x1  }
0x3a5: {  	v10 =	vadd.s32 v59, v52;
	_ =	sdelay $0x2  }
0x3a6: {  	s10 =	simm.s32 $0x9;
	s9 =	simm.s32 $0xF;
	s0 =	simm.s32 $0xC700;
	v16 =	vadd.f32 v16, v36;
	v2 =	vadd.s32 v2, v52  }
0x3a7: {  	v39 =	vmov s10;
	v40 =	vmov s9;
	v24 =	vadd.s32 v22, v4;
	v42 =	vld [tilespmem:s0+$0xFFFFFF40];
	[tilespmem:$0x1FCB0] =	vst v2  }
0x3a8: {  	v39 =	vshrl.u32 v39, $0x3;
	v18 =	vadd.s32 v56, v57;
	v11 =	vadd.s32 v61, v44;
	v2 =	vld [tilespmem:$0x1FE70];
	[tilespmem:v10+s28+$0x0] =	vst.idx.msk $0xffff, v16  }
0x3a9: {  	v3 =	vadd.f32 v3, v36;
	v7 =	vadd.f32 v7, v35;
	v15 =	vadd.s32 v32, v54;
	v46 =	vld [tilespmem:s5+$0x90]  }
0x3aa: {  	s13 =	simm.s32 $0xA;
	v14 =	vadd.f32 v14, v36;
	v21 =	vadd.s32 v63, v50;
	v41 =	vadd.s32 v51, v37  }
0x3ab: {  	s12 =	simm.s32 $0xC;
	v20 =	vadd.s32 v6, v52;
	v13 =	vadd.f32 v13, v35;
	v38 =	vld [tilespmem:s5+$0xFFFFFFA0];
	v16 =	vmov s13;
	[tilespmem:v9+s28+$0x0] =	vst.idx.msk $0xffff, v7  }
0x3ac: {  	v10 =	vmov s12;
	[tilespmem:v24+s28+$0x0] =	vst.idx.msk $0xffff, v14;
	v9 =	vshrl.u32 v16, $0x3;
	v16 =	vshll.u32 v39, v1;
	v14 =	vld [tilespmem:s5+$0xFFFFFF60]  }
0x3ad: {  	[tilespmem:v11+s28+$0x0] =	vst.idx.msk $0xffff, v19;
	v10 =	vshrl.u32 v10, $0x3;
	v9 =	vshll.u32 v9, v1;
	v24 =	vbroadcast v16, $0x0  }
0x3ae: {  	v45 =	vld [tilespmem:s0+$0xFFFFFF80];
	[tilespmem:v15+s28+$0x0] =	vst.idx.msk $0xffff, v8;
	v39 =	vbroadcast v9, $0x0;
	v9 =	vshll.u32 v10, v1;
	v15 =	vadd.f32 v46, v35  }
0x3af: {  	v47 =	vld [tilespmem:s0+$0x0];
	[tilespmem:v21+s28+$0x0] =	vst.idx.msk $0xffff, v13;
	v16 =	vshrl.u32 v40, $0x3;
	v19 =	vadd.s32 v26, v24;
	v40 =	vbroadcast v9, $0x0  }
0x3b0: {  	v10 =	vadd.f32 v38, v34;
	v21 =	vadd.s32 v58, v39;
	[tilespmem:v20+s28+$0x0] =	vst.idx.msk $0xffff, v15;
	v20 =	vld [tilespmem:s5+$0xD0]  }
0x3b1: {  	[tilespmem:v18+s28+$0x0] =	vst.idx.msk $0xffff, v3;
	v8 =	vadd.s32 v48, v40;
	v14 =	vadd.f32 v14, v34  }
0x3b2: {  	v12 =	vadd.s32 v27, v54;
	v46 =	vadd.f32 v42, v36;
	[tilespmem:v41+s28+$0x0] =	vst.idx.msk $0xffff, v10  }
0x3b3: {  	v3 =	vadd.f32 v45, v36;
	[tilespmem:v25+s28+$0x0] =	vst.idx.msk $0xffff, v14  }
0x3b4: {  	s8 =	simm.s32 $0x8;
	v25 =	vadd.f32 v47, v36;
	[tilespmem:v19+s28+$0x0] =	vst.idx.msk $0xffff, v46  }
0x3b5: {  	v43 =	vmov s8;
	[tilespmem:v21+s28+$0x0] =	vst.idx.msk $0xffff, v3;
	v3 =	vadd.f32 v20, v35  }
0x3b6: {  	v13 =	vshrl.u32 v43, $0x3;
	v43 =	vld [tilespmem:s0+$0xC0];
	[tilespmem:v8+s28+$0x0] =	vst.idx.msk $0xffff, v25  }
0x3b7: {  	v11 =	vld [tilespmem:s5+$0x50];
	[tilespmem:v12+s28+$0x0] =	vst.idx.msk $0xffff, v3  }
0x3b8: {  	v12 =	vld [tilespmem:$0x1FC70]  }
0x3b9: {  	v9 =	vld [tilespmem:s0+$0xFFFFFF00]  }
0x3ba: {  	v14 =	vld [tilespmem:s5+$0x20]  }
0x3bb: {  	s29 =	simm.s32 $0xB;
	s30 =	simm.s32 $0xE  }
0x3bc: {  	v17 =	vadd.s32 v49, v44;
	v26 =	vmovc v58;
	v58 =	vmov s29;
	v15 =	vmov s30  }
0x3bd: {  	v11 =	vadd.f32 v11, v35;
	v41 =	vshrl.u32 v58, $0x3;
	v15 =	vshrl.u32 v15, $0x3  }
0x3be: {  	v48 =	vadd.f32 v9, v36;
	v9 =	vshll.u32 v15, v1;
	v15 =	vshll.u32 v41, v1  }
0x3bf: {  	v49 =	vadd.f32 v43, v36;
	v43 =	vbroadcast v15, $0x0;
	v3 =	vadd.f32 v14, v34  }
0x3c0: {  	v38 =	vadd.s32 v53, v24;
	v53 =	vld [tilespmem:s0+$0xFFFFFFC0];
	[tilespmem:v12+s28+$0x0] =	vst.idx.msk $0xffff, v11  }
0x3c1: {  	v41 =	vbroadcast v9, $0x0;
	v9 =	vadd.s32 v62, v43;
	v62 =	vld [tilespmem:$0x1FE20];
	[tilespmem:v17+s28+$0x0] =	vst.idx.msk $0xffff, v3  }
0x3c2: {  	v3 =	vld [tilespmem:$0x1FC80]  }
0x3c3: {  	v18 =	vld [tilespmem:s5+$0xFFFFFF10];
	_ =	sdelay $0x3  }
0x3c4: {  	v14 =	vadd.f32 v53, v36  }
0x3c5: {  	v12 =	vadd.f32 v18, v35  }
0x3c6: {  	[tilespmem:v9+s28+$0x0] =	vst.idx.msk $0xffff, v14  }
0x3c7: {  	v13 =	vshll.u32 v13, v1;
	v11 =	vld [tilespmem:s5+$0xE0];
	[tilespmem:v3+s28+$0x0] =	vst.idx.msk $0xffff, v12  }
0x3c8: {  	v18 =	vadd.s32 v62, v44;
	v44 =	vbroadcast v13, $0x0;
	v13 =	vld [tilespmem:$0x1FC90]  }
0x3c9: {  	v8 =	vld [tilespmem:s5+$0xFFFFFF70]  }
0x3ca: {  	v5 =	vadd.s32 v23, v54  }
0x3cb: {  	s14 =	simm.s32 $0xD  }
0x3cc: {  	v7 =	vmov s14;
	v46 =	vadd.s32 v0, v43;
	v0 =	vld [tilespmem:$0x1FE30]  }
0x3cd: {  	v7 =	vshrl.u32 v7, $0x3;
	v11 =	vadd.f32 v11, v34  }
0x3ce: {  	v7 =	vshll.u32 v7, v1;
	v12 =	vadd.f32 v8, v33  }
0x3cf: {  	v42 =	vbroadcast v7, $0x0;
	[tilespmem:v5+s28+$0x0] =	vst.idx.msk $0xffff, v11  }
0x3d0: {  	[tilespmem:v13+s28+$0x0] =	vst.idx.msk $0xffff, v12  }
0x3d1: {  	v16 =	vshll.u32 v16, v1;
	v47 =	vadd.s32 v60, v42;
	v60 =	vadd.s32 v0, v4;
	v0 =	vld [tilespmem:$0x1FCA0]  }
0x3d2: {  	v45 =	vbroadcast v16, $0x0;
	v16 =	vld [tilespmem:s5+$0xFFFFFFE0];
	_ =	sdelay $0x4  }
0x3d3: {  	v13 =	vadd.f32 v16, v34;
	_ =	sdelay $0x1  }
0x3d4: {  	[tilespmem:v0+s28+$0x0] =	vst.idx.msk $0xffff, v13  }
0x3d5: {  	v5 =	vld [tilespmem:$0x1FCB0]  }
0x3d6: {  	v7 =	vld [tilespmem:s5+$0xA0];
	_ =	sdelay $0x4  }
0x3d7: {  	v7 =	vadd.f32 v7, v34;
	_ =	sdelay $0x1  }
0x3d8: {  	v0 =	vld [tilespmem:$0x1FE90];
	[tilespmem:v5+s28+$0x0] =	vst.idx.msk $0xffff, v7  }
0x3d9: {  	v5 =	vld [tilespmem:$0x1FE60];
	_ =	sdelay $0x4  }
0x3da: {  	v11 =	vadd.s32 v5, v54;
	v5 =	vld [tilespmem:$0x1FCC0]  }
0x3db: {  	v9 =	vld [tilespmem:s5+$0x60]  }
0x3dc: {  	v10 =	vld [tilespmem:s0+$0x40];
	_ =	sdelay $0x1  }
0x3dd: {  	v55 =	vld [tilespmem:s0+$0x80]  }
0x3de: {  	v17 =	vld [tilespmem:s0+$0xFFFFFF50]  }
0x3df: {  	v15 =	vld [tilespmem:s0+$0x10];
	v16 =	vadd.f32 v9, v34  }
0x3e0: {  	v62 =	vadd.f32 v10, v36;
	v10 =	vld [tilespmem:s5+$0x30]  }
0x3e1: {  	v58 =	vld [tilespmem:s5+$0xFFFFFFB0];
	[tilespmem:v5+s28+$0x0] =	vst.idx.msk $0xffff, v16  }
0x3e2: {  	v5 =	vld [tilespmem:$0x1FE40]  }
0x3e3: {  	v19 =	vadd.s32 v61, v40;
	v20 =	vadd.f32 v17, v35;
	v17 =	vld [tilespmem:s5+$0xFFFFFF20]  }
0x3e4: {  	v25 =	vadd.s32 v31, v24;
	v4 =	vadd.f32 v15, v35;
	v15 =	vld [tilespmem:s0+$0xFFFFFFD0]  }
0x3e5: {  	v2 =	vadd.s32 v2, v57;
	v13 =	vadd.f32 v10, v33;
	v7 =	vld [tilespmem:s5+$0xF0]  }
0x3e6: {  	v21 =	vld [tilespmem:$0x1FEC0]  }
0x3e7: {  	v10 =	vadd.s32 v5, v52;
	v5 =	vld [tilespmem:$0x1FE80];
	[tilespmem:v18+s28+$0x0] =	vst.idx.msk $0xffff, v13  }
0x3e8: {  	v12 =	vld [tilespmem:s0+$0xFFFFFF90];
	v13 =	vadd.f32 v17, v34;
	[tilespmem:v19+s28+$0x0] =	vst.idx.msk $0xffff, v4  }
0x3e9: {  	v59 =	vadd.s32 v59, v41;
	v61 =	vadd.f32 v58, v33;
	[tilespmem:v25+s28+$0x0] =	vst.idx.msk $0xffff, v20  }
0x3ea: {  	v58 =	vadd.s32 v6, v41;
	v53 =	vadd.s32 v32, v45;
	[tilespmem:v2+s28+$0x0] =	vst.idx.msk $0xffff, v13  }
0x3eb: {  	v3 =	vadd.s32 v29, v39;
	v8 =	vadd.f32 v55, v36;
	v17 =	vadd.f32 v7, v33;
	v7 =	vld [tilespmem:$0x1FFB0]  }
0x3ec: {  	v55 =	vadd.s32 v56, v44;
	v56 =	vadd.s32 v27, v45;
	v6 =	vadd.f32 v15, v35;
	v15 =	vld [tilespmem:s5+$0xFFFFFFF0]  }
0x3ed: {  	v32 =	vmovc v23;
	v14 =	vadd.f32 v12, v35;
	v9 =	vadd.s32 v0, v50;
	v0 =	vadd.s32 v63, v43;
	v12 =	vld [tilespmem:s5+$0xB0]  }
0x3ee: {  	v27 =	vmovc v26;
	v50 =	vadd.s32 v28, v42;
	v54 =	vadd.s32 v30, v44;
	v30 =	vmovc v29;
	v29 =	vmov v28;
	v2 =	vld [tilespmem:s5+$0x70]  }
0x3ef: {  	v16 =	vadd.s32 v22, v42;
	v31 =	vmovc v21;
	v63 =	vadd.s32 v21, v24;
	v52 =	vadd.s32 v23, v45;
	v13 =	vld [tilespmem:s5+$0xFFFFFF30]  }
0x3f0: {  	s6 =	simm.s32 $0x10;
	s8 =	simm.s32 $0xC900;
	v4 =	vadd.s32 v51, v39;
	v26 =	vld [tilespmem:$0x1FF10];
	v5 =	vadd.s32 v5, v57;
	v28 =	vmovc v7;
	v51 =	vadd.s32 v7, v41  }
.LBB2_27:
0x3f1: {  	_ =	sdelay $0x3  }
0x3f2: {  	[tilespmem:v16+s28+$0x0] =	vst.idx.msk $0xffff, v62  }
0x3f3: {  	v18 =	vld [tilespmem:s8+$0xFFFFFF40];
	[tilespmem:v59+s28+$0x0] =	vst.idx.msk $0xffff, v8  }
0x3f4: {  	s10 =	smov.u32 s6;
	v62 =	vld [tilespmem:s8+$0x0];
	[tilespmem:v3+s28+$0x0] =	vst.idx.msk $0xffff, v14;
	v3 =	vadd.f32 v15, v33  }
0x3f5: {  	s14 =	sadd.s32 $0x2, s10;
	[tilespmem:v11+s28+$0x0] =	vst.idx.msk $0xffff, v17;
	v8 =	vld [tilespmem:s8+$0x80]  }
0x3f6: {  	s12 =	sadd.s32 $0x4, s10;
	v17 =	vmov s14;
	v24 =	vld [tilespmem:s8+$0xC0];
	v12 =	vadd.f32 v12, v33;
	[tilespmem:v9+s28+$0x0] =	vst.idx.msk $0xffff, v3  }
0x3f7: {  	v14 =	vmov s12;
	v16 =	vshrl.u32 v17, $0x3;
	v3 =	vadd.f32 v2, v33;
	[tilespmem:v0+s28+$0x0] =	vst.idx.msk $0xffff, v6;
	v0 =	vld [tilespmem:$0x1FF40]  }
0x3f8: {  	v9 =	vshll.u32 v16, v1;
	v16 =	vld [tilespmem:s0+$0x90];
	[tilespmem:v10+s28+$0x0] =	vst.idx.msk $0xffff, v12;
	v10 =	vshrl.u32 v14, $0x3  }
0x3f9: {  	v17 =	vld [tilespmem:s0+$0x50];
	[tilespmem:v60+s28+$0x0] =	vst.idx.msk $0xffff, v3;
	v3 =	vshll.u32 v10, v1  }
0x3fa: {  	v21 =	vld [tilespmem:s0+$0xFFFFFFA0];
	v3 =	vbroadcast v3, $0x0  }
0x3fb: {  	v7 =	vld [tilespmem:$0x1FE70]  }
0x3fc: {  	s9 =	sadd.s32 $0x7, s6;
	v22 =	vadd.s32 v26, v37;
	s30 =	sadd.s32 $0x1, s10;
	v23 =	vld [tilespmem:s8+$0xFFFFFF80];
	v0 =	vadd.s32 v0, v3  }
0x3fd: {  	s13 =	sadd.s32 $0x5, s10;
	v20 =	vmov s9;
	v11 =	vmov s30;
	v13 =	vadd.f32 v13, v33;
	v14 =	vld [tilespmem:$0x1FEA0]  }
0x3fe: {  	[tilespmem:v53+s28+$0x0] =	vst.idx.msk $0xffff, v49;
	v11 =	vshrl.u32 v11, $0x3;
	v15 =	vmov s13;
	v49 =	vadd.f32 v24, v36;
	v24 =	vld [tilespmem:$0x1FF70]  }
0x3ff: {  	v15 =	vshrl.u32 v15, $0x3;
	v12 =	vld [tilespmem:s0+$0xFFFFFF60];
	[tilespmem:v5+s28+$0x0] =	vst.idx.msk $0xffff, v13;
	v10 =	vadd.f32 v21, v34;
	v21 =	vadd.f32 v62, v36  }
0x400: {  	v2 =	vshll.u32 v11, v1;
	v11 =	vshrl.u32 v20, $0x3;
	v15 =	vshll.u32 v15, v1;
	v5 =	vld [tilespmem:s8+$0xFFFFFF00]  }
0x401: {  	v2 =	vbroadcast v2, $0x0;
	v6 =	vshll.u32 v11, v1;
	v11 =	vld [tilespmem:s0+$0x20];
	[tilespmem:v0+s28+$0x0] =	vst.idx.msk $0xffff, v21;
	v0 =	vbroadcast v15, $0x0  }
0x402: {  	v37 =	vmov v39;
	[tilespmem:v22+s28+$0x0] =	vst.idx.msk $0xffff, v61;
	v17 =	vadd.f32 v17, v35;
	v60 =	vld [tilespmem:$0x1FEB0]  }
0x403: {  	v39 =	vbroadcast v9, $0x0;
	[tilespmem:v55+s28+$0x0] =	vst.idx.msk $0xffff, v48;
	v9 =	vld [tilespmem:s8+$0x40];
	v14 =	vadd.s32 v14, v2;
	v24 =	vadd.s32 v24, v0  }
0x404: {  	[tilespmem:v47+s28+$0x0] =	vst.idx.msk $0xffff, v17;
	v12 =	vadd.f32 v12, v34;
	v47 =	vmov v24;
	v24 =	vld [tilespmem:$0x1FE30]  }
0x405: {  	v62 =	vld [tilespmem:$0x1FF50];
	[tilespmem:v4+s28+$0x0] =	vst.idx.msk $0xffff, v10  }
0x406: {  	v19 =	vmov s10;
	v55 =	vld [tilespmem:s0+$0xFFFFFF10];
	v4 =	vadd.f32 v18, v36;
	[tilespmem:v63+s28+$0x0] =	vst.idx.msk $0xffff, v12  }
0x407: {  	v13 =	vshrl.u32 v19, $0x3;
	v19 =	vadd.s32 v27, v39;
	v25 =	vld [tilespmem:s0+$0xFFFFFF70]  }
0x408: {  	[tilespmem:v14+s28+$0x0] =	vst.idx.msk $0xffff, v4;
	v14 =	vld [tilespmem:$0x1FE20]  }
0x409: {  	s5 =	sadd.s32 $0x6, s10;
	s10 =	sadd.s32 $0x3, s10;
	v16 =	vadd.f32 v16, v35;
	v21 =	vadd.s32 v60, v2;
	v60 =	vadd.s32 v24, v42;
	v42 =	vmovc v0;
	v0 =	vld [tilespmem:$0x1FE50]  }
0x40a: {  	v59 =	vmov s10;
	v57 =	vadd.s32 v7, v44;
	v7 =	vld [tilespmem:$0x1FFF0];
	v23 =	vadd.f32 v23, v36  }
0x40b: {  	v22 =	vshrl.u32 v59, $0x3;
	v13 =	vshll.u32 v13, v1;
	v5 =	vadd.f32 v5, v36;
	[tilespmem:v58+s28+$0x0] =	vst.idx.msk $0xffff, v16  }
0x40c: {  	v22 =	vshll.u32 v22, v1;
	v13 =	vbroadcast v13, $0x0;
	v12 =	vld [tilespmem:s0+$0xFFFFFFB0];
	[tilespmem:v19+s28+$0x0] =	vst.idx.msk $0xffff, v23;
	v23 =	vadd.s32 v62, v3  }
0x40d: {  	v16 =	vld [tilespmem:s0+$0xD0];
	v48 =	vmovc v5;
	v5 =	vbroadcast v22, $0x0;
	v62 =	vadd.f32 v9, v36;
	v9 =	vadd.f32 v55, v35  }
0x40e: {  	v22 =	vadd.s32 v14, v40;
	v14 =	vld [tilespmem:s8+$0xFFFFFF50];
	v55 =	vadd.s32 v0, v13;
	v0 =	vadd.f32 v25, v33  }
0x40f: {  	v7 =	vadd.s32 v7, v40;
	v40 =	vmov v3;
	v3 =	vld [tilespmem:$0x1FE10]  }
0x410: {  	v18 =	vmov s5;
	[tilespmem:v38+s28+$0x0] =	vst.idx.msk $0xffff, v0;
	v0 =	vld [tilespmem:$0x1FFA0]  }
0x411: {  	v18 =	vshrl.u32 v18, $0x3  }
0x412: {  	v61 =	vld [tilespmem:$0x1FF90];
	v18 =	vshll.u32 v18, v1;
	v16 =	vadd.f32 v16, v35  }
0x413: {  	v10 =	vld [tilespmem:s8+$0xFFFFFFC0];
	v18 =	vbroadcast v18, $0x0  }
0x414: {  	[tilespmem:v56+s28+$0x0] =	vst.idx.msk $0xffff, v16;
	v16 =	vadd.s32 v3, v5;
	v3 =	vld [tilespmem:$0x1FF30]  }
0x415: {  	v11 =	vadd.f32 v11, v34;
	v58 =	vadd.s32 v0, v18;
	v0 =	vld [tilespmem:$0x1FE90]  }
0x416: {  	v15 =	vld [tilespmem:s0+$0xA0]  }
0x417: {  	v19 =	vld [tilespmem:s8+$0x10];
	[tilespmem:v7+s28+$0x0] =	vst.idx.msk $0xffff, v11  }
0x418: {  	v11 =	vld [tilespmem:s0+$0x30]  }
0x419: {  	v17 =	vld [tilespmem:s0+$0xE0]  }
0x41a: {  	[tilespmem:v54+s28+$0x0] =	vst.idx.msk $0xffff, v9;
	v56 =	vadd.s32 v3, v5;
	v9 =	vadd.s32 v0, v43;
	v43 =	vmov v5;
	v5 =	vld [tilespmem:$0x1FE60];
	_ =	sdelay $0x2  }
0x41b: {  	v4 =	vadd.f32 v10, v36;
	v10 =	vld [tilespmem:s0+$0xFFFFFFE0]  }
0x41c: {  	v59 =	vadd.s32 v61, v18;
	v61 =	vadd.f32 v12, v33;
	v12 =	vadd.f32 v15, v34  }
0x41d: {  	v15 =	vadd.f32 v17, v34;
	v17 =	vadd.f32 v11, v33;
	v11 =	vadd.s32 v5, v45;
	v5 =	vld [tilespmem:$0x1FFD0];
	_ =	sdelay $0x1  }
0x41e: {  	v6 =	vbroadcast v6, $0x0  }
0x41f: {  	v7 =	vld [tilespmem:s0+$0x60];
	v10 =	vadd.f32 v10, v34;
	[tilespmem:v16+s28+$0x0] =	vst.idx.msk $0xffff, v4  }
0x420: {  	v16 =	vld [tilespmem:s8+$0xFFFFFFD0];
	v45 =	vmov v6  }
0x421: {  	[tilespmem:v46+s28+$0x0] =	vst.idx.msk $0xffff, v10;
	v46 =	vmov v56;
	v56 =	vadd.s32 v5, v45;
	v5 =	vld [tilespmem:$0x1FE40];
	_ =	sdelay $0x1  }
0x422: {  	v20 =	vld [tilespmem:$0x1FEE0]  }
0x423: {  	v63 =	vld [tilespmem:$0x1FFC0]  }
0x424: {  	v7 =	vadd.f32 v7, v34;
	v24 =	vld [tilespmem:s8+$0xFFFFFF90]  }
0x425: {  	v10 =	vadd.s32 v5, v41;
	v5 =	vld [tilespmem:$0x1FE80]  }
0x426: {  	[tilespmem:v50+s28+$0x0] =	vst.idx.msk $0xffff, v7;
	v7 =	vld [tilespmem:$0x1FED0]  }
0x427: {  	v20 =	vadd.s32 v20, v2;
	[tilespmem:v52+s28+$0x0] =	vst.idx.msk $0xffff, v15;
	v4 =	vld [tilespmem:s0+$0xFFFFFF20]  }
0x428: {  	v38 =	vmov v20;
	v20 =	vld [tilespmem:s0+$0xF0]  }
0x429: {  	v8 =	vadd.f32 v8, v36;
	v53 =	vadd.s32 v63, v6;
	v19 =	vadd.f32 v19, v35;
	v0 =	vld [tilespmem:$0x1FF20]  }
0x42a: {  	[tilespmem:v51+s28+$0x0] =	vst.idx.msk $0xffff, v12;
	v41 =	vmov v18;
	v18 =	vld [tilespmem:$0x1FF00];
	v5 =	vadd.s32 v5, v44;
	v44 =	vmov v13  }
0x42b: {  	p0 =	slt.u32 s6, $0x78;
	[tilespmem:v22+s28+$0x0] =	vst.idx.msk $0xffff, v17;
	v25 =	vadd.f32 v14, v35;
	v54 =	vadd.s32 v7, v44;
	v7 =	vld [tilespmem:$0x1FF60]  }
.Ltmp15:
0x42c: {  	v63 =	vadd.s32 v31, v2;
	[tilespmem:v23+s28+$0x0] =	vst.idx.msk $0xffff, v19;
	v4 =	vadd.f32 v4, v34;
	(pc) =	sbr.rel @p0 .LBB2_27-.Ltmp15, $4  }
0x42d: {  	v12 =	vld [tilespmem:s0+$0xB0];
	v50 =	vadd.s32 v29, v42;
	v14 =	vadd.f32 v24, v35;
	[tilespmem:v21+s28+$0x0] =	vst.idx.msk $0xffff, v25  }
0x42e: {  	v2 =	vld [tilespmem:s0+$0x70];
	v3 =	vadd.s32 v30, v39;
	v17 =	vadd.f32 v20, v33;
	[tilespmem:v57+s28+$0x0] =	vst.idx.msk $0xffff, v4  }
0x42f: {  	v15 =	vld [tilespmem:s0+$0xFFFFFFF0];
	v0 =	vadd.s32 v0, v43;
	v6 =	vadd.f32 v16, v35;
	v52 =	vadd.s32 v32, v45  }
0x430: {  	s6 =	sadd.s32 $0x8, s6;
	v51 =	vadd.s32 v28, v41;
	v4 =	vadd.s32 v18, v39;
	v13 =	vld [tilespmem:s0+$0xFFFFFF30];
	s0 =	smov.u32 s8;
	s8 =	sadd.s32 $0x200, s8;
	v16 =	vadd.s32 v7, v42  }
0x431: {  	_ =	sdelay $0x3  }
0x432: {  	[tilespmem:v59+s28+$0x0] =	vst.idx.msk $0xffff, v8  }
0x433: {  	[tilespmem:v3+s28+$0x0] =	vst.idx.msk $0xffff, v14  }
0x434: {  	[tilespmem:v53+s28+$0x0] =	vst.idx.msk $0xffff, v49  }
0x435: {  	[tilespmem:v11+s28+$0x0] =	vst.idx.msk $0xffff, v17  }
0x436: {  	[tilespmem:v16+s28+$0x0] =	vst.idx.msk $0xffff, v62;
	v7 =	vld [tilespmem:s0+$0xD0]  }
0x437: {  	v22 =	vadd.s32 v26, v37;
	[tilespmem:v55+s28+$0x0] =	vst.idx.msk $0xffff, v48;
	v23 =	vadd.f32 v12, v33  }
0x438: {  	[tilespmem:v0+s28+$0x0] =	vst.idx.msk $0xffff, v6;
	v2 =	vadd.f32 v2, v33  }
0x439: {  	v3 =	vadd.f32 v15, v33;
	[tilespmem:v10+s28+$0x0] =	vst.idx.msk $0xffff, v23  }
0x43a: {  	[tilespmem:v60+s28+$0x0] =	vst.idx.msk $0xffff, v2  }
0x43b: {  	[tilespmem:v9+s28+$0x0] =	vst.idx.msk $0xffff, v3;
	v7 =	vadd.f32 v7, v35  }
0x43c: {  	v3 =	vld [tilespmem:s0+$0x90];
	[tilespmem:v22+s28+$0x0] =	vst.idx.msk $0xffff, v61  }
0x43d: {  	v24 =	vld [tilespmem:s0+$0x50];
	[tilespmem:v56+s28+$0x0] =	vst.idx.msk $0xffff, v7  }
0x43e: {  	v14 =	vld [tilespmem:$0x1FFF0]  }
0x43f: {  	v2 =	vld [tilespmem:s0+$0xFFFFFF10]  }
0x440: {  	v25 =	vld [tilespmem:s0+$0xFFFFFF60]  }
0x441: {  	v27 =	vld [tilespmem:s0+$0x20];
	v3 =	vadd.f32 v3, v35  }
0x442: {  	v0 =	vadd.f32 v24, v35;
	v28 =	vld [tilespmem:s0+$0xE0]  }
0x443: {  	v30 =	vadd.f32 v13, v33;
	[tilespmem:v58+s28+$0x0] =	vst.idx.msk $0xffff, v3;
	v3 =	vld [tilespmem:s0+$0xFFFFFFE0];
	v29 =	vadd.s32 v14, v40  }
0x444: {  	[tilespmem:v47+s28+$0x0] =	vst.idx.msk $0xffff, v0;
	v0 =	vadd.f32 v2, v35  }
0x445: {  	[tilespmem:v5+s28+$0x0] =	vst.idx.msk $0xffff, v30;
	v2 =	vadd.f32 v25, v34  }
0x446: {  	v8 =	vadd.f32 v27, v34;
	[tilespmem:v54+s28+$0x0] =	vst.idx.msk $0xffff, v0  }
0x447: {  	v32 =	vld [tilespmem:s0+$0x60];
	[tilespmem:v63+s28+$0x0] =	vst.idx.msk $0xffff, v2;
	v2 =	vadd.f32 v28, v34  }
0x448: {  	v31 =	vld [tilespmem:s0+$0xA0];
	v3 =	vadd.f32 v3, v34;
	[tilespmem:v29+s28+$0x0] =	vst.idx.msk $0xffff, v8  }
0x449: {  	v53 =	vld [tilespmem:$0x1FE70];
	[tilespmem:v52+s28+$0x0] =	vst.idx.msk $0xffff, v2  }
0x44a: {  	v35 =	vld [tilespmem:s0+$0xFFFFFFA0];
	[tilespmem:v46+s28+$0x0] =	vst.idx.msk $0xffff, v3  }
0x44b: {  	v49 =	vld [tilespmem:$0x1FE20]  }
0x44c: {  	v0 =	vld [tilespmem:s0+$0xFFFFFF20]  }
0x44d: {  	v36 =	vld [tilespmem:s0+$0xFFFFFF70];
	v47 =	vadd.f32 v31, v34  }
0x44e: {  	v8 =	vld [tilespmem:s0+$0x30];
	v2 =	vadd.f32 v32, v34;
	v37 =	vadd.s32 v53, v44  }
0x44f: {  	v48 =	vadd.f32 v35, v34;
	v3 =	vld [tilespmem:s0+$0xF0];
	[tilespmem:v51+s28+$0x0] =	vst.idx.msk $0xffff, v47  }
0x450: {  	v10 =	vld [tilespmem:$0x1FE60];
	[tilespmem:v50+s28+$0x0] =	vst.idx.msk $0xffff, v2;
	v9 =	vadd.s32 v49, v40  }
0x451: {  	v0 =	vadd.f32 v0, v34;
	v52 =	vld [tilespmem:s0+$0xFFFFFFF0];
	[tilespmem:v4+s28+$0x0] =	vst.idx.msk $0xffff, v48  }
0x452: {  	v54 =	vadd.f32 v36, v33;
	v55 =	vld [tilespmem:$0x1FE90]  }
0x453: {  	v59 =	vld [tilespmem:$0x1FE40];
	v8 =	vadd.f32 v8, v33;
	[tilespmem:v37+s28+$0x0] =	vst.idx.msk $0xffff, v0  }
0x454: {  	v0 =	vld [tilespmem:$0x1FE30];
	[tilespmem:v38+s28+$0x0] =	vst.idx.msk $0xffff, v54  }
0x455: {  	v58 =	vld [tilespmem:s0+$0xFFFFFFB0];
	[tilespmem:v9+s28+$0x0] =	vst.idx.msk $0xffff, v8  }
0x456: {  	v10 =	vadd.s32 v10, v45;
	v9 =	vld [tilespmem:$0x1FE80]  }
0x457: {  	v62 =	vadd.s32 v26, v39;
	v2 =	vld [tilespmem:s0+$0xB0]  }
0x458: {  	v57 =	vld [tilespmem:s0+$0x70];
	v56 =	vadd.s32 v55, v43  }
0x459: {  	v3 =	vadd.f32 v3, v33;
	v13 =	vadd.s32 v59, v41;
	v60 =	vld [tilespmem:s0+$0xFFFFFF30]  }
0x45a: {  	v63 =	vadd.f32 v58, v33;
	v0 =	vadd.s32 v0, v42  }
0x45b: {  	v61 =	vadd.f32 v52, v33;
	[tilespmem:v10+s28+$0x0] =	vst.idx.msk $0xffff, v3;
	v9 =	vadd.s32 v9, v44  }
0x45c: {  	v2 =	vadd.f32 v2, v33;
	[tilespmem:v62+s28+$0x0] =	vst.idx.msk $0xffff, v63  }
0x45d: {  	v3 =	vadd.f32 v57, v33;
	[tilespmem:v56+s28+$0x0] =	vst.idx.msk $0xffff, v61  }
0x45e: {  	s14 =	sshll.u32 s1, $0xF;
	[tilespmem:v13+s28+$0x0] =	vst.idx.msk $0xffff, v2;
	v2 =	vadd.f32 v60, v33  }
0x45f: {  	s0 =	sadd.s32 s2, s14;
	[tilespmem:v0+s28+$0x0] =	vst.idx.msk $0xffff, v3  }
0x460: {  	s29 =	simm.s32 $0x14A00;
	s1 =	sadd.s32 s7, s0;
	[tilespmem:v9+s28+$0x0] =	vst.idx.msk $0xffff, v2  }
0x461: {  	[hbm4b:s1+s3] =	stream.linear.scatter [tilespmem:s29], [sflag:$0x8], $0x80, $0x38;
	[tilespmem:$0x19E00] =	vst v63  }
0x462: {  	s30 =	simm.s32 $0x14A88;
	s5 =	sadd.s32 $0x10, s1  }
0x463: {  	[hbm4b:s5+s3] =	stream.linear.scatter [tilespmem:s30], [sflag:$0x8], $0x80, $0x38;
	[tilespmem:$0x19E00] =	vst v63  }
0x464: {  	s8 =	simm.s32 $0x14B98;
	s6 =	sadd.s32 $0x20, s1;
	s5 =	simm.s32 $0x14B10  }
0x465: {  	[hbm4b:s6+s3] =	stream.linear.scatter [tilespmem:s5], [sflag:$0x8], $0x80, $0x38;
	[tilespmem:$0x19E00] =	vst v63  }
0x466: {  	s10 =	simm.s32 $0x14C20;
	s13 =	simm.s32 $0x14CA8;
	s9 =	sadd.s32 $0x30, s1  }
0x467: {  	[hbm4b:s9+s3] =	stream.linear.scatter [tilespmem:s8], [sflag:$0x8], $0x80, $0x38;
	[tilespmem:$0x19E00] =	vst v63  }
0x468: {  	s0 =	simm.s32 $0x440;
	s12 =	sadd.s32 $0x40, s1;
	s14 =	sadd.s32 $0x50, s1  }
0x469: {  	[hbm4b:s12+s3] =	stream.linear.scatter [tilespmem:s10], [sflag:$0x8], $0x80, $0x38;
	[tilespmem:$0x19E00] =	vst v63  }
0x46a: {  	s29 =	simm.s32 $0x14D30;
	s30 =	sadd.s32 $0x60, s1;
	s5 =	simm.s32 $0x2200  }
0x46b: {  	[hbm4b:s14+s3] =	stream.linear.scatter [tilespmem:s13], [sflag:$0x8], $0x80, $0x38;
	[tilespmem:$0x19E00] =	vst v63  }
0x46c: {  	s6 =	simm.s32 $0x14DB8;
	s8 =	sadd.s32 $0x70, s1;
	s1 =	sadd.s32 $0x1000, s1  }
0x46d: {  	v58 =	vmov v14;
	[hbm4b:s30+s3] =	stream.linear.scatter [tilespmem:s29], [sflag:$0x8], $0x80, $0x38;
	[tilespmem:$0x19E00] =	vst v63  }
.LBB2_29:
0x46e: {  	[hbm4b:s8+s3] =	stream.linear.scatter [tilespmem:s6], [sflag:$0x8], $0x80, $0x38;
	[tilespmem:$0x19E00] =	vst v63  }
0x46f: {  	s6 =	smov.u32 s0;
	s0 =	smov.u32 s5  }
0x470: {  	s9 =	sadd.s32 $0x1100, s5;
	s0 =	sshra.s32 s0, $0x2;
	s8 =	sadd.s32 $0x14A00, s6  }
0x471: {  	[hbm4b:s1+s3] =	stream.linear.scatter [tilespmem:s8], [sflag:$0x8], $0x80, $0x38;
	[tilespmem:$0x19E00] =	vst v63  }
0x472: {  	p0 =	sne.s32 s5, $0x7700;
	s5 =	sadd.s32 $0x14A88, s6;
	s8 =	sadd.s32 $0x10, s1  }
0x473: {  	[hbm4b:s8+s3] =	stream.linear.scatter [tilespmem:s5], [sflag:$0x8], $0x80, $0x38;
	[tilespmem:$0x19E00] =	vst v63  }
0x474: {  	s5 =	sadd.s32 $0x14B10, s6;
	s8 =	sadd.s32 $0x20, s1  }
0x475: {  	[hbm4b:s8+s3] =	stream.linear.scatter [tilespmem:s5], [sflag:$0x8], $0x80, $0x38;
	[tilespmem:$0x19E00] =	vst v63  }
0x476: {  	s5 =	sadd.s32 $0x14B98, s6;
	s8 =	sadd.s32 $0x30, s1  }
0x477: {  	[hbm4b:s8+s3] =	stream.linear.scatter [tilespmem:s5], [sflag:$0x8], $0x80, $0x38;
	[tilespmem:$0x19E00] =	vst v63  }
0x478: {  	s5 =	sadd.s32 $0x14C20, s6;
	s8 =	sadd.s32 $0x40, s1  }
0x479: {  	[hbm4b:s8+s3] =	stream.linear.scatter [tilespmem:s5], [sflag:$0x8], $0x80, $0x38;
	[tilespmem:$0x19E00] =	vst v63  }
.Ltmp16:
0x47a: {  	s5 =	sadd.s32 $0x14CA8, s6;
	s8 =	sadd.s32 $0x50, s1;
	(pc) =	sbr.rel @p0 .LBB2_29-.Ltmp16, $4  }
0x47b: {  	[hbm4b:s8+s3] =	stream.linear.scatter [tilespmem:s5], [sflag:$0x8], $0x80, $0x38;
	[tilespmem:$0x19E00] =	vst v63  }
0x47c: {  	s5 =	sadd.s32 $0x14D30, s6;
	s8 =	sadd.s32 $0x60, s1;
	s6 =	sadd.s32 $0x14DB8, s6  }
0x47d: {  	[hbm4b:s8+s3] =	stream.linear.scatter [tilespmem:s5], [sflag:$0x8], $0x80, $0x38;
	[tilespmem:$0x19E00] =	vst v63  }
0x47e: {  	s8 =	sadd.s32 $0x70, s1;
	s1 =	sadd.s32 $0x1000, s1;
	s5 =	smov.u32 s9  }
0x47f: {  	v19 =	vld [tilespmem:$0x1FED0]  }
0x480: {  	[hbm4b:s8+s3] =	stream.linear.scatter [tilespmem:s6], [sflag:$0x8], $0x80, $0x38;
	v11 =	vld [tilespmem:$0x1FEA0]  }
0x481: {  	s5 =	sadd.s32 $0x14A00, s0;
	v39 =	vld [tilespmem:$0x1FEB0]  }
0x482: {  	v60 =	vld [tilespmem:$0x1FEC0];
	[hbm4b:s1+s3] =	stream.linear.scatter [tilespmem:s5], [sflag:$0x8], $0x80, $0x38  }
0x483: {  	s10 =	sadd.s32 $0x14A88, s0;
	s12 =	sadd.s32 $0x10, s1;
	v49 =	vld [tilespmem:$0x1FEE0]  }
0x484: {  	v30 =	vld [tilespmem:$0x1FEF0];
	[hbm4b:s12+s3] =	stream.linear.scatter [tilespmem:s10], [sflag:$0x8], $0x80, $0x38  }
0x485: {  	s13 =	sadd.s32 $0x14B10, s0;
	s14 =	sadd.s32 $0x20, s1;
	v24 =	vld [tilespmem:$0x1FF20]  }
0x486: {  	v20 =	vld [tilespmem:$0x1FF30];
	[hbm4b:s14+s3] =	stream.linear.scatter [tilespmem:s13], [sflag:$0x8], $0x80, $0x38  }
0x487: {  	s29 =	sadd.s32 $0x14B98, s0;
	s30 =	sadd.s32 $0x30, s1;
	v28 =	vld [tilespmem:$0x1FF40]  }
0x488: {  	v22 =	vld [tilespmem:$0x1FF50];
	[hbm4b:s30+s3] =	stream.linear.scatter [tilespmem:s29], [sflag:$0x8], $0x80, $0x38  }
0x489: {  	s8 =	sadd.s32 $0x14C20, s0;
	s9 =	sadd.s32 $0x40, s1;
	s31 =	sadd.s32 $0x1, s31;
	v26 =	vld [tilespmem:$0x1FF60]  }
0x48a: {  	v23 =	vld [tilespmem:$0x1FF70];
	[hbm4b:s9+s3] =	stream.linear.scatter [tilespmem:s8], [sflag:$0x8], $0x80, $0x38  }
0x48b: {  	v31 =	vld [tilespmem:$0x1FF80];
	p0 =	sne.s32 s31, $0x32;
	s10 =	sadd.s32 $0x14CA8, s0;
	s12 =	sadd.s32 $0x50, s1  }
0x48c: {  	v25 =	vld [tilespmem:$0x1FF90];
	[hbm4b:s12+s3] =	stream.linear.scatter [tilespmem:s10], [sflag:$0x8], $0x80, $0x38  }
.Ltmp17:
0x48d: {  	v32 =	vld [tilespmem:$0x1FFA0];
	(pc) =	sbr.rel @p0 .LBB2_2-.Ltmp17, $4  }
0x48e: {  	v51 =	vld [tilespmem:$0x1FFB0];
	s13 =	sadd.s32 $0x14D30, s0;
	s14 =	sadd.s32 $0x60, s1  }
0x48f: {  	v29 =	vld [tilespmem:$0x1FFC0];
	[hbm4b:s14+s3] =	stream.linear.scatter [tilespmem:s13], [sflag:$0x8], $0x80, $0x38  }
0x490: {  	v57 =	vld [tilespmem:$0x1FFD0];
	s29 =	sadd.s32 $0x14DB8, s0;
	s30 =	sadd.s32 $0x70, s1  }
0x491: {  	v63 =	vld [tilespmem:$0x1FFE0];
	[hbm4b:s30+s3] =	stream.linear.scatter [tilespmem:s29], [sflag:$0x8], $0x80, $0x38  }
0x492: {  	s0 =	simm.s32 $0x5  }
0x493: {  	_ =	swait.ge [sflag:s0], $0x2000  }
0x494: {  	[sflag:s0] =	ssyncset.done $0x0  }
0x495: {  	[sflag:s0] =	ssyncadd.s32 $0xFFFFE000  }
0x496: {  	_ =	swait.ge [sflag:s20], $0x2000  }
0x497: {  	[sflag:s20] =	ssyncset.done $0x0  }
0x498: {  	[sflag:s20] =	ssyncadd.s32 $0xFFFFE000  }
0x499: {  	_ =	swait.ge [sflag:s23], $0x2000  }
0x49a: {  	[sflag:s23] =	ssyncset.done $0x0  }
0x49b: {  	[sflag:s23] =	ssyncadd.s32 $0xFFFFE000  }
0x49c: {  	_ =	swait.ge [sflag:s26], $0x2000  }
0x49d: {  	s1 =	rddreg [dreg:$0x6]  }
0x49e: {  	s31 =	rddreg [dreg:$0x5];
	s1 =	sadd.s32 $0x1, s1  }
0x49f: {  	p0 =	sne.s32 s1, s31  }
.Ltmp18:
0x4a0: {  	_ = 	snop;
	(pc) =	sbr.rel @p0 .LBB2_1-.Ltmp18, $3  }
0x4a1: {  	_ =	sdelay $0x1  }
0x4a2: {  	[sflag:s26] =	ssyncset.done $0x0  }
0x4a3: {  	[sflag:s26] =	ssyncadd.s32 $0xFFFFE000  }
0x4a4: {  	_ =	sfence.sel $0x180000  }
0x4a5: {  	[bflag:$0x0] =	sbarrier.arrive $0xFFFF  }
0x4a6: {  	_ =	strace $0x90000047  }
0x4a7: {  	s0 =	stileid.u32;
	[bflag:$0x2] =	sbarrier.arrive $0xFFFF  }
0x4a8: {  	p0 =	sne.s32 s0, $0x0;
	s0 =	rddreg [dreg:$0x2]  }
0x4a9: {  	s0 =	sadd.s32 @!p0 $0x100000, s0  }
0x4aa: {  	[sflag:s0] =	ssyncadd.tile.s32 @!p0 $0x1;
	_ =	shalt  }
.Lfunc_end2:
_tile_overlayer_lowered:
.L_overlay_start_2:
0x4ab: {  	(tag) =	ssettag $0x2  }
0x4ac: {  	s0 =	rddreg [dreg:$0x0];
	s2 =	stileid.u32  }
0x4ad: {  	s1 =	rddreg [dreg:$0x1];
	p0 =	sne.s32 s2, $0x0  }
0x4ae: {  	s3 =	rddreg [dreg:$0x2];
	[bflag:$0x3] =	sbarrier.arrive $0xFFFF;
	s2 =	simm.s32 @!p0 $0x1C09  }
0x4af: {  	[timem:s3], [sflag:s2] =	dma.local @!p0 [hbm:s0], s1  }
0x4b0: {  	s0 =	simm.s32 @!p0 $0x9  }
0x4b1: {  	_ =	swait.ge @!p0 [sflag:s0], s1  }
0x4b2: {  	s1 =	ssub.s32 @!p0 $0x0, s1;
	[sflag:s0] =	ssyncset.done @!p0 $0x0  }
0x4b3: {  	[sflag:s0] =	ssyncadd.s32 @!p0 s1  }
0x4b4: {  	[bflag:$0x3] =	sbarrier.arrive $0xFFFF  }
0x4b5: {  	_ =	shalt  }

</sc_bundles>
